<compile_context>
chip_gen: v7x
topology: tpu7x:2x2x1
jax: 0.10.2.dev20260603
libtpu: 0.0.44.dev20260713+nightly
codegen_flags: <defaults>
</compile_context>

<pallas_src>
import functools

import jax
import jax.numpy as jnp
from jax import lax
from jax.experimental import pallas as pl
from jax.experimental.pallas import tpu as pltpu
from jax.experimental.pallas import tpu_sc as plsc

N_NODES = 10000
N_PAD = 10240
D_FEAT = 256
QUADS = D_FEAT // 4
L = 16
NC = 2
NS = 16
NW = NC * NS
C = 128
F8 = jnp.float8_e4m3fn


def _normalize_tc(z):

    def body(z_ref, o_ref):
        x = z_ref[...]
        xn = x * lax.rsqrt(jnp.sum(x * x, axis=1, keepdims=True))
        b = lax.bitcast_convert_type(xn.astype(F8), jnp.uint8
                                     ).astype(jnp.int32)
        Q = QUADS
        w = (b[:, 0:Q] | (b[:, Q:2 * Q] << 8) | (b[:, 2 * Q:3 * Q] << 16)
             | (b[:, 3 * Q:4 * Q] << 24))
        o_ref[pl.ds(0, N_NODES), :] = w

    return pl.pallas_call(
        body,
        out_shape=jax.ShapeDtypeStruct((N_PAD, QUADS), jnp.int32),
    )(z)


def _vsqrt(s):
    i = plsc.bitcast(s, jnp.int32)
    y = plsc.bitcast(jnp.int32(0x5F3759DF) - lax.shift_right_arithmetic(i, 1),
                     jnp.float32)
    for _ in range(3):
        y = y * (1.5 - 0.5 * s * y * y)
    return s * y


def _make_sc_kernel(n_edges):
    assert n_edges % (2 * C) == 0
    pairs_total = n_edges // (2 * C)
    ppw = -(-pairs_total // NW)
    last_pairs = pairs_total - (NW - 1) * ppw
    assert last_pairs > 0
    epw_full = ppw * 2 * C
    epw_last = last_pairs * 2 * C

    mesh = plsc.VectorSubcoreMesh(
        core_axis_name="c", subcore_axis_name="s",
        num_cores=NC, num_subcores=NS)

    @functools.partial(
        pl.kernel,
        mesh=mesh,
        compiler_params=pltpu.CompilerParams(use_tc_tiling_on_sc=False,
                                             needs_layout_passes=False),
        out_type=jax.ShapeDtypeStruct((n_edges,), jnp.float32),
        scratch_types=[
            pltpu.VMEM_SHARED((N_PAD, QUADS), jnp.int32),
            pltpu.VMEM((epw_full,), jnp.int32),
            pltpu.VMEM((epw_full,), jnp.int32),
            pltpu.VMEM((C, QUADS), jnp.int32),
            pltpu.VMEM((C, QUADS), jnp.int32),
            pltpu.VMEM((C, QUADS), jnp.int32),
            pltpu.VMEM((C, QUADS), jnp.int32),
            pltpu.VMEM((C,), jnp.float32),
            pltpu.VMEM((C,), jnp.float32),
            pltpu.SemaphoreType.DMA, pltpu.SemaphoreType.DMA,
            pltpu.SemaphoreType.DMA, pltpu.SemaphoreType.DMA,
            pltpu.SemaphoreType.DMA, pltpu.SemaphoreType.DMA,
            pltpu.SemaphoreType.DMA,
        ],
    )
    def sc_kernel(zpk_hbm, ei_hbm, out_hbm,
                  ztab, src_all, dst_all, a0, a1, b0, b1, o0, o1,
                  sa0, sa1, sb0, sb1, so0, so1, s_st):
        sid = lax.axis_index("s")
        wid = sid * NC + lax.axis_index("c")
        wbase = wid * epw_full
        mypairs = jnp.minimum(ppw, pairs_total - wid * ppw)
        nchunk = 2 * mypairs
        avs = (a0, a1)
        bvs = (b0, b1)
        outs = (o0, o1)
        sas = (sa0, sa1)
        sbs = (sb0, sb1)
        sos = (so0, so1)

        rpt = N_PAD // NS
        pltpu.async_copy(zpk_hbm.at[pl.ds(sid * rpt, rpt)],
                         ztab.at[pl.ds(sid * rpt, rpt)], s_st)

        @pl.when(wid < NW - 1)
        def _():
            pltpu.sync_copy(ei_hbm.at[0, pl.ds(wbase, epw_full)], src_all)
            pltpu.sync_copy(ei_hbm.at[1, pl.ds(wbase, epw_full)], dst_all)

        @pl.when(wid == NW - 1)
        def _():
            pltpu.sync_copy(ei_hbm.at[0, pl.ds(wbase, epw_last)],
                            src_all.at[pl.ds(0, epw_last)])
            pltpu.sync_copy(ei_hbm.at[1, pl.ds(wbase, epw_last)],
                            dst_all.at[pl.ds(0, epw_last)])

        K = 8

        def start_gather(c, p):
            off = c * C

            @pl.when(c < K)
            def _():
                pltpu.async_copy(
                    zpk_hbm.at[src_all.at[pl.ds(off, C)]], avs[p], sas[p])
                pltpu.async_copy(
                    zpk_hbm.at[dst_all.at[pl.ds(off, C)]], bvs[p], sbs[p])

            @pl.when(c >= K)
            def _():
                pltpu.async_copy(
                    ztab.at[src_all.at[pl.ds(off, C)]], avs[p], sas[p])
                pltpu.async_copy(
                    ztab.at[dst_all.at[pl.ds(off, C)]], bvs[p], sbs[p])

        def wait_gather(c, p):
            off = c * C

            @pl.when(c < K)
            def _():
                pltpu.make_async_copy(
                    zpk_hbm.at[src_all.at[pl.ds(off, C)]],
                    avs[p], sas[p]).wait()
                pltpu.make_async_copy(
                    zpk_hbm.at[dst_all.at[pl.ds(off, C)]],
                    bvs[p], sbs[p]).wait()

            @pl.when(c >= K)
            def _():
                pltpu.make_async_copy(
                    ztab.at[src_all.at[pl.ds(off, C)]],
                    avs[p], sas[p]).wait()
                pltpu.make_async_copy(
                    ztab.at[dst_all.at[pl.ds(off, C)]],
                    bvs[p], sbs[p]).wait()

        lane = lax.iota(jnp.int32, L)

        def compute(c, p):
            a_ref, b_ref = avs[p], bvs[p]
            out_v = outs[p]

            def gbody(g, _):
                eids = g * L + lane

                def obody(o, carry):
                    lo, hi = carry
                    acc0 = None
                    acc1 = None
                    for k in range(8):
                        qv = (o * 8 + k + lane) & (QUADS - 1)
                        ai = plsc.load_gather(a_ref, [eids, qv])
                        bi = plsc.load_gather(b_ref, [eids, qv])
                        a0, a1 = plsc.unpack(
                            plsc.bitcast(ai, F8),
                            format=plsc.PackFormat.INTERLEAVED,
                            preferred_element_type=jnp.bfloat16)
                        b0, b1 = plsc.unpack(
                            plsc.bitcast(bi, F8),
                            format=plsc.PackFormat.INTERLEAVED,
                            preferred_element_type=jnp.bfloat16)
                        p0 = a0 * b0
                        p1 = a1 * b1
                        acc0 = p0 if acc0 is None else acc0 + p0
                        acc1 = p1 if acc1 is None else acc1 + p1
                    dlo, dhi = plsc.unpack(
                        acc0 + acc1, format=plsc.PackFormat.INTERLEAVED)
                    return lo + dlo, hi + dhi

                z16 = jnp.zeros((L,), jnp.float32)
                lo, hi = lax.fori_loop(0, QUADS // 8, obody, (z16, z16),
                                       unroll=2)
                s = jnp.maximum(2.0 - 2.0 * (lo + hi), 0.0)
                dist = _vsqrt(s)
                out_v[pl.ds(g * L, L)] = 1.0 / (1.0 + jnp.exp(dist - 1.0))
                return 0

            lax.fori_loop(0, C // L, gbody, 0, unroll=False)
            pltpu.async_copy(out_v, out_hbm.at[pl.ds(wbase + c * C, C)],
                             sos[p])

        def wait_out(c, p):
            pltpu.make_async_copy(
                outs[p], out_hbm.at[pl.ds(wbase + c * C, C)], sos[p]).wait()

        start_gather(0, 0)

        def pair_body(t, _):
            for parity in (0, 1):
                c = 2 * t + parity
                nxt = 1 - parity

                wait_gather(c, parity)

                @pl.when(c + 1 == K)
                def _():
                    pltpu.make_async_copy(
                        zpk_hbm.at[pl.ds(sid * rpt, rpt)],
                        ztab.at[pl.ds(sid * rpt, rpt)], s_st).wait()
                    plsc.subcore_barrier()

                @pl.when(c + 1 < nchunk)
                def _():
                    start_gather(c + 1, nxt)

                @pl.when(c >= 2)
                def _():
                    wait_out(c - 2, parity)

                compute(c, parity)
            return 0

        lax.fori_loop(0, mypairs, pair_body, 0, unroll=False)
        wait_out(nchunk - 2, 0)
        wait_out(nchunk - 1, 1)

    return sc_kernel


_SC_KERNEL_CACHE = {}


def kernel(z, edge_index):
    zpk = _normalize_tc(z)
    n_edges = edge_index.shape[1]
    if n_edges not in _SC_KERNEL_CACHE:
        _SC_KERNEL_CACHE[n_edges] = _make_sc_kernel(n_edges)
    return _SC_KERNEL_CACHE[n_edges](zpk, edge_index)

# --- scband reference (transcript-rebuilt; emitter-appended) ---
"""Pipeline reference for scband-euclidean-distance-hash-decoder-46694884442217 (READ-ONLY COPY).

The authoritative reference and input builder live on the scoring server;
editing this copy changes nothing except your own understanding.
"""

import jax, jax.numpy as jnp
import numpy as np

N_NODES = 10000
D_FEAT = 256
N_EDGES = 160000


def setup_inputs(seed: int = 0) -> dict:
    key = jax.random.key(seed)
    k1, k2 = jax.random.split(key)
    z = jax.random.normal(k1, (N_NODES, D_FEAT), dtype=jnp.float32)
    edge_index = jax.random.randint(k2, (2, N_EDGES), 0, N_NODES, dtype=jnp.int32)
    return {"z": z, "edge_index": edge_index}


def reference(z, edge_index):
    # gather endpoint embeddings for each edge
    a = jnp.take(z, edge_index[0], axis=0)
    b = jnp.take(z, edge_index[1], axis=0)
    # _norm_batch: normalize each row to unit L2 norm
    a = a / jnp.linalg.norm(a, axis=1)[:, None]
    b = b / jnp.linalg.norm(b, axis=1)[:, None]
    # F.pairwise_distance(a, b, p=2) with default eps=1e-6: ||a - b + eps||_2
    distance = jnp.linalg.norm(a - b + 1e-6, axis=1)
    value = 1.0 - distance
    # default sigmoid=True path
    return jax.nn.sigmoid(value)

if __name__ == "__main__":
    import jax
    _d = setup_inputs()
    print(jax.jit(kernel)(*tuple(_d.values())))

</pallas_src>

<mosaic_0001>
#map = affine_map<(d0, d1) -> (0, 0)>
#map1 = affine_map<(d0, d1) -> (0)>
module attributes {stable_mosaic.version = 14 : i64} {
  func.func @sc_kernel(%arg0: i32, %arg1: i32, %arg2: memref<10240x64xi32, #tpu.memory_space<hbm>>, %arg3: memref<2x160000xi32, #tpu.memory_space<hbm>>, %arg4: memref<160000xf32, #tpu.memory_space<hbm>>, %arg5: memref<10240x64xi32, #tpu.memory_space<vmem_shared>>, %arg6: memref<5120xi32, #tpu.memory_space<vmem>>, %arg7: memref<5120xi32, #tpu.memory_space<vmem>>, %arg8: memref<128x64xi32, #tpu.memory_space<vmem>>, %arg9: memref<128x64xi32, #tpu.memory_space<vmem>>, %arg10: memref<128x64xi32, #tpu.memory_space<vmem>>, %arg11: memref<128x64xi32, #tpu.memory_space<vmem>>, %arg12: memref<128xf32, #tpu.memory_space<vmem>>, %arg13: memref<128xf32, #tpu.memory_space<vmem>>, %arg14: memref<!tpu.dma_semaphore, #tpu.memory_space<semaphore_mem>>, %arg15: memref<!tpu.dma_semaphore, #tpu.memory_space<semaphore_mem>>, %arg16: memref<!tpu.dma_semaphore, #tpu.memory_space<semaphore_mem>>, %arg17: memref<!tpu.dma_semaphore, #tpu.memory_space<semaphore_mem>>, %arg18: memref<!tpu.dma_semaphore, #tpu.memory_space<semaphore_mem>>, %arg19: memref<!tpu.dma_semaphore, #tpu.memory_space<semaphore_mem>>, %arg20: memref<!tpu.dma_semaphore, #tpu.memory_space<semaphore_mem>>) attributes {dimension_semantics = [#tpu.dimension_semantics<core_parallel>, #tpu.dimension_semantics<subcore_parallel>], iteration_bounds = array<i64: 2, 16>, scalar_prefetch = 0 : i64, scratch_operands = 16 : i64, tpu.core_type = #tpu.core_type<sc_vector_subcore>, window_params = [{transform_indices = #map}, {transform_indices = #map}, {transform_indices = #map1}]} {
    %mul3A = arith.constant 2 : i32
    %mul3A_0 = arith.muli %arg1, %mul3A : i32
    %add3A = arith.addi %mul3A_0, %arg0 : i32
    %mul3A_1 = arith.constant 5120 : i32
    %mul3A_2 = arith.muli %add3A, %mul3A_1 : i32
    %mul3A_3 = arith.constant 20 : i32
    %mul3A_4 = arith.muli %add3A, %mul3A_3 : i32
    %sub3A = arith.constant 625 : i32
    %sub3A_5 = arith.subi %sub3A, %mul3A_4 : i32
    %min3A = arith.constant 20 : i32
    %min3A_6 = arith.minsi %min3A, %sub3A_5 : i32
    %mul3A_7 = arith.constant 2 : i32
    %mul3A_8 = arith.muli %mul3A_7, %min3A_6 : i32
    %mul3A_9 = arith.constant 640 : i32
    %mul3A_10 = arith.muli %arg1, %mul3A_9 : i32
    %mul3A_11 = arith.constant 640 : i32
    %mul3A_12 = arith.muli %arg1, %mul3A_11 : i32
    %dma_start3A = arith.constant 0 : i32
    %dma_start3A_13 = tpu.memref_slice %arg5[%mul3A_12, %dma_start3A] : memref<10240x64xi32, #tpu.memory_space<vmem_shared>> -> memref<640x64xi32, #tpu.memory_space<vmem_shared>>
    %dma_start3A_14 = arith.constant 0 : i32
    %dma_start3A_15 = tpu.memref_slice %arg2[%mul3A_10, %dma_start3A_14] : memref<10240x64xi32, #tpu.memory_space<hbm>> -> memref<640x64xi32, #tpu.memory_space<hbm>>
    tpu.enqueue_dma source(%dma_start3A_15 : memref<640x64xi32, #tpu.memory_space<hbm>>) target(%dma_start3A_13 : memref<640x64xi32, #tpu.memory_space<vmem_shared>>) target_semaphore(%arg20 : memref<!tpu.dma_semaphore, #tpu.memory_space<semaphore_mem>>)
    %lt3A = arith.constant 31 : i32
    %lt3A_16 = arith.cmpi slt, %add3A, %lt3A : i32
    %convert_element_type3A = arith.extui %lt3A_16 : i1 to i32
    %cond3A = arith.constant 0 : i32
    %cond3A_17 = arith.cmpi ne, %convert_element_type3A, %cond3A : i32
    scf.if %cond3A_17 {
      %run_scoped3A = arith.constant 0 : i32
      "tpu.region"() ({
        %run_scoped3A_57 = tpu.sem_alloc : memref<!tpu.dma_semaphore, #tpu.memory_space<semaphore_mem>>
        %dma_start3A_58 = tpu.memref_slice %arg3[%run_scoped3A, %mul3A_2] : memref<2x160000xi32, #tpu.memory_space<hbm>> -> memref<1x5120xi32, #tpu.memory_space<hbm>>
        %dma_start3A_59 = tpu.memref_squeeze %dma_start3A_58 : memref<1x5120xi32, #tpu.memory_space<hbm>> -> memref<5120xi32, #tpu.memory_space<hbm>>
        %dma_start3A_60 = tpu.memref_slice %arg3[%run_scoped3A, %mul3A_2] : memref<2x160000xi32, #tpu.memory_space<hbm>> -> memref<1x5120xi32, #tpu.memory_space<hbm>>
        %dma_start3A_61 = tpu.memref_squeeze %dma_start3A_60 : memref<1x5120xi32, #tpu.memory_space<hbm>> -> memref<5120xi32, #tpu.memory_space<hbm>>
        tpu.enqueue_dma source(%dma_start3A_61 : memref<5120xi32, #tpu.memory_space<hbm>>) target(%arg6 : memref<5120xi32, #tpu.memory_space<vmem>>) target_semaphore(%run_scoped3A_57 : memref<!tpu.dma_semaphore, #tpu.memory_space<semaphore_mem>>)
        %dma_wait3A_62 = tpu.memref_slice %arg3[%run_scoped3A, %mul3A_2] : memref<2x160000xi32, #tpu.memory_space<hbm>> -> memref<1x5120xi32, #tpu.memory_space<hbm>>
        %dma_wait3A_63 = tpu.memref_squeeze %dma_wait3A_62 : memref<1x5120xi32, #tpu.memory_space<hbm>> -> memref<5120xi32, #tpu.memory_space<hbm>>
        %dma_wait3A_64 = tpu.memref_slice %arg3[%run_scoped3A, %mul3A_2] : memref<2x160000xi32, #tpu.memory_space<hbm>> -> memref<1x5120xi32, #tpu.memory_space<hbm>>
        %dma_wait3A_65 = tpu.memref_squeeze %dma_wait3A_64 : memref<1x5120xi32, #tpu.memory_space<hbm>> -> memref<5120xi32, #tpu.memory_space<hbm>>
        tpu.wait_dma2 semaphore(%run_scoped3A_57 : memref<!tpu.dma_semaphore, #tpu.memory_space<semaphore_mem>>) src(%dma_wait3A_65 : memref<5120xi32, #tpu.memory_space<hbm>>) dst(%arg6 : memref<5120xi32, #tpu.memory_space<vmem>>)
        tpu.yield
      }) : () -> ()
      %run_scoped3A_56 = arith.constant 1 : i32
      "tpu.region"() ({
        %run_scoped3A_57 = tpu.sem_alloc : memref<!tpu.dma_semaphore, #tpu.memory_space<semaphore_mem>>
        %dma_start3A_58 = tpu.memref_slice %arg3[%run_scoped3A_56, %mul3A_2] : memref<2x160000xi32, #tpu.memory_space<hbm>> -> memref<1x5120xi32, #tpu.memory_space<hbm>>
        %dma_start3A_59 = tpu.memref_squeeze %dma_start3A_58 : memref<1x5120xi32, #tpu.memory_space<hbm>> -> memref<5120xi32, #tpu.memory_space<hbm>>
        %dma_start3A_60 = tpu.memref_slice %arg3[%run_scoped3A_56, %mul3A_2] : memref<2x160000xi32, #tpu.memory_space<hbm>> -> memref<1x5120xi32, #tpu.memory_space<hbm>>
        %dma_start3A_61 = tpu.memref_squeeze %dma_start3A_60 : memref<1x5120xi32, #tpu.memory_space<hbm>> -> memref<5120xi32, #tpu.memory_space<hbm>>
        tpu.enqueue_dma source(%dma_start3A_61 : memref<5120xi32, #tpu.memory_space<hbm>>) target(%arg7 : memref<5120xi32, #tpu.memory_space<vmem>>) target_semaphore(%run_scoped3A_57 : memref<!tpu.dma_semaphore, #tpu.memory_space<semaphore_mem>>)
        %dma_wait3A_62 = tpu.memref_slice %arg3[%run_scoped3A_56, %mul3A_2] : memref<2x160000xi32, #tpu.memory_space<hbm>> -> memref<1x5120xi32, #tpu.memory_space<hbm>>
        %dma_wait3A_63 = tpu.memref_squeeze %dma_wait3A_62 : memref<1x5120xi32, #tpu.memory_space<hbm>> -> memref<5120xi32, #tpu.memory_space<hbm>>
        %dma_wait3A_64 = tpu.memref_slice %arg3[%run_scoped3A_56, %mul3A_2] : memref<2x160000xi32, #tpu.memory_space<hbm>> -> memref<1x5120xi32, #tpu.memory_space<hbm>>
        %dma_wait3A_65 = tpu.memref_squeeze %dma_wait3A_64 : memref<1x5120xi32, #tpu.memory_space<hbm>> -> memref<5120xi32, #tpu.memory_space<hbm>>
        tpu.wait_dma2 semaphore(%run_scoped3A_57 : memref<!tpu.dma_semaphore, #tpu.memory_space<semaphore_mem>>) src(%dma_wait3A_65 : memref<5120xi32, #tpu.memory_space<hbm>>) dst(%arg7 : memref<5120xi32, #tpu.memory_space<vmem>>)
        tpu.yield
      }) : () -> ()
    } else {
    }
    %eq3A = arith.constant 31 : i32
    %eq3A_18 = arith.cmpi eq, %add3A, %eq3A : i32
    %convert_element_type3A_19 = arith.extui %eq3A_18 : i1 to i32
    %cond3A_20 = arith.constant 0 : i32
    %cond3A_21 = arith.cmpi ne, %convert_element_type3A_19, %cond3A_20 : i32
    scf.if %cond3A_21 {
      %run_scoped3A = arith.constant 0 : i32
      "tpu.region"() ({
        %run_scoped3A_57 = tpu.sem_alloc : memref<!tpu.dma_semaphore, #tpu.memory_space<semaphore_mem>>
        %dma_start3A_58 = arith.constant 0 : i32
        %dma_start3A_59 = tpu.memref_slice %arg6[%dma_start3A_58] : memref<5120xi32, #tpu.memory_space<vmem>> -> memref<1280xi32, #tpu.memory_space<vmem>>
        %dma_start3A_60 = tpu.memref_slice %arg3[%run_scoped3A, %mul3A_2] : memref<2x160000xi32, #tpu.memory_space<hbm>> -> memref<1x1280xi32, #tpu.memory_space<hbm>>
        %dma_start3A_61 = tpu.memref_squeeze %dma_start3A_60 : memref<1x1280xi32, #tpu.memory_space<hbm>> -> memref<1280xi32, #tpu.memory_space<hbm>>
        %dma_start3A_62 = arith.constant 0 : i32
        %dma_start3A_63 = tpu.memref_slice %arg6[%dma_start3A_62] : memref<5120xi32, #tpu.memory_space<vmem>> -> memref<1280xi32, #tpu.memory_space<vmem>>
        %dma_start3A_64 = tpu.memref_slice %arg3[%run_scoped3A, %mul3A_2] : memref<2x160000xi32, #tpu.memory_space<hbm>> -> memref<1x1280xi32, #tpu.memory_space<hbm>>
        %dma_start3A_65 = tpu.memref_squeeze %dma_start3A_64 : memref<1x1280xi32, #tpu.memory_space<hbm>> -> memref<1280xi32, #tpu.memory_space<hbm>>
        tpu.enqueue_dma source(%dma_start3A_65 : memref<1280xi32, #tpu.memory_space<hbm>>) target(%dma_start3A_63 : memref<1280xi32, #tpu.memory_space<vmem>>) target_semaphore(%run_scoped3A_57 : memref<!tpu.dma_semaphore, #tpu.memory_space<semaphore_mem>>)
        %dma_wait3A_66 = arith.constant 0 : i32
        %dma_wait3A_67 = tpu.memref_slice %arg6[%dma_wait3A_66] : memref<5120xi32, #tpu.memory_space<vmem>> -> memref<1280xi32, #tpu.memory_space<vmem>>
        %dma_wait3A_68 = tpu.memref_slice %arg3[%run_scoped3A, %mul3A_2] : memref<2x160000xi32, #tpu.memory_space<hbm>> -> memref<1x1280xi32, #tpu.memory_space<hbm>>
        %dma_wait3A_69 = tpu.memref_squeeze %dma_wait3A_68 : memref<1x1280xi32, #tpu.memory_space<hbm>> -> memref<1280xi32, #tpu.memory_space<hbm>>
        %dma_wait3A_70 = arith.constant 0 : i32
        %dma_wait3A_71 = tpu.memref_slice %arg6[%dma_wait3A_70] : memref<5120xi32, #tpu.memory_space<vmem>> -> memref<1280xi32, #tpu.memory_space<vmem>>
        %dma_wait3A_72 = tpu.memref_slice %arg3[%run_scoped3A, %mul3A_2] : memref<2x160000xi32, #tpu.memory_space<hbm>> -> memref<1x1280xi32, #tpu.memory_space<hbm>>
        %dma_wait3A_73 = tpu.memref_squeeze %dma_wait3A_72 : memref<1x1280xi32, #tpu.memory_space<hbm>> -> memref<1280xi32, #tpu.memory_space<hbm>>
        tpu.wait_dma2 semaphore(%run_scoped3A_57 : memref<!tpu.dma_semaphore, #tpu.memory_space<semaphore_mem>>) src(%dma_wait3A_73 : memref<1280xi32, #tpu.memory_space<hbm>>) dst(%dma_wait3A_71 : memref<1280xi32, #tpu.memory_space<vmem>>)
        tpu.yield
      }) : () -> ()
      %run_scoped3A_56 = arith.constant 1 : i32
      "tpu.region"() ({
        %run_scoped3A_57 = tpu.sem_alloc : memref<!tpu.dma_semaphore, #tpu.memory_space<semaphore_mem>>
        %dma_start3A_58 = arith.constant 0 : i32
        %dma_start3A_59 = tpu.memref_slice %arg7[%dma_start3A_58] : memref<5120xi32, #tpu.memory_space<vmem>> -> memref<1280xi32, #tpu.memory_space<vmem>>
        %dma_start3A_60 = tpu.memref_slice %arg3[%run_scoped3A_56, %mul3A_2] : memref<2x160000xi32, #tpu.memory_space<hbm>> -> memref<1x1280xi32, #tpu.memory_space<hbm>>
        %dma_start3A_61 = tpu.memref_squeeze %dma_start3A_60 : memref<1x1280xi32, #tpu.memory_space<hbm>> -> memref<1280xi32, #tpu.memory_space<hbm>>
        %dma_start3A_62 = arith.constant 0 : i32
        %dma_start3A_63 = tpu.memref_slice %arg7[%dma_start3A_62] : memref<5120xi32, #tpu.memory_space<vmem>> -> memref<1280xi32, #tpu.memory_space<vmem>>
        %dma_start3A_64 = tpu.memref_slice %arg3[%run_scoped3A_56, %mul3A_2] : memref<2x160000xi32, #tpu.memory_space<hbm>> -> memref<1x1280xi32, #tpu.memory_space<hbm>>
        %dma_start3A_65 = tpu.memref_squeeze %dma_start3A_64 : memref<1x1280xi32, #tpu.memory_space<hbm>> -> memref<1280xi32, #tpu.memory_space<hbm>>
        tpu.enqueue_dma source(%dma_start3A_65 : memref<1280xi32, #tpu.memory_space<hbm>>) target(%dma_start3A_63 : memref<1280xi32, #tpu.memory_space<vmem>>) target_semaphore(%run_scoped3A_57 : memref<!tpu.dma_semaphore, #tpu.memory_space<semaphore_mem>>)
        %dma_wait3A_66 = arith.constant 0 : i32
        %dma_wait3A_67 = tpu.memref_slice %arg7[%dma_wait3A_66] : memref<5120xi32, #tpu.memory_space<vmem>> -> memref<1280xi32, #tpu.memory_space<vmem>>
        %dma_wait3A_68 = tpu.memref_slice %arg3[%run_scoped3A_56, %mul3A_2] : memref<2x160000xi32, #tpu.memory_space<hbm>> -> memref<1x1280xi32, #tpu.memory_space<hbm>>
        %dma_wait3A_69 = tpu.memref_squeeze %dma_wait3A_68 : memref<1x1280xi32, #tpu.memory_space<hbm>> -> memref<1280xi32, #tpu.memory_space<hbm>>
        %dma_wait3A_70 = arith.constant 0 : i32
        %dma_wait3A_71 = tpu.memref_slice %arg7[%dma_wait3A_70] : memref<5120xi32, #tpu.memory_space<vmem>> -> memref<1280xi32, #tpu.memory_space<vmem>>
        %dma_wait3A_72 = tpu.memref_slice %arg3[%run_scoped3A_56, %mul3A_2] : memref<2x160000xi32, #tpu.memory_space<hbm>> -> memref<1x1280xi32, #tpu.memory_space<hbm>>
        %dma_wait3A_73 = tpu.memref_squeeze %dma_wait3A_72 : memref<1x1280xi32, #tpu.memory_space<hbm>> -> memref<1280xi32, #tpu.memory_space<hbm>>
        tpu.wait_dma2 semaphore(%run_scoped3A_57 : memref<!tpu.dma_semaphore, #tpu.memory_space<semaphore_mem>>) src(%dma_wait3A_73 : memref<1280xi32, #tpu.memory_space<hbm>>) dst(%dma_wait3A_71 : memref<1280xi32, #tpu.memory_space<vmem>>)
        tpu.yield
      }) : () -> ()
    } else {
    }
    %iota3A = tpu.iota {dimensions = array<i32: 0>} : vector<16xi32>
    %dma_start3A_22 = arith.constant 0 : i32
    %dma_start3A_23 = tpu.memref_slice %arg6[%dma_start3A_22] : memref<5120xi32, #tpu.memory_space<vmem>> -> memref<128xi32, #tpu.memory_space<vmem>>
    %dma_start3A_24 = arith.constant 0 : i32
    %dma_start3A_25 = arith.constant 0 : i32
    %dma_start3A_26 = tpu.memref_slice %arg2[%dma_start3A_24, %dma_start3A_25] : memref<10240x64xi32, #tpu.memory_space<hbm>> -> memref<10240x64xi32, #tpu.memory_space<hbm>>
    tpu.enqueue_indirect_dma source(%dma_start3A_26 : memref<10240x64xi32, #tpu.memory_space<hbm>>) target(%arg8 : memref<128x64xi32, #tpu.memory_space<vmem>>) offsets(%dma_start3A_23 : memref<128xi32, #tpu.memory_space<vmem>>) semaphore(%arg14 : memref<!tpu.dma_semaphore, #tpu.memory_space<semaphore_mem>>)
    %dma_start3A_27 = arith.constant 0 : i32
    %dma_start3A_28 = tpu.memref_slice %arg7[%dma_start3A_27] : memref<5120xi32, #tpu.memory_space<vmem>> -> memref<128xi32, #tpu.memory_space<vmem>>
    %dma_start3A_29 = arith.constant 0 : i32
    %dma_start3A_30 = arith.constant 0 : i32
    %dma_start3A_31 = tpu.memref_slice %arg2[%dma_start3A_29, %dma_start3A_30] : memref<10240x64xi32, #tpu.memory_space<hbm>> -> memref<10240x64xi32, #tpu.memory_space<hbm>>
    tpu.enqueue_indirect_dma source(%dma_start3A_31 : memref<10240x64xi32, #tpu.memory_space<hbm>>) target(%arg10 : memref<128x64xi32, #tpu.memory_space<vmem>>) offsets(%dma_start3A_28 : memref<128xi32, #tpu.memory_space<vmem>>) semaphore(%arg16 : memref<!tpu.dma_semaphore, #tpu.memory_space<semaphore_mem>>)
    %while3A = arith.constant 0 : i32
    %while3A_32 = arith.constant 0 : i32
    %while3A_33 = arith.subi %min3A_6, %while3A : i32
    %while3A_34 = arith.addi %while3A, %while3A_33 : i32
    %while3A_35 = arith.constant 1 : i32
    %while3A_36 = arith.divsi %while3A_33, %while3A_35 : i32
    %while3A_37 = arith.muli %while3A_36, %while3A_35 : i32
    %while3A_38 = arith.addi %while3A, %while3A_37 : i32
    %while3A_39 = arith.constant 1 : i32
    %while3A_40 = scf.for %while3A_56 = %while3A to %while3A_38 step %while3A_39 iter_args(%while3A_57 = %while3A_32) -> (i32)  : i32 {
      %mul3A_58 = arith.constant 2 : i32
      %mul3A_59 = arith.muli %mul3A_58, %while3A_56 : i32
      %add3A_60 = arith.constant 0 : i32
      %add3A_61 = arith.addi %mul3A_59, %add3A_60 : i32
      %mul3A_62 = arith.constant 128 : i32
      %mul3A_63 = arith.muli %add3A_61, %mul3A_62 : i32
      %lt3A_64 = arith.constant 8 : i32
      %lt3A_65 = arith.cmpi slt, %add3A_61, %lt3A_64 : i32
      %convert_element_type3A_66 = arith.extui %lt3A_65 : i1 to i32
      %cond3A_67 = arith.constant 0 : i32
      %cond3A_68 = arith.cmpi ne, %convert_element_type3A_66, %cond3A_67 : i32
      scf.if %cond3A_68 {
        %dma_wait3A_149 = tpu.memref_slice %arg6[%mul3A_63] : memref<5120xi32, #tpu.memory_space<vmem>> -> memref<128xi32, #tpu.memory_space<vmem>>
        %dma_wait3A_150 = arith.constant 0 : i32
        %dma_wait3A_151 = arith.constant 0 : i32
        %dma_wait3A_152 = tpu.memref_slice %arg2[%dma_wait3A_150, %dma_wait3A_151] : memref<10240x64xi32, #tpu.memory_space<hbm>> -> memref<10240x64xi32, #tpu.memory_space<hbm>>
        tpu.wait_indirect_dma semaphore(%arg14 : memref<!tpu.dma_semaphore, #tpu.memory_space<semaphore_mem>>) src(%dma_wait3A_152 : memref<10240x64xi32, #tpu.memory_space<hbm>>) dst(%arg8 : memref<128x64xi32, #tpu.memory_space<vmem>>)
        %dma_wait3A_153 = tpu.memref_slice %arg7[%mul3A_63] : memref<5120xi32, #tpu.memory_space<vmem>> -> memref<128xi32, #tpu.memory_space<vmem>>
        %dma_wait3A_154 = arith.constant 0 : i32
        %dma_wait3A_155 = arith.constant 0 : i32
        %dma_wait3A_156 = tpu.memref_slice %arg2[%dma_wait3A_154, %dma_wait3A_155] : memref<10240x64xi32, #tpu.memory_space<hbm>> -> memref<10240x64xi32, #tpu.memory_space<hbm>>
        tpu.wait_indirect_dma semaphore(%arg16 : memref<!tpu.dma_semaphore, #tpu.memory_space<semaphore_mem>>) src(%dma_wait3A_156 : memref<10240x64xi32, #tpu.memory_space<hbm>>) dst(%arg10 : memref<128x64xi32, #tpu.memory_space<vmem>>)
      } else {
      }
      %ge3A = arith.constant 8 : i32
      %ge3A_69 = arith.cmpi sge, %add3A_61, %ge3A : i32
      %convert_element_type3A_70 = arith.extui %ge3A_69 : i1 to i32
      %cond3A_71 = arith.constant 0 : i32
      %cond3A_72 = arith.cmpi ne, %convert_element_type3A_70, %cond3A_71 : i32
      scf.if %cond3A_72 {
        %dma_wait3A_149 = tpu.memref_slice %arg6[%mul3A_63] : memref<5120xi32, #tpu.memory_space<vmem>> -> memref<128xi32, #tpu.memory_space<vmem>>
        %dma_wait3A_150 = arith.constant 0 : i32
        %dma_wait3A_151 = arith.constant 0 : i32
        %dma_wait3A_152 = tpu.memref_slice %arg5[%dma_wait3A_150, %dma_wait3A_151] : memref<10240x64xi32, #tpu.memory_space<vmem_shared>> -> memref<10240x64xi32, #tpu.memory_space<vmem_shared>>
        tpu.wait_indirect_dma semaphore(%arg14 : memref<!tpu.dma_semaphore, #tpu.memory_space<semaphore_mem>>) src(%dma_wait3A_152 : memref<10240x64xi32, #tpu.memory_space<vmem_shared>>) dst(%arg8 : memref<128x64xi32, #tpu.memory_space<vmem>>)
        %dma_wait3A_153 = tpu.memref_slice %arg7[%mul3A_63] : memref<5120xi32, #tpu.memory_space<vmem>> -> memref<128xi32, #tpu.memory_space<vmem>>
        %dma_wait3A_154 = arith.constant 0 : i32
        %dma_wait3A_155 = arith.constant 0 : i32
        %dma_wait3A_156 = tpu.memref_slice %arg5[%dma_wait3A_154, %dma_wait3A_155] : memref<10240x64xi32, #tpu.memory_space<vmem_shared>> -> memref<10240x64xi32, #tpu.memory_space<vmem_shared>>
        tpu.wait_indirect_dma semaphore(%arg16 : memref<!tpu.dma_semaphore, #tpu.memory_space<semaphore_mem>>) src(%dma_wait3A_156 : memref<10240x64xi32, #tpu.memory_space<vmem_shared>>) dst(%arg10 : memref<128x64xi32, #tpu.memory_space<vmem>>)
      } else {
      }
      %add3A_73 = arith.constant 1 : i32
      %add3A_74 = arith.addi %add3A_61, %add3A_73 : i32
      %eq3A_75 = arith.constant 8 : i32
      %eq3A_76 = arith.cmpi eq, %add3A_74, %eq3A_75 : i32
      %convert_element_type3A_77 = arith.extui %eq3A_76 : i1 to i32
      %cond3A_78 = arith.constant 0 : i32
      %cond3A_79 = arith.cmpi ne, %convert_element_type3A_77, %cond3A_78 : i32
      scf.if %cond3A_79 {
        %mul3A_149 = arith.constant 640 : i32
        %mul3A_150 = arith.muli %arg1, %mul3A_149 : i32
        %mul3A_151 = arith.constant 640 : i32
        %mul3A_152 = arith.muli %arg1, %mul3A_151 : i32
        %dma_wait3A_153 = arith.constant 0 : i32
        %dma_wait3A_154 = tpu.memref_slice %arg5[%mul3A_152, %dma_wait3A_153] : memref<10240x64xi32, #tpu.memory_space<vmem_shared>> -> memref<640x64xi32, #tpu.memory_space<vmem_shared>>
        %dma_wait3A_155 = arith.constant 0 : i32
        %dma_wait3A_156 = tpu.memref_slice %arg2[%mul3A_150, %dma_wait3A_155] : memref<10240x64xi32, #tpu.memory_space<hbm>> -> memref<640x64xi32, #tpu.memory_space<hbm>>
        tpu.wait_dma2 semaphore(%arg20 : memref<!tpu.dma_semaphore, #tpu.memory_space<semaphore_mem>>) src(%dma_wait3A_156 : memref<640x64xi32, #tpu.memory_space<hbm>>) dst(%dma_wait3A_154 : memref<640x64xi32, #tpu.memory_space<vmem_shared>>)
        %barrier3A = arith.constant 0 : index
        tpu.barrier barrier_id(%barrier3A)
      } else {
      }
      %add3A_80 = arith.constant 1 : i32
      %add3A_81 = arith.addi %add3A_61, %add3A_80 : i32
      %lt3A_82 = arith.cmpi slt, %add3A_81, %mul3A_8 : i32
      %convert_element_type3A_83 = arith.extui %lt3A_82 : i1 to i32
      %cond3A_84 = arith.constant 0 : i32
      %cond3A_85 = arith.cmpi ne, %convert_element_type3A_83, %cond3A_84 : i32
      scf.if %cond3A_85 {
        %add3A_149 = arith.constant 1 : i32
        %add3A_150 = arith.addi %add3A_61, %add3A_149 : i32
        %mul3A_151 = arith.constant 128 : i32
        %mul3A_152 = arith.muli %add3A_150, %mul3A_151 : i32
        %lt3A_153 = arith.constant 8 : i32
        %lt3A_154 = arith.cmpi slt, %add3A_150, %lt3A_153 : i32
        %convert_element_type3A_155 = arith.extui %lt3A_154 : i1 to i32
        %cond3A_156 = arith.constant 0 : i32
        %cond3A_157 = arith.cmpi ne, %convert_element_type3A_155, %cond3A_156 : i32
        scf.if %cond3A_157 {
          %dma_start3A_163 = tpu.memref_slice %arg6[%mul3A_152] : memref<5120xi32, #tpu.memory_space<vmem>> -> memref<128xi32, #tpu.memory_space<vmem>>
          %dma_start3A_164 = arith.constant 0 : i32
          %dma_start3A_165 = arith.constant 0 : i32
          %dma_start3A_166 = tpu.memref_slice %arg2[%dma_start3A_164, %dma_start3A_165] : memref<10240x64xi32, #tpu.memory_space<hbm>> -> memref<10240x64xi32, #tpu.memory_space<hbm>>
          tpu.enqueue_indirect_dma source(%dma_start3A_166 : memref<10240x64xi32, #tpu.memory_space<hbm>>) target(%arg9 : memref<128x64xi32, #tpu.memory_space<vmem>>) offsets(%dma_start3A_163 : memref<128xi32, #tpu.memory_space<vmem>>) semaphore(%arg15 : memref<!tpu.dma_semaphore, #tpu.memory_space<semaphore_mem>>)
          %dma_start3A_167 = tpu.memref_slice %arg7[%mul3A_152] : memref<5120xi32, #tpu.memory_space<vmem>> -> memref<128xi32, #tpu.memory_space<vmem>>
          %dma_start3A_168 = arith.constant 0 : i32
          %dma_start3A_169 = arith.constant 0 : i32
          %dma_start3A_170 = tpu.memref_slice %arg2[%dma_start3A_168, %dma_start3A_169] : memref<10240x64xi32, #tpu.memory_space<hbm>> -> memref<10240x64xi32, #tpu.memory_space<hbm>>
          tpu.enqueue_indirect_dma source(%dma_start3A_170 : memref<10240x64xi32, #tpu.memory_space<hbm>>) target(%arg11 : memref<128x64xi32, #tpu.memory_space<vmem>>) offsets(%dma_start3A_167 : memref<128xi32, #tpu.memory_space<vmem>>) semaphore(%arg17 : memref<!tpu.dma_semaphore, #tpu.memory_space<semaphore_mem>>)
        } else {
        }
        %ge3A_158 = arith.constant 8 : i32
        %ge3A_159 = arith.cmpi sge, %add3A_150, %ge3A_158 : i32
        %convert_element_type3A_160 = arith.extui %ge3A_159 : i1 to i32
        %cond3A_161 = arith.constant 0 : i32
        %cond3A_162 = arith.cmpi ne, %convert_element_type3A_160, %cond3A_161 : i32
        scf.if %cond3A_162 {
          %dma_start3A_163 = tpu.memref_slice %arg6[%mul3A_152] : memref<5120xi32, #tpu.memory_space<vmem>> -> memref<128xi32, #tpu.memory_space<vmem>>
          %dma_start3A_164 = arith.constant 0 : i32
          %dma_start3A_165 = arith.constant 0 : i32
          %dma_start3A_166 = tpu.memref_slice %arg5[%dma_start3A_164, %dma_start3A_165] : memref<10240x64xi32, #tpu.memory_space<vmem_shared>> -> memref<10240x64xi32, #tpu.memory_space<vmem_shared>>
          tpu.enqueue_indirect_dma source(%dma_start3A_166 : memref<10240x64xi32, #tpu.memory_space<vmem_shared>>) target(%arg9 : memref<128x64xi32, #tpu.memory_space<vmem>>) offsets(%dma_start3A_163 : memref<128xi32, #tpu.memory_space<vmem>>) semaphore(%arg15 : memref<!tpu.dma_semaphore, #tpu.memory_space<semaphore_mem>>)
          %dma_start3A_167 = tpu.memref_slice %arg7[%mul3A_152] : memref<5120xi32, #tpu.memory_space<vmem>> -> memref<128xi32, #tpu.memory_space<vmem>>
          %dma_start3A_168 = arith.constant 0 : i32
          %dma_start3A_169 = arith.constant 0 : i32
          %dma_start3A_170 = tpu.memref_slice %arg5[%dma_start3A_168, %dma_start3A_169] : memref<10240x64xi32, #tpu.memory_space<vmem_shared>> -> memref<10240x64xi32, #tpu.memory_space<vmem_shared>>
          tpu.enqueue_indirect_dma source(%dma_start3A_170 : memref<10240x64xi32, #tpu.memory_space<vmem_shared>>) target(%arg11 : memref<128x64xi32, #tpu.memory_space<vmem>>) offsets(%dma_start3A_167 : memref<128xi32, #tpu.memory_space<vmem>>) semaphore(%arg17 : memref<!tpu.dma_semaphore, #tpu.memory_space<semaphore_mem>>)
        } else {
        }
      } else {
      }
      %ge3A_86 = arith.constant 2 : i32
      %ge3A_87 = arith.cmpi sge, %add3A_61, %ge3A_86 : i32
      %convert_element_type3A_88 = arith.extui %ge3A_87 : i1 to i32
      %cond3A_89 = arith.constant 0 : i32
      %cond3A_90 = arith.cmpi ne, %convert_element_type3A_88, %cond3A_89 : i32
      scf.if %cond3A_90 {
        %sub3A_149 = arith.constant 2 : i32
        %sub3A_150 = arith.subi %add3A_61, %sub3A_149 : i32
        %mul3A_151 = arith.constant 128 : i32
        %mul3A_152 = arith.muli %sub3A_150, %mul3A_151 : i32
        %add3A_153 = arith.addi %mul3A_2, %mul3A_152 : i32
        %dma_wait3A_154 = tpu.memref_slice %arg4[%add3A_153] : memref<160000xf32, #tpu.memory_space<hbm>> -> memref<128xf32, #tpu.memory_space<hbm>>
        %dma_wait3A_155 = tpu.memref_slice %arg4[%add3A_153] : memref<160000xf32, #tpu.memory_space<hbm>> -> memref<128xf32, #tpu.memory_space<hbm>>
        tpu.wait_dma2 semaphore(%arg18 : memref<!tpu.dma_semaphore, #tpu.memory_space<semaphore_mem>>) src(%arg12 : memref<128xf32, #tpu.memory_space<vmem>>) dst(%dma_wait3A_155 : memref<128xf32, #tpu.memory_space<hbm>>)
      } else {
      }
      %scan3A = arith.constant 0 : i32
      %scan3A_91 = arith.constant 0 : i32
      %scan3A_92 = arith.constant 8 : i32
      %scan3A_93 = arith.addi %scan3A_91, %scan3A_92 : i32
      %scan3A_94 = arith.constant 1 : i32
      %scan3A_95 = scf.for %scan3A_149 = %scan3A_91 to %scan3A_93 step %scan3A_94 iter_args(%scan3A_150 = %scan3A) -> (i32)  : i32 {
        %mul3A_151 = arith.constant 16 : i32
        %mul3A_152 = arith.muli %scan3A_149, %mul3A_151 : i32
        %add3A_153 = vector.broadcast %mul3A_152 : i32 to vector<16xi32>
        %add3A_154 = arith.addi %add3A_153, %iota3A : vector<16xi32>
        %broadcast_in_dim3A = arith.constant 0.000000e+00 : f32
        %broadcast_in_dim3A_155 = vector.broadcast %broadcast_in_dim3A : f32 to vector<16xf32>
        %scan3A_156 = arith.constant 0 : i32
        %scan3A_157 = arith.constant 8 : i32
        %scan3A_158 = arith.addi %scan3A_156, %scan3A_157 : i32
        %scan3A_159 = arith.constant 2 : i32
        %scan3A_160:2 = scf.for %scan3A_217 = %scan3A_156 to %scan3A_158 step %scan3A_159 iter_args(%scan3A_218 = %broadcast_in_dim3A_155, %scan3A_219 = %broadcast_in_dim3A_155) -> (vector<16xf32>, vector<16xf32>)  : i32 {
          %mul3A_220 = arith.constant 8 : i32
          %mul3A_221 = arith.muli %scan3A_217, %mul3A_220 : i32
          %add3A_222 = arith.constant 0 : i32
          %add3A_223 = arith.addi %mul3A_221, %add3A_222 : i32
          %add3A_224 = vector.broadcast %add3A_223 : i32 to vector<16xi32>
          %add3A_225 = arith.addi %add3A_224, %iota3A : vector<16xi32>
          %and3A = arith.constant 63 : i32
          %and3A_226 = vector.broadcast %and3A : i32 to vector<16xi32>
          %and3A_227 = arith.andi %add3A_225, %and3A_226 : vector<16xi32>
          %gather3A = tpu.vector_load_idx %arg8[%add3A_154, %and3A_227] : memref<128x64xi32, #tpu.memory_space<vmem>>[vector<16xi32>, vector<16xi32>], vector<16xi32>,
          %gather3A_228 = tpu.vector_load_idx %arg10[%add3A_154, %and3A_227] : memref<128x64xi32, #tpu.memory_space<vmem>>[vector<16xi32>, vector<16xi32>], vector<16xi32>,
          %bitcast3A_229 = vector.bitcast %gather3A : vector<16xi32> to vector<64xf8E4M3FN>
          %unpack3A = tpu.unpack_subelements %bitcast3A_229, 0 {pack_format = #tpu.pack_format<interleaved>} : vector<64xf8E4M3FN> -> vector<32xbf16>
          %unpack3A_230 = tpu.unpack_subelements %bitcast3A_229, 1 {pack_format = #tpu.pack_format<interleaved>} : vector<64xf8E4M3FN> -> vector<32xbf16>
          %bitcast3A_231 = vector.bitcast %gather3A_228 : vector<16xi32> to vector<64xf8E4M3FN>
          %unpack3A_232 = tpu.unpack_subelements %bitcast3A_231, 0 {pack_format = #tpu.pack_format<interleaved>} : vector<64xf8E4M3FN> -> vector<32xbf16>
          %unpack3A_233 = tpu.unpack_subelements %bitcast3A_231, 1 {pack_format = #tpu.pack_format<interleaved>} : vector<64xf8E4M3FN> -> vector<32xbf16>
          %mul3A_234 = arith.mulf %unpack3A, %unpack3A_232 : vector<32xbf16>
          %mul3A_235 = arith.mulf %unpack3A_230, %unpack3A_233 : vector<32xbf16>
          %mul3A_236 = arith.constant 8 : i32
          %mul3A_237 = arith.muli %scan3A_217, %mul3A_236 : i32
          %add3A_238 = arith.constant 1 : i32
          %add3A_239 = arith.addi %mul3A_237, %add3A_238 : i32
          %add3A_240 = vector.broadcast %add3A_239 : i32 to vector<16xi32>
          %add3A_241 = arith.addi %add3A_240, %iota3A : vector<16xi32>
          %and3A_242 = arith.constant 63 : i32
          %and3A_243 = vector.broadcast %and3A_242 : i32 to vector<16xi32>
          %and3A_244 = arith.andi %add3A_241, %and3A_243 : vector<16xi32>
          %gather3A_245 = tpu.vector_load_idx %arg8[%add3A_154, %and3A_244] : memref<128x64xi32, #tpu.memory_space<vmem>>[vector<16xi32>, vector<16xi32>], vector<16xi32>,
          %gather3A_246 = tpu.vector_load_idx %arg10[%add3A_154, %and3A_244] : memref<128x64xi32, #tpu.memory_space<vmem>>[vector<16xi32>, vector<16xi32>], vector<16xi32>,
          %bitcast3A_247 = vector.bitcast %gather3A_245 : vector<16xi32> to vector<64xf8E4M3FN>
          %unpack3A_248 = tpu.unpack_subelements %bitcast3A_247, 0 {pack_format = #tpu.pack_format<interleaved>} : vector<64xf8E4M3FN> -> vector<32xbf16>
          %unpack3A_249 = tpu.unpack_subelements %bitcast3A_247, 1 {pack_format = #tpu.pack_format<interleaved>} : vector<64xf8E4M3FN> -> vector<32xbf16>
          %bitcast3A_250 = vector.bitcast %gather3A_246 : vector<16xi32> to vector<64xf8E4M3FN>
          %unpack3A_251 = tpu.unpack_subelements %bitcast3A_250, 0 {pack_format = #tpu.pack_format<interleaved>} : vector<64xf8E4M3FN> -> vector<32xbf16>
          %unpack3A_252 = tpu.unpack_subelements %bitcast3A_250, 1 {pack_format = #tpu.pack_format<interleaved>} : vector<64xf8E4M3FN> -> vector<32xbf16>
          %mul3A_253 = arith.mulf %unpack3A_248, %unpack3A_251 : vector<32xbf16>
          %mul3A_254 = arith.mulf %unpack3A_249, %unpack3A_252 : vector<32xbf16>
          %add3A_255 = arith.addf %mul3A_234, %mul3A_253 : vector<32xbf16>
          %add3A_256 = arith.addf %mul3A_235, %mul3A_254 : vector<32xbf16>
          %mul3A_257 = arith.constant 8 : i32
          %mul3A_258 = arith.muli %scan3A_217, %mul3A_257 : i32
          %add3A_259 = arith.constant 2 : i32
          %add3A_260 = arith.addi %mul3A_258, %add3A_259 : i32
          %add3A_261 = vector.broadcast %add3A_260 : i32 to vector<16xi32>
          %add3A_262 = arith.addi %add3A_261, %iota3A : vector<16xi32>
          %and3A_263 = arith.constant 63 : i32
          %and3A_264 = vector.broadcast %and3A_263 : i32 to vector<16xi32>
          %and3A_265 = arith.andi %add3A_262, %and3A_264 : vector<16xi32>
          %gather3A_266 = tpu.vector_load_idx %arg8[%add3A_154, %and3A_265] : memref<128x64xi32, #tpu.memory_space<vmem>>[vector<16xi32>, vector<16xi32>], vector<16xi32>,
          %gather3A_267 = tpu.vector_load_idx %arg10[%add3A_154, %and3A_265] : memref<128x64xi32, #tpu.memory_space<vmem>>[vector<16xi32>, vector<16xi32>], vector<16xi32>,
          %bitcast3A_268 = vector.bitcast %gather3A_266 : vector<16xi32> to vector<64xf8E4M3FN>
          %unpack3A_269 = tpu.unpack_subelements %bitcast3A_268, 0 {pack_format = #tpu.pack_format<interleaved>} : vector<64xf8E4M3FN> -> vector<32xbf16>
          %unpack3A_270 = tpu.unpack_subelements %bitcast3A_268, 1 {pack_format = #tpu.pack_format<interleaved>} : vector<64xf8E4M3FN> -> vector<32xbf16>
          %bitcast3A_271 = vector.bitcast %gather3A_267 : vector<16xi32> to vector<64xf8E4M3FN>
          %unpack3A_272 = tpu.unpack_subelements %bitcast3A_271, 0 {pack_format = #tpu.pack_format<interleaved>} : vector<64xf8E4M3FN> -> vector<32xbf16>
          %unpack3A_273 = tpu.unpack_subelements %bitcast3A_271, 1 {pack_format = #tpu.pack_format<interleaved>} : vector<64xf8E4M3FN> -> vector<32xbf16>
          %mul3A_274 = arith.mulf %unpack3A_269, %unpack3A_272 : vector<32xbf16>
          %mul3A_275 = arith.mulf %unpack3A_270, %unpack3A_273 : vector<32xbf16>
          %add3A_276 = arith.addf %add3A_255, %mul3A_274 : vector<32xbf16>
          %add3A_277 = arith.addf %add3A_256, %mul3A_275 : vector<32xbf16>
          %mul3A_278 = arith.constant 8 : i32
          %mul3A_279 = arith.muli %scan3A_217, %mul3A_278 : i32
          %add3A_280 = arith.constant 3 : i32
          %add3A_281 = arith.addi %mul3A_279, %add3A_280 : i32
          %add3A_282 = vector.broadcast %add3A_281 : i32 to vector<16xi32>
          %add3A_283 = arith.addi %add3A_282, %iota3A : vector<16xi32>
          %and3A_284 = arith.constant 63 : i32
          %and3A_285 = vector.broadcast %and3A_284 : i32 to vector<16xi32>
          %and3A_286 = arith.andi %add3A_283, %and3A_285 : vector<16xi32>
          %gather3A_287 = tpu.vector_load_idx %arg8[%add3A_154, %and3A_286] : memref<128x64xi32, #tpu.memory_space<vmem>>[vector<16xi32>, vector<16xi32>], vector<16xi32>,
          %gather3A_288 = tpu.vector_load_idx %arg10[%add3A_154, %and3A_286] : memref<128x64xi32, #tpu.memory_space<vmem>>[vector<16xi32>, vector<16xi32>], vector<16xi32>,
          %bitcast3A_289 = vector.bitcast %gather3A_287 : vector<16xi32> to vector<64xf8E4M3FN>
          %unpack3A_290 = tpu.unpack_subelements %bitcast3A_289, 0 {pack_format = #tpu.pack_format<interleaved>} : vector<64xf8E4M3FN> -> vector<32xbf16>
          %unpack3A_291 = tpu.unpack_subelements %bitcast3A_289, 1 {pack_format = #tpu.pack_format<interleaved>} : vector<64xf8E4M3FN> -> vector<32xbf16>
          %bitcast3A_292 = vector.bitcast %gather3A_288 : vector<16xi32> to vector<64xf8E4M3FN>
          %unpack3A_293 = tpu.unpack_subelements %bitcast3A_292, 0 {pack_format = #tpu.pack_format<interleaved>} : vector<64xf8E4M3FN> -> vector<32xbf16>
          %unpack3A_294 = tpu.unpack_subelements %bitcast3A_292, 1 {pack_format = #tpu.pack_format<interleaved>} : vector<64xf8E4M3FN> -> vector<32xbf16>
          %mul3A_295 = arith.mulf %unpack3A_290, %unpack3A_293 : vector<32xbf16>
          %mul3A_296 = arith.mulf %unpack3A_291, %unpack3A_294 : vector<32xbf16>
          %add3A_297 = arith.addf %add3A_276, %mul3A_295 : vector<32xbf16>
          %add3A_298 = arith.addf %add3A_277, %mul3A_296 : vector<32xbf16>
          %mul3A_299 = arith.constant 8 : i32
          %mul3A_300 = arith.muli %scan3A_217, %mul3A_299 : i32
          %add3A_301 = arith.constant 4 : i32
          %add3A_302 = arith.addi %mul3A_300, %add3A_301 : i32
          %add3A_303 = vector.broadcast %add3A_302 : i32 to vector<16xi32>
          %add3A_304 = arith.addi %add3A_303, %iota3A : vector<16xi32>
          %and3A_305 = arith.constant 63 : i32
          %and3A_306 = vector.broadcast %and3A_305 : i32 to vector<16xi32>
          %and3A_307 = arith.andi %add3A_304, %and3A_306 : vector<16xi32>
          %gather3A_308 = tpu.vector_load_idx %arg8[%add3A_154, %and3A_307] : memref<128x64xi32, #tpu.memory_space<vmem>>[vector<16xi32>, vector<16xi32>], vector<16xi32>,
          %gather3A_309 = tpu.vector_load_idx %arg10[%add3A_154, %and3A_307] : memref<128x64xi32, #tpu.memory_space<vmem>>[vector<16xi32>, vector<16xi32>], vector<16xi32>,
          %bitcast3A_310 = vector.bitcast %gather3A_308 : vector<16xi32> to vector<64xf8E4M3FN>
          %unpack3A_311 = tpu.unpack_subelements %bitcast3A_310, 0 {pack_format = #tpu.pack_format<interleaved>} : vector<64xf8E4M3FN> -> vector<32xbf16>
          %unpack3A_312 = tpu.unpack_subelements %bitcast3A_310, 1 {pack_format = #tpu.pack_format<interleaved>} : vector<64xf8E4M3FN> -> vector<32xbf16>
          %bitcast3A_313 = vector.bitcast %gather3A_309 : vector<16xi32> to vector<64xf8E4M3FN>
          %unpack3A_314 = tpu.unpack_subelements %bitcast3A_313, 0 {pack_format = #tpu.pack_format<interleaved>} : vector<64xf8E4M3FN> -> vector<32xbf16>
          %unpack3A_315 = tpu.unpack_subelements %bitcast3A_313, 1 {pack_format = #tpu.pack_format<interleaved>} : vector<64xf8E4M3FN> -> vector<32xbf16>
          %mul3A_316 = arith.mulf %unpack3A_311, %unpack3A_314 : vector<32xbf16>
          %mul3A_317 = arith.mulf %unpack3A_312, %unpack3A_315 : vector<32xbf16>
          %add3A_318 = arith.addf %add3A_297, %mul3A_316 : vector<32xbf16>
          %add3A_319 = arith.addf %add3A_298, %mul3A_317 : vector<32xbf16>
          %mul3A_320 = arith.constant 8 : i32
          %mul3A_321 = arith.muli %scan3A_217, %mul3A_320 : i32
          %add3A_322 = arith.constant 5 : i32
          %add3A_323 = arith.addi %mul3A_321, %add3A_322 : i32
          %add3A_324 = vector.broadcast %add3A_323 : i32 to vector<16xi32>
          %add3A_325 = arith.addi %add3A_324, %iota3A : vector<16xi32>
          %and3A_326 = arith.constant 63 : i32
          %and3A_327 = vector.broadcast %and3A_326 : i32 to vector<16xi32>
          %and3A_328 = arith.andi %add3A_325, %and3A_327 : vector<16xi32>
          %gather3A_329 = tpu.vector_load_idx %arg8[%add3A_154, %and3A_328] : memref<128x64xi32, #tpu.memory_space<vmem>>[vector<16xi32>, vector<16xi32>], vector<16xi32>,
          %gather3A_330 = tpu.vector_load_idx %arg10[%add3A_154, %and3A_328] : memref<128x64xi32, #tpu.memory_space<vmem>>[vector<16xi32>, vector<16xi32>], vector<16xi32>,
          %bitcast3A_331 = vector.bitcast %gather3A_329 : vector<16xi32> to vector<64xf8E4M3FN>
          %unpack3A_332 = tpu.unpack_subelements %bitcast3A_331, 0 {pack_format = #tpu.pack_format<interleaved>} : vector<64xf8E4M3FN> -> vector<32xbf16>
          %unpack3A_333 = tpu.unpack_subelements %bitcast3A_331, 1 {pack_format = #tpu.pack_format<interleaved>} : vector<64xf8E4M3FN> -> vector<32xbf16>
          %bitcast3A_334 = vector.bitcast %gather3A_330 : vector<16xi32> to vector<64xf8E4M3FN>
          %unpack3A_335 = tpu.unpack_subelements %bitcast3A_334, 0 {pack_format = #tpu.pack_format<interleaved>} : vector<64xf8E4M3FN> -> vector<32xbf16>
          %unpack3A_336 = tpu.unpack_subelements %bitcast3A_334, 1 {pack_format = #tpu.pack_format<interleaved>} : vector<64xf8E4M3FN> -> vector<32xbf16>
          %mul3A_337 = arith.mulf %unpack3A_332, %unpack3A_335 : vector<32xbf16>
          %mul3A_338 = arith.mulf %unpack3A_333, %unpack3A_336 : vector<32xbf16>
          %add3A_339 = arith.addf %add3A_318, %mul3A_337 : vector<32xbf16>
          %add3A_340 = arith.addf %add3A_319, %mul3A_338 : vector<32xbf16>
          %mul3A_341 = arith.constant 8 : i32
          %mul3A_342 = arith.muli %scan3A_217, %mul3A_341 : i32
          %add3A_343 = arith.constant 6 : i32
          %add3A_344 = arith.addi %mul3A_342, %add3A_343 : i32
          %add3A_345 = vector.broadcast %add3A_344 : i32 to vector<16xi32>
          %add3A_346 = arith.addi %add3A_345, %iota3A : vector<16xi32>
          %and3A_347 = arith.constant 63 : i32
          %and3A_348 = vector.broadcast %and3A_347 : i32 to vector<16xi32>
          %and3A_349 = arith.andi %add3A_346, %and3A_348 : vector<16xi32>
          %gather3A_350 = tpu.vector_load_idx %arg8[%add3A_154, %and3A_349] : memref<128x64xi32, #tpu.memory_space<vmem>>[vector<16xi32>, vector<16xi32>], vector<16xi32>,
          %gather3A_351 = tpu.vector_load_idx %arg10[%add3A_154, %and3A_349] : memref<128x64xi32, #tpu.memory_space<vmem>>[vector<16xi32>, vector<16xi32>], vector<16xi32>,
          %bitcast3A_352 = vector.bitcast %gather3A_350 : vector<16xi32> to vector<64xf8E4M3FN>
          %unpack3A_353 = tpu.unpack_subelements %bitcast3A_352, 0 {pack_format = #tpu.pack_format<interleaved>} : vector<64xf8E4M3FN> -> vector<32xbf16>
          %unpack3A_354 = tpu.unpack_subelements %bitcast3A_352, 1 {pack_format = #tpu.pack_format<interleaved>} : vector<64xf8E4M3FN> -> vector<32xbf16>
          %bitcast3A_355 = vector.bitcast %gather3A_351 : vector<16xi32> to vector<64xf8E4M3FN>
          %unpack3A_356 = tpu.unpack_subelements %bitcast3A_355, 0 {pack_format = #tpu.pack_format<interleaved>} : vector<64xf8E4M3FN> -> vector<32xbf16>
          %unpack3A_357 = tpu.unpack_subelements %bitcast3A_355, 1 {pack_format = #tpu.pack_format<interleaved>} : vector<64xf8E4M3FN> -> vector<32xbf16>
          %mul3A_358 = arith.mulf %unpack3A_353, %unpack3A_356 : vector<32xbf16>
          %mul3A_359 = arith.mulf %unpack3A_354, %unpack3A_357 : vector<32xbf16>
          %add3A_360 = arith.addf %add3A_339, %mul3A_358 : vector<32xbf16>
          %add3A_361 = arith.addf %add3A_340, %mul3A_359 : vector<32xbf16>
          %mul3A_362 = arith.constant 8 : i32
          %mul3A_363 = arith.muli %scan3A_217, %mul3A_362 : i32
          %add3A_364 = arith.constant 7 : i32
          %add3A_365 = arith.addi %mul3A_363, %add3A_364 : i32
          %add3A_366 = vector.broadcast %add3A_365 : i32 to vector<16xi32>
          %add3A_367 = arith.addi %add3A_366, %iota3A : vector<16xi32>
          %and3A_368 = arith.constant 63 : i32
          %and3A_369 = vector.broadcast %and3A_368 : i32 to vector<16xi32>
          %and3A_370 = arith.andi %add3A_367, %and3A_369 : vector<16xi32>
          %gather3A_371 = tpu.vector_load_idx %arg8[%add3A_154, %and3A_370] : memref<128x64xi32, #tpu.memory_space<vmem>>[vector<16xi32>, vector<16xi32>], vector<16xi32>,
          %gather3A_372 = tpu.vector_load_idx %arg10[%add3A_154, %and3A_370] : memref<128x64xi32, #tpu.memory_space<vmem>>[vector<16xi32>, vector<16xi32>], vector<16xi32>,
          %bitcast3A_373 = vector.bitcast %gather3A_371 : vector<16xi32> to vector<64xf8E4M3FN>
          %unpack3A_374 = tpu.unpack_subelements %bitcast3A_373, 0 {pack_format = #tpu.pack_format<interleaved>} : vector<64xf8E4M3FN> -> vector<32xbf16>
          %unpack3A_375 = tpu.unpack_subelements %bitcast3A_373, 1 {pack_format = #tpu.pack_format<interleaved>} : vector<64xf8E4M3FN> -> vector<32xbf16>
          %bitcast3A_376 = vector.bitcast %gather3A_372 : vector<16xi32> to vector<64xf8E4M3FN>
          %unpack3A_377 = tpu.unpack_subelements %bitcast3A_376, 0 {pack_format = #tpu.pack_format<interleaved>} : vector<64xf8E4M3FN> -> vector<32xbf16>
          %unpack3A_378 = tpu.unpack_subelements %bitcast3A_376, 1 {pack_format = #tpu.pack_format<interleaved>} : vector<64xf8E4M3FN> -> vector<32xbf16>
          %mul3A_379 = arith.mulf %unpack3A_374, %unpack3A_377 : vector<32xbf16>
          %mul3A_380 = arith.mulf %unpack3A_375, %unpack3A_378 : vector<32xbf16>
          %add3A_381 = arith.addf %add3A_360, %mul3A_379 : vector<32xbf16>
          %add3A_382 = arith.addf %add3A_361, %mul3A_380 : vector<32xbf16>
          %add3A_383 = arith.addf %add3A_381, %add3A_382 : vector<32xbf16>
          %unpack3A_384 = tpu.unpack_subelements %add3A_383, 0 {pack_format = #tpu.pack_format<interleaved>} : vector<32xbf16> -> vector<16xf32>
          %unpack3A_385 = tpu.unpack_subelements %add3A_383, 1 {pack_format = #tpu.pack_format<interleaved>} : vector<32xbf16> -> vector<16xf32>
          %add3A_386 = arith.addf %scan3A_218, %unpack3A_384 : vector<16xf32>
          %add3A_387 = arith.addf %scan3A_219, %unpack3A_385 : vector<16xf32>
          %scan3A_388 = arith.constant 1 : i32
          %scan3A_389 = arith.addi %scan3A_217, %scan3A_388 : i32
          %mul3A_390 = arith.constant 8 : i32
          %mul3A_391 = arith.muli %scan3A_389, %mul3A_390 : i32
          %add3A_392 = arith.constant 0 : i32
          %add3A_393 = arith.addi %mul3A_391, %add3A_392 : i32
          %add3A_394 = vector.broadcast %add3A_393 : i32 to vector<16xi32>
          %add3A_395 = arith.addi %add3A_394, %iota3A : vector<16xi32>
          %and3A_396 = arith.constant 63 : i32
          %and3A_397 = vector.broadcast %and3A_396 : i32 to vector<16xi32>
          %and3A_398 = arith.andi %add3A_395, %and3A_397 : vector<16xi32>
          %gather3A_399 = tpu.vector_load_idx %arg8[%add3A_154, %and3A_398] : memref<128x64xi32, #tpu.memory_space<vmem>>[vector<16xi32>, vector<16xi32>], vector<16xi32>,
          %gather3A_400 = tpu.vector_load_idx %arg10[%add3A_154, %and3A_398] : memref<128x64xi32, #tpu.memory_space<vmem>>[vector<16xi32>, vector<16xi32>], vector<16xi32>,
          %bitcast3A_401 = vector.bitcast %gather3A_399 : vector<16xi32> to vector<64xf8E4M3FN>
          %unpack3A_402 = tpu.unpack_subelements %bitcast3A_401, 0 {pack_format = #tpu.pack_format<interleaved>} : vector<64xf8E4M3FN> -> vector<32xbf16>
          %unpack3A_403 = tpu.unpack_subelements %bitcast3A_401, 1 {pack_format = #tpu.pack_format<interleaved>} : vector<64xf8E4M3FN> -> vector<32xbf16>
          %bitcast3A_404 = vector.bitcast %gather3A_400 : vector<16xi32> to vector<64xf8E4M3FN>
          %unpack3A_405 = tpu.unpack_subelements %bitcast3A_404, 0 {pack_format = #tpu.pack_format<interleaved>} : vector<64xf8E4M3FN> -> vector<32xbf16>
          %unpack3A_406 = tpu.unpack_subelements %bitcast3A_404, 1 {pack_format = #tpu.pack_format<interleaved>} : vector<64xf8E4M3FN> -> vector<32xbf16>
          %mul3A_407 = arith.mulf %unpack3A_402, %unpack3A_405 : vector<32xbf16>
          %mul3A_408 = arith.mulf %unpack3A_403, %unpack3A_406 : vector<32xbf16>
          %mul3A_409 = arith.constant 8 : i32
          %mul3A_410 = arith.muli %scan3A_389, %mul3A_409 : i32
          %add3A_411 = arith.constant 1 : i32
          %add3A_412 = arith.addi %mul3A_410, %add3A_411 : i32
          %add3A_413 = vector.broadcast %add3A_412 : i32 to vector<16xi32>
          %add3A_414 = arith.addi %add3A_413, %iota3A : vector<16xi32>
          %and3A_415 = arith.constant 63 : i32
          %and3A_416 = vector.broadcast %and3A_415 : i32 to vector<16xi32>
          %and3A_417 = arith.andi %add3A_414, %and3A_416 : vector<16xi32>
          %gather3A_418 = tpu.vector_load_idx %arg8[%add3A_154, %and3A_417] : memref<128x64xi32, #tpu.memory_space<vmem>>[vector<16xi32>, vector<16xi32>], vector<16xi32>,
          %gather3A_419 = tpu.vector_load_idx %arg10[%add3A_154, %and3A_417] : memref<128x64xi32, #tpu.memory_space<vmem>>[vector<16xi32>, vector<16xi32>], vector<16xi32>,
          %bitcast3A_420 = vector.bitcast %gather3A_418 : vector<16xi32> to vector<64xf8E4M3FN>
          %unpack3A_421 = tpu.unpack_subelements %bitcast3A_420, 0 {pack_format = #tpu.pack_format<interleaved>} : vector<64xf8E4M3FN> -> vector<32xbf16>
          %unpack3A_422 = tpu.unpack_subelements %bitcast3A_420, 1 {pack_format = #tpu.pack_format<interleaved>} : vector<64xf8E4M3FN> -> vector<32xbf16>
          %bitcast3A_423 = vector.bitcast %gather3A_419 : vector<16xi32> to vector<64xf8E4M3FN>
          %unpack3A_424 = tpu.unpack_subelements %bitcast3A_423, 0 {pack_format = #tpu.pack_format<interleaved>} : vector<64xf8E4M3FN> -> vector<32xbf16>
          %unpack3A_425 = tpu.unpack_subelements %bitcast3A_423, 1 {pack_format = #tpu.pack_format<interleaved>} : vector<64xf8E4M3FN> -> vector<32xbf16>
          %mul3A_426 = arith.mulf %unpack3A_421, %unpack3A_424 : vector<32xbf16>
          %mul3A_427 = arith.mulf %unpack3A_422, %unpack3A_425 : vector<32xbf16>
          %add3A_428 = arith.addf %mul3A_407, %mul3A_426 : vector<32xbf16>
          %add3A_429 = arith.addf %mul3A_408, %mul3A_427 : vector<32xbf16>
          %mul3A_430 = arith.constant 8 : i32
          %mul3A_431 = arith.muli %scan3A_389, %mul3A_430 : i32
          %add3A_432 = arith.constant 2 : i32
          %add3A_433 = arith.addi %mul3A_431, %add3A_432 : i32
          %add3A_434 = vector.broadcast %add3A_433 : i32 to vector<16xi32>
          %add3A_435 = arith.addi %add3A_434, %iota3A : vector<16xi32>
          %and3A_436 = arith.constant 63 : i32
          %and3A_437 = vector.broadcast %and3A_436 : i32 to vector<16xi32>
          %and3A_438 = arith.andi %add3A_435, %and3A_437 : vector<16xi32>
          %gather3A_439 = tpu.vector_load_idx %arg8[%add3A_154, %and3A_438] : memref<128x64xi32, #tpu.memory_space<vmem>>[vector<16xi32>, vector<16xi32>], vector<16xi32>,
          %gather3A_440 = tpu.vector_load_idx %arg10[%add3A_154, %and3A_438] : memref<128x64xi32, #tpu.memory_space<vmem>>[vector<16xi32>, vector<16xi32>], vector<16xi32>,
          %bitcast3A_441 = vector.bitcast %gather3A_439 : vector<16xi32> to vector<64xf8E4M3FN>
          %unpack3A_442 = tpu.unpack_subelements %bitcast3A_441, 0 {pack_format = #tpu.pack_format<interleaved>} : vector<64xf8E4M3FN> -> vector<32xbf16>
          %unpack3A_443 = tpu.unpack_subelements %bitcast3A_441, 1 {pack_format = #tpu.pack_format<interleaved>} : vector<64xf8E4M3FN> -> vector<32xbf16>
          %bitcast3A_444 = vector.bitcast %gather3A_440 : vector<16xi32> to vector<64xf8E4M3FN>
          %unpack3A_445 = tpu.unpack_subelements %bitcast3A_444, 0 {pack_format = #tpu.pack_format<interleaved>} : vector<64xf8E4M3FN> -> vector<32xbf16>
          %unpack3A_446 = tpu.unpack_subelements %bitcast3A_444, 1 {pack_format = #tpu.pack_format<interleaved>} : vector<64xf8E4M3FN> -> vector<32xbf16>
          %mul3A_447 = arith.mulf %unpack3A_442, %unpack3A_445 : vector<32xbf16>
          %mul3A_448 = arith.mulf %unpack3A_443, %unpack3A_446 : vector<32xbf16>
          %add3A_449 = arith.addf %add3A_428, %mul3A_447 : vector<32xbf16>
          %add3A_450 = arith.addf %add3A_429, %mul3A_448 : vector<32xbf16>
          %mul3A_451 = arith.constant 8 : i32
          %mul3A_452 = arith.muli %scan3A_389, %mul3A_451 : i32
          %add3A_453 = arith.constant 3 : i32
          %add3A_454 = arith.addi %mul3A_452, %add3A_453 : i32
          %add3A_455 = vector.broadcast %add3A_454 : i32 to vector<16xi32>
          %add3A_456 = arith.addi %add3A_455, %iota3A : vector<16xi32>
          %and3A_457 = arith.constant 63 : i32
          %and3A_458 = vector.broadcast %and3A_457 : i32 to vector<16xi32>
          %and3A_459 = arith.andi %add3A_456, %and3A_458 : vector<16xi32>
          %gather3A_460 = tpu.vector_load_idx %arg8[%add3A_154, %and3A_459] : memref<128x64xi32, #tpu.memory_space<vmem>>[vector<16xi32>, vector<16xi32>], vector<16xi32>,
          %gather3A_461 = tpu.vector_load_idx %arg10[%add3A_154, %and3A_459] : memref<128x64xi32, #tpu.memory_space<vmem>>[vector<16xi32>, vector<16xi32>], vector<16xi32>,
          %bitcast3A_462 = vector.bitcast %gather3A_460 : vector<16xi32> to vector<64xf8E4M3FN>
          %unpack3A_463 = tpu.unpack_subelements %bitcast3A_462, 0 {pack_format = #tpu.pack_format<interleaved>} : vector<64xf8E4M3FN> -> vector<32xbf16>
          %unpack3A_464 = tpu.unpack_subelements %bitcast3A_462, 1 {pack_format = #tpu.pack_format<interleaved>} : vector<64xf8E4M3FN> -> vector<32xbf16>
          %bitcast3A_465 = vector.bitcast %gather3A_461 : vector<16xi32> to vector<64xf8E4M3FN>
          %unpack3A_466 = tpu.unpack_subelements %bitcast3A_465, 0 {pack_format = #tpu.pack_format<interleaved>} : vector<64xf8E4M3FN> -> vector<32xbf16>
          %unpack3A_467 = tpu.unpack_subelements %bitcast3A_465, 1 {pack_format = #tpu.pack_format<interleaved>} : vector<64xf8E4M3FN> -> vector<32xbf16>
          %mul3A_468 = arith.mulf %unpack3A_463, %unpack3A_466 : vector<32xbf16>
          %mul3A_469 = arith.mulf %unpack3A_464, %unpack3A_467 : vector<32xbf16>
          %add3A_470 = arith.addf %add3A_449, %mul3A_468 : vector<32xbf16>
          %add3A_471 = arith.addf %add3A_450, %mul3A_469 : vector<32xbf16>
          %mul3A_472 = arith.constant 8 : i32
          %mul3A_473 = arith.muli %scan3A_389, %mul3A_472 : i32
          %add3A_474 = arith.constant 4 : i32
          %add3A_475 = arith.addi %mul3A_473, %add3A_474 : i32
          %add3A_476 = vector.broadcast %add3A_475 : i32 to vector<16xi32>
          %add3A_477 = arith.addi %add3A_476, %iota3A : vector<16xi32>
          %and3A_478 = arith.constant 63 : i32
          %and3A_479 = vector.broadcast %and3A_478 : i32 to vector<16xi32>
          %and3A_480 = arith.andi %add3A_477, %and3A_479 : vector<16xi32>
          %gather3A_481 = tpu.vector_load_idx %arg8[%add3A_154, %and3A_480] : memref<128x64xi32, #tpu.memory_space<vmem>>[vector<16xi32>, vector<16xi32>], vector<16xi32>,
          %gather3A_482 = tpu.vector_load_idx %arg10[%add3A_154, %and3A_480] : memref<128x64xi32, #tpu.memory_space<vmem>>[vector<16xi32>, vector<16xi32>], vector<16xi32>,
          %bitcast3A_483 = vector.bitcast %gather3A_481 : vector<16xi32> to vector<64xf8E4M3FN>
          %unpack3A_484 = tpu.unpack_subelements %bitcast3A_483, 0 {pack_format = #tpu.pack_format<interleaved>} : vector<64xf8E4M3FN> -> vector<32xbf16>
          %unpack3A_485 = tpu.unpack_subelements %bitcast3A_483, 1 {pack_format = #tpu.pack_format<interleaved>} : vector<64xf8E4M3FN> -> vector<32xbf16>
          %bitcast3A_486 = vector.bitcast %gather3A_482 : vector<16xi32> to vector<64xf8E4M3FN>
          %unpack3A_487 = tpu.unpack_subelements %bitcast3A_486, 0 {pack_format = #tpu.pack_format<interleaved>} : vector<64xf8E4M3FN> -> vector<32xbf16>
          %unpack3A_488 = tpu.unpack_subelements %bitcast3A_486, 1 {pack_format = #tpu.pack_format<interleaved>} : vector<64xf8E4M3FN> -> vector<32xbf16>
          %mul3A_489 = arith.mulf %unpack3A_484, %unpack3A_487 : vector<32xbf16>
          %mul3A_490 = arith.mulf %unpack3A_485, %unpack3A_488 : vector<32xbf16>
          %add3A_491 = arith.addf %add3A_470, %mul3A_489 : vector<32xbf16>
          %add3A_492 = arith.addf %add3A_471, %mul3A_490 : vector<32xbf16>
          %mul3A_493 = arith.constant 8 : i32
          %mul3A_494 = arith.muli %scan3A_389, %mul3A_493 : i32
          %add3A_495 = arith.constant 5 : i32
          %add3A_496 = arith.addi %mul3A_494, %add3A_495 : i32
          %add3A_497 = vector.broadcast %add3A_496 : i32 to vector<16xi32>
          %add3A_498 = arith.addi %add3A_497, %iota3A : vector<16xi32>
          %and3A_499 = arith.constant 63 : i32
          %and3A_500 = vector.broadcast %and3A_499 : i32 to vector<16xi32>
          %and3A_501 = arith.andi %add3A_498, %and3A_500 : vector<16xi32>
          %gather3A_502 = tpu.vector_load_idx %arg8[%add3A_154, %and3A_501] : memref<128x64xi32, #tpu.memory_space<vmem>>[vector<16xi32>, vector<16xi32>], vector<16xi32>,
          %gather3A_503 = tpu.vector_load_idx %arg10[%add3A_154, %and3A_501] : memref<128x64xi32, #tpu.memory_space<vmem>>[vector<16xi32>, vector<16xi32>], vector<16xi32>,
          %bitcast3A_504 = vector.bitcast %gather3A_502 : vector<16xi32> to vector<64xf8E4M3FN>
          %unpack3A_505 = tpu.unpack_subelements %bitcast3A_504, 0 {pack_format = #tpu.pack_format<interleaved>} : vector<64xf8E4M3FN> -> vector<32xbf16>
          %unpack3A_506 = tpu.unpack_subelements %bitcast3A_504, 1 {pack_format = #tpu.pack_format<interleaved>} : vector<64xf8E4M3FN> -> vector<32xbf16>
          %bitcast3A_507 = vector.bitcast %gather3A_503 : vector<16xi32> to vector<64xf8E4M3FN>
          %unpack3A_508 = tpu.unpack_subelements %bitcast3A_507, 0 {pack_format = #tpu.pack_format<interleaved>} : vector<64xf8E4M3FN> -> vector<32xbf16>
          %unpack3A_509 = tpu.unpack_subelements %bitcast3A_507, 1 {pack_format = #tpu.pack_format<interleaved>} : vector<64xf8E4M3FN> -> vector<32xbf16>
          %mul3A_510 = arith.mulf %unpack3A_505, %unpack3A_508 : vector<32xbf16>
          %mul3A_511 = arith.mulf %unpack3A_506, %unpack3A_509 : vector<32xbf16>
          %add3A_512 = arith.addf %add3A_491, %mul3A_510 : vector<32xbf16>
          %add3A_513 = arith.addf %add3A_492, %mul3A_511 : vector<32xbf16>
          %mul3A_514 = arith.constant 8 : i32
          %mul3A_515 = arith.muli %scan3A_389, %mul3A_514 : i32
          %add3A_516 = arith.constant 6 : i32
          %add3A_517 = arith.addi %mul3A_515, %add3A_516 : i32
          %add3A_518 = vector.broadcast %add3A_517 : i32 to vector<16xi32>
          %add3A_519 = arith.addi %add3A_518, %iota3A : vector<16xi32>
          %and3A_520 = arith.constant 63 : i32
          %and3A_521 = vector.broadcast %and3A_520 : i32 to vector<16xi32>
          %and3A_522 = arith.andi %add3A_519, %and3A_521 : vector<16xi32>
          %gather3A_523 = tpu.vector_load_idx %arg8[%add3A_154, %and3A_522] : memref<128x64xi32, #tpu.memory_space<vmem>>[vector<16xi32>, vector<16xi32>], vector<16xi32>,
          %gather3A_524 = tpu.vector_load_idx %arg10[%add3A_154, %and3A_522] : memref<128x64xi32, #tpu.memory_space<vmem>>[vector<16xi32>, vector<16xi32>], vector<16xi32>,
          %bitcast3A_525 = vector.bitcast %gather3A_523 : vector<16xi32> to vector<64xf8E4M3FN>
          %unpack3A_526 = tpu.unpack_subelements %bitcast3A_525, 0 {pack_format = #tpu.pack_format<interleaved>} : vector<64xf8E4M3FN> -> vector<32xbf16>
          %unpack3A_527 = tpu.unpack_subelements %bitcast3A_525, 1 {pack_format = #tpu.pack_format<interleaved>} : vector<64xf8E4M3FN> -> vector<32xbf16>
          %bitcast3A_528 = vector.bitcast %gather3A_524 : vector<16xi32> to vector<64xf8E4M3FN>
          %unpack3A_529 = tpu.unpack_subelements %bitcast3A_528, 0 {pack_format = #tpu.pack_format<interleaved>} : vector<64xf8E4M3FN> -> vector<32xbf16>
          %unpack3A_530 = tpu.unpack_subelements %bitcast3A_528, 1 {pack_format = #tpu.pack_format<interleaved>} : vector<64xf8E4M3FN> -> vector<32xbf16>
          %mul3A_531 = arith.mulf %unpack3A_526, %unpack3A_529 : vector<32xbf16>
          %mul3A_532 = arith.mulf %unpack3A_527, %unpack3A_530 : vector<32xbf16>
          %add3A_533 = arith.addf %add3A_512, %mul3A_531 : vector<32xbf16>
          %add3A_534 = arith.addf %add3A_513, %mul3A_532 : vector<32xbf16>
          %mul3A_535 = arith.constant 8 : i32
          %mul3A_536 = arith.muli %scan3A_389, %mul3A_535 : i32
          %add3A_537 = arith.constant 7 : i32
          %add3A_538 = arith.addi %mul3A_536, %add3A_537 : i32
          %add3A_539 = vector.broadcast %add3A_538 : i32 to vector<16xi32>
          %add3A_540 = arith.addi %add3A_539, %iota3A : vector<16xi32>
          %and3A_541 = arith.constant 63 : i32
          %and3A_542 = vector.broadcast %and3A_541 : i32 to vector<16xi32>
          %and3A_543 = arith.andi %add3A_540, %and3A_542 : vector<16xi32>
          %gather3A_544 = tpu.vector_load_idx %arg8[%add3A_154, %and3A_543] : memref<128x64xi32, #tpu.memory_space<vmem>>[vector<16xi32>, vector<16xi32>], vector<16xi32>,
          %gather3A_545 = tpu.vector_load_idx %arg10[%add3A_154, %and3A_543] : memref<128x64xi32, #tpu.memory_space<vmem>>[vector<16xi32>, vector<16xi32>], vector<16xi32>,
          %bitcast3A_546 = vector.bitcast %gather3A_544 : vector<16xi32> to vector<64xf8E4M3FN>
          %unpack3A_547 = tpu.unpack_subelements %bitcast3A_546, 0 {pack_format = #tpu.pack_format<interleaved>} : vector<64xf8E4M3FN> -> vector<32xbf16>
          %unpack3A_548 = tpu.unpack_subelements %bitcast3A_546, 1 {pack_format = #tpu.pack_format<interleaved>} : vector<64xf8E4M3FN> -> vector<32xbf16>
          %bitcast3A_549 = vector.bitcast %gather3A_545 : vector<16xi32> to vector<64xf8E4M3FN>
          %unpack3A_550 = tpu.unpack_subelements %bitcast3A_549, 0 {pack_format = #tpu.pack_format<interleaved>} : vector<64xf8E4M3FN> -> vector<32xbf16>
          %unpack3A_551 = tpu.unpack_subelements %bitcast3A_549, 1 {pack_format = #tpu.pack_format<interleaved>} : vector<64xf8E4M3FN> -> vector<32xbf16>
          %mul3A_552 = arith.mulf %unpack3A_547, %unpack3A_550 : vector<32xbf16>
          %mul3A_553 = arith.mulf %unpack3A_548, %unpack3A_551 : vector<32xbf16>
          %add3A_554 = arith.addf %add3A_533, %mul3A_552 : vector<32xbf16>
          %add3A_555 = arith.addf %add3A_534, %mul3A_553 : vector<32xbf16>
          %add3A_556 = arith.addf %add3A_554, %add3A_555 : vector<32xbf16>
          %unpack3A_557 = tpu.unpack_subelements %add3A_556, 0 {pack_format = #tpu.pack_format<interleaved>} : vector<32xbf16> -> vector<16xf32>
          %unpack3A_558 = tpu.unpack_subelements %add3A_556, 1 {pack_format = #tpu.pack_format<interleaved>} : vector<32xbf16> -> vector<16xf32>
          %add3A_559 = arith.addf %add3A_386, %unpack3A_557 : vector<16xf32>
          %add3A_560 = arith.addf %add3A_387, %unpack3A_558 : vector<16xf32>
          scf.yield %add3A_559, %add3A_560 : vector<16xf32>, vector<16xf32>
        }
        %scan3A_161 = arith.constant 8 : i32
        %add3A_162 = arith.addf %scan3A_160#0, %scan3A_160#1 : vector<16xf32>
        %mul3A_163 = arith.constant 2.000000e+00 : f32
        %mul3A_164 = vector.broadcast %mul3A_163 : f32 to vector<16xf32>
        %mul3A_165 = arith.mulf %mul3A_164, %add3A_162 : vector<16xf32>
        %sub3A_166 = arith.constant 2.000000e+00 : f32
        %sub3A_167 = vector.broadcast %sub3A_166 : f32 to vector<16xf32>
        %sub3A_168 = arith.subf %sub3A_167, %mul3A_165 : vector<16xf32>
        %max3A = arith.constant 0.000000e+00 : f32
        %max3A_169 = vector.broadcast %max3A : f32 to vector<16xf32>
        %max3A_170 = arith.maximumf %sub3A_168, %max3A_169 : vector<16xf32>
        %bitcast3A = vector.bitcast %max3A_170 : vector<16xf32> to vector<16xi32>
        %shift_right_arithmetic3A = arith.constant 1 : i32
        %shift_right_arithmetic3A_171 = vector.broadcast %shift_right_arithmetic3A : i32 to vector<16xi32>
        %shift_right_arithmetic3A_172 = arith.shrsi %bitcast3A, %shift_right_arithmetic3A_171 : vector<16xi32>
        %sub3A_173 = arith.constant 1597463007 : i32
        %sub3A_174 = vector.broadcast %sub3A_173 : i32 to vector<16xi32>
        %sub3A_175 = arith.subi %sub3A_174, %shift_right_arithmetic3A_172 : vector<16xi32>
        %bitcast3A_176 = vector.bitcast %sub3A_175 : vector<16xi32> to vector<16xf32>
        %mul3A_177 = arith.constant 5.000000e-01 : f32
        %mul3A_178 = vector.broadcast %mul3A_177 : f32 to vector<16xf32>
        %mul3A_179 = arith.mulf %mul3A_178, %max3A_170 : vector<16xf32>
        %mul3A_180 = arith.mulf %mul3A_179, %bitcast3A_176 : vector<16xf32>
        %mul3A_181 = arith.mulf %mul3A_180, %bitcast3A_176 : vector<16xf32>
        %sub3A_182 = arith.constant 1.500000e+00 : f32
        %sub3A_183 = vector.broadcast %sub3A_182 : f32 to vector<16xf32>
        %sub3A_184 = arith.subf %sub3A_183, %mul3A_181 : vector<16xf32>
        %mul3A_185 = arith.mulf %bitcast3A_176, %sub3A_184 : vector<16xf32>
        %mul3A_186 = arith.constant 5.000000e-01 : f32
        %mul3A_187 = vector.broadcast %mul3A_186 : f32 to vector<16xf32>
        %mul3A_188 = arith.mulf %mul3A_187, %max3A_170 : vector<16xf32>
        %mul3A_189 = arith.mulf %mul3A_188, %mul3A_185 : vector<16xf32>
        %mul3A_190 = arith.mulf %mul3A_189, %mul3A_185 : vector<16xf32>
        %sub3A_191 = arith.constant 1.500000e+00 : f32
        %sub3A_192 = vector.broadcast %sub3A_191 : f32 to vector<16xf32>
        %sub3A_193 = arith.subf %sub3A_192, %mul3A_190 : vector<16xf32>
        %mul3A_194 = arith.mulf %mul3A_185, %sub3A_193 : vector<16xf32>
        %mul3A_195 = arith.constant 5.000000e-01 : f32
        %mul3A_196 = vector.broadcast %mul3A_195 : f32 to vector<16xf32>
        %mul3A_197 = arith.mulf %mul3A_196, %max3A_170 : vector<16xf32>
        %mul3A_198 = arith.mulf %mul3A_197, %mul3A_194 : vector<16xf32>
        %mul3A_199 = arith.mulf %mul3A_198, %mul3A_194 : vector<16xf32>
        %sub3A_200 = arith.constant 1.500000e+00 : f32
        %sub3A_201 = vector.broadcast %sub3A_200 : f32 to vector<16xf32>
        %sub3A_202 = arith.subf %sub3A_201, %mul3A_199 : vector<16xf32>
        %mul3A_203 = arith.mulf %mul3A_194, %sub3A_202 : vector<16xf32>
        %mul3A_204 = arith.mulf %max3A_170, %mul3A_203 : vector<16xf32>
        %sub3A_205 = arith.constant 1.000000e+00 : f32
        %sub3A_206 = vector.broadcast %sub3A_205 : f32 to vector<16xf32>
        %sub3A_207 = arith.subf %mul3A_204, %sub3A_206 : vector<16xf32>
        %exp3A = math.exp %sub3A_207 : vector<16xf32>
        %add3A_208 = arith.constant 1.000000e+00 : f32
        %add3A_209 = vector.broadcast %add3A_208 : f32 to vector<16xf32>
        %add3A_210 = arith.addf %add3A_209, %exp3A : vector<16xf32>
        %div3A = arith.constant 1.000000e+00 : f32
        %div3A_211 = vector.broadcast %div3A : f32 to vector<16xf32>
        %div3A_212 = arith.divf %div3A_211, %add3A_210 : vector<16xf32>
        %mul3A_213 = arith.constant 16 : i32
        %mul3A_214 = arith.muli %scan3A_149, %mul3A_213 : i32
        %swap3A = arith.index_cast %mul3A_214 : i32 to index
        %swap3A_215 = tpu.vector_load %arg12[%swap3A] {strides = array<i32>} : memref<128xf32, #tpu.memory_space<vmem>>, vector<16xf32>,
        tpu.vector_store %arg12[%swap3A], %div3A_212 {strides = array<i32>} : memref<128xf32, #tpu.memory_space<vmem>>, vector<16xf32>,
        %scan3A_216 = arith.constant 0 : i32
        scf.yield %scan3A_216 : i32
      }
      %scan3A_96 = arith.constant 8 : i32
      %mul3A_97 = arith.constant 128 : i32
      %mul3A_98 = arith.muli %add3A_61, %mul3A_97 : i32
      %add3A_99 = arith.addi %mul3A_2, %mul3A_98 : i32
      %dma_start3A_100 = tpu.memref_slice %arg4[%add3A_99] : memref<160000xf32, #tpu.memory_space<hbm>> -> memref<128xf32, #tpu.memory_space<hbm>>
      %dma_start3A_101 = tpu.memref_slice %arg4[%add3A_99] : memref<160000xf32, #tpu.memory_space<hbm>> -> memref<128xf32, #tpu.memory_space<hbm>>
      tpu.enqueue_dma source(%arg12 : memref<128xf32, #tpu.memory_space<vmem>>) target(%dma_start3A_101 : memref<128xf32, #tpu.memory_space<hbm>>) target_semaphore(%arg18 : memref<!tpu.dma_semaphore, #tpu.memory_space<semaphore_mem>>)
      %mul3A_102 = arith.constant 2 : i32
      %mul3A_103 = arith.muli %mul3A_102, %while3A_56 : i32
      %add3A_104 = arith.constant 1 : i32
      %add3A_105 = arith.addi %mul3A_103, %add3A_104 : i32
      %mul3A_106 = arith.constant 128 : i32
      %mul3A_107 = arith.muli %add3A_105, %mul3A_106 : i32
      %lt3A_108 = arith.constant 8 : i32
      %lt3A_109 = arith.cmpi slt, %add3A_105, %lt3A_108 : i32
      %convert_element_type3A_110 = arith.extui %lt3A_109 : i1 to i32
      %cond3A_111 = arith.constant 0 : i32
      %cond3A_112 = arith.cmpi ne, %convert_element_type3A_110, %cond3A_111 : i32
      scf.if %cond3A_112 {
        %dma_wait3A_149 = tpu.memref_slice %arg6[%mul3A_107] : memref<5120xi32, #tpu.memory_space<vmem>> -> memref<128xi32, #tpu.memory_space<vmem>>
        %dma_wait3A_150 = arith.constant 0 : i32
        %dma_wait3A_151 = arith.constant 0 : i32
        %dma_wait3A_152 = tpu.memref_slice %arg2[%dma_wait3A_150, %dma_wait3A_151] : memref<10240x64xi32, #tpu.memory_space<hbm>> -> memref<10240x64xi32, #tpu.memory_space<hbm>>
        tpu.wait_indirect_dma semaphore(%arg15 : memref<!tpu.dma_semaphore, #tpu.memory_space<semaphore_mem>>) src(%dma_wait3A_152 : memref<10240x64xi32, #tpu.memory_space<hbm>>) dst(%arg9 : memref<128x64xi32, #tpu.memory_space<vmem>>)
        %dma_wait3A_153 = tpu.memref_slice %arg7[%mul3A_107] : memref<5120xi32, #tpu.memory_space<vmem>> -> memref<128xi32, #tpu.memory_space<vmem>>
        %dma_wait3A_154 = arith.constant 0 : i32
        %dma_wait3A_155 = arith.constant 0 : i32
        %dma_wait3A_156 = tpu.memref_slice %arg2[%dma_wait3A_154, %dma_wait3A_155] : memref<10240x64xi32, #tpu.memory_space<hbm>> -> memref<10240x64xi32, #tpu.memory_space<hbm>>
        tpu.wait_indirect_dma semaphore(%arg17 : memref<!tpu.dma_semaphore, #tpu.memory_space<semaphore_mem>>) src(%dma_wait3A_156 : memref<10240x64xi32, #tpu.memory_space<hbm>>) dst(%arg11 : memref<128x64xi32, #tpu.memory_space<vmem>>)
      } else {
      }
      %ge3A_113 = arith.constant 8 : i32
      %ge3A_114 = arith.cmpi sge, %add3A_105, %ge3A_113 : i32
      %convert_element_type3A_115 = arith.extui %ge3A_114 : i1 to i32
      %cond3A_116 = arith.constant 0 : i32
      %cond3A_117 = arith.cmpi ne, %convert_element_type3A_115, %cond3A_116 : i32
      scf.if %cond3A_117 {
        %dma_wait3A_149 = tpu.memref_slice %arg6[%mul3A_107] : memref<5120xi32, #tpu.memory_space<vmem>> -> memref<128xi32, #tpu.memory_space<vmem>>
        %dma_wait3A_150 = arith.constant 0 : i32
        %dma_wait3A_151 = arith.constant 0 : i32
        %dma_wait3A_152 = tpu.memref_slice %arg5[%dma_wait3A_150, %dma_wait3A_151] : memref<10240x64xi32, #tpu.memory_space<vmem_shared>> -> memref<10240x64xi32, #tpu.memory_space<vmem_shared>>
        tpu.wait_indirect_dma semaphore(%arg15 : memref<!tpu.dma_semaphore, #tpu.memory_space<semaphore_mem>>) src(%dma_wait3A_152 : memref<10240x64xi32, #tpu.memory_space<vmem_shared>>) dst(%arg9 : memref<128x64xi32, #tpu.memory_space<vmem>>)
        %dma_wait3A_153 = tpu.memref_slice %arg7[%mul3A_107] : memref<5120xi32, #tpu.memory_space<vmem>> -> memref<128xi32, #tpu.memory_space<vmem>>
        %dma_wait3A_154 = arith.constant 0 : i32
        %dma_wait3A_155 = arith.constant 0 : i32
        %dma_wait3A_156 = tpu.memref_slice %arg5[%dma_wait3A_154, %dma_wait3A_155] : memref<10240x64xi32, #tpu.memory_space<vmem_shared>> -> memref<10240x64xi32, #tpu.memory_space<vmem_shared>>
        tpu.wait_indirect_dma semaphore(%arg17 : memref<!tpu.dma_semaphore, #tpu.memory_space<semaphore_mem>>) src(%dma_wait3A_156 : memref<10240x64xi32, #tpu.memory_space<vmem_shared>>) dst(%arg11 : memref<128x64xi32, #tpu.memory_space<vmem>>)
      } else {
      }
      %add3A_118 = arith.constant 1 : i32
      %add3A_119 = arith.addi %add3A_105, %add3A_118 : i32
      %eq3A_120 = arith.constant 8 : i32
      %eq3A_121 = arith.cmpi eq, %add3A_119, %eq3A_120 : i32
      %convert_element_type3A_122 = arith.extui %eq3A_121 : i1 to i32
      %cond3A_123 = arith.constant 0 : i32
      %cond3A_124 = arith.cmpi ne, %convert_element_type3A_122, %cond3A_123 : i32
      scf.if %cond3A_124 {
        %mul3A_149 = arith.constant 640 : i32
        %mul3A_150 = arith.muli %arg1, %mul3A_149 : i32
        %mul3A_151 = arith.constant 640 : i32
        %mul3A_152 = arith.muli %arg1, %mul3A_151 : i32
        %dma_wait3A_153 = arith.constant 0 : i32
        %dma_wait3A_154 = tpu.memref_slice %arg5[%mul3A_152, %dma_wait3A_153] : memref<10240x64xi32, #tpu.memory_space<vmem_shared>> -> memref<640x64xi32, #tpu.memory_space<vmem_shared>>
        %dma_wait3A_155 = arith.constant 0 : i32
        %dma_wait3A_156 = tpu.memref_slice %arg2[%mul3A_150, %dma_wait3A_155] : memref<10240x64xi32, #tpu.memory_space<hbm>> -> memref<640x64xi32, #tpu.memory_space<hbm>>
        tpu.wait_dma2 semaphore(%arg20 : memref<!tpu.dma_semaphore, #tpu.memory_space<semaphore_mem>>) src(%dma_wait3A_156 : memref<640x64xi32, #tpu.memory_space<hbm>>) dst(%dma_wait3A_154 : memref<640x64xi32, #tpu.memory_space<vmem_shared>>)
        %barrier3A = arith.constant 0 : index
        tpu.barrier barrier_id(%barrier3A)
      } else {
      }
      %add3A_125 = arith.constant 1 : i32
      %add3A_126 = arith.addi %add3A_105, %add3A_125 : i32
      %lt3A_127 = arith.cmpi slt, %add3A_126, %mul3A_8 : i32
      %convert_element_type3A_128 = arith.extui %lt3A_127 : i1 to i32
      %cond3A_129 = arith.constant 0 : i32
      %cond3A_130 = arith.cmpi ne, %convert_element_type3A_128, %cond3A_129 : i32
      scf.if %cond3A_130 {
        %add3A_149 = arith.constant 1 : i32
        %add3A_150 = arith.addi %add3A_105, %add3A_149 : i32
        %mul3A_151 = arith.constant 128 : i32
        %mul3A_152 = arith.muli %add3A_150, %mul3A_151 : i32
        %lt3A_153 = arith.constant 8 : i32
        %lt3A_154 = arith.cmpi slt, %add3A_150, %lt3A_153 : i32
        %convert_element_type3A_155 = arith.extui %lt3A_154 : i1 to i32
        %cond3A_156 = arith.constant 0 : i32
        %cond3A_157 = arith.cmpi ne, %convert_element_type3A_155, %cond3A_156 : i32
        scf.if %cond3A_157 {
          %dma_start3A_163 = tpu.memref_slice %arg6[%mul3A_152] : memref<5120xi32, #tpu.memory_space<vmem>> -> memref<128xi32, #tpu.memory_space<vmem>>
          %dma_start3A_164 = arith.constant 0 : i32
          %dma_start3A_165 = arith.constant 0 : i32
          %dma_start3A_166 = tpu.memref_slice %arg2[%dma_start3A_164, %dma_start3A_165] : memref<10240x64xi32, #tpu.memory_space<hbm>> -> memref<10240x64xi32, #tpu.memory_space<hbm>>
          tpu.enqueue_indirect_dma source(%dma_start3A_166 : memref<10240x64xi32, #tpu.memory_space<hbm>>) target(%arg8 : memref<128x64xi32, #tpu.memory_space<vmem>>) offsets(%dma_start3A_163 : memref<128xi32, #tpu.memory_space<vmem>>) semaphore(%arg14 : memref<!tpu.dma_semaphore, #tpu.memory_space<semaphore_mem>>)
          %dma_start3A_167 = tpu.memref_slice %arg7[%mul3A_152] : memref<5120xi32, #tpu.memory_space<vmem>> -> memref<128xi32, #tpu.memory_space<vmem>>
          %dma_start3A_168 = arith.constant 0 : i32
          %dma_start3A_169 = arith.constant 0 : i32
          %dma_start3A_170 = tpu.memref_slice %arg2[%dma_start3A_168, %dma_start3A_169] : memref<10240x64xi32, #tpu.memory_space<hbm>> -> memref<10240x64xi32, #tpu.memory_space<hbm>>
          tpu.enqueue_indirect_dma source(%dma_start3A_170 : memref<10240x64xi32, #tpu.memory_space<hbm>>) target(%arg10 : memref<128x64xi32, #tpu.memory_space<vmem>>) offsets(%dma_start3A_167 : memref<128xi32, #tpu.memory_space<vmem>>) semaphore(%arg16 : memref<!tpu.dma_semaphore, #tpu.memory_space<semaphore_mem>>)
        } else {
        }
        %ge3A_158 = arith.constant 8 : i32
        %ge3A_159 = arith.cmpi sge, %add3A_150, %ge3A_158 : i32
        %convert_element_type3A_160 = arith.extui %ge3A_159 : i1 to i32
        %cond3A_161 = arith.constant 0 : i32
        %cond3A_162 = arith.cmpi ne, %convert_element_type3A_160, %cond3A_161 : i32
        scf.if %cond3A_162 {
          %dma_start3A_163 = tpu.memref_slice %arg6[%mul3A_152] : memref<5120xi32, #tpu.memory_space<vmem>> -> memref<128xi32, #tpu.memory_space<vmem>>
          %dma_start3A_164 = arith.constant 0 : i32
          %dma_start3A_165 = arith.constant 0 : i32
          %dma_start3A_166 = tpu.memref_slice %arg5[%dma_start3A_164, %dma_start3A_165] : memref<10240x64xi32, #tpu.memory_space<vmem_shared>> -> memref<10240x64xi32, #tpu.memory_space<vmem_shared>>
          tpu.enqueue_indirect_dma source(%dma_start3A_166 : memref<10240x64xi32, #tpu.memory_space<vmem_shared>>) target(%arg8 : memref<128x64xi32, #tpu.memory_space<vmem>>) offsets(%dma_start3A_163 : memref<128xi32, #tpu.memory_space<vmem>>) semaphore(%arg14 : memref<!tpu.dma_semaphore, #tpu.memory_space<semaphore_mem>>)
          %dma_start3A_167 = tpu.memref_slice %arg7[%mul3A_152] : memref<5120xi32, #tpu.memory_space<vmem>> -> memref<128xi32, #tpu.memory_space<vmem>>
          %dma_start3A_168 = arith.constant 0 : i32
          %dma_start3A_169 = arith.constant 0 : i32
          %dma_start3A_170 = tpu.memref_slice %arg5[%dma_start3A_168, %dma_start3A_169] : memref<10240x64xi32, #tpu.memory_space<vmem_shared>> -> memref<10240x64xi32, #tpu.memory_space<vmem_shared>>
          tpu.enqueue_indirect_dma source(%dma_start3A_170 : memref<10240x64xi32, #tpu.memory_space<vmem_shared>>) target(%arg10 : memref<128x64xi32, #tpu.memory_space<vmem>>) offsets(%dma_start3A_167 : memref<128xi32, #tpu.memory_space<vmem>>) semaphore(%arg16 : memref<!tpu.dma_semaphore, #tpu.memory_space<semaphore_mem>>)
        } else {
        }
      } else {
      }
      %ge3A_131 = arith.constant 2 : i32
      %ge3A_132 = arith.cmpi sge, %add3A_105, %ge3A_131 : i32
      %convert_element_type3A_133 = arith.extui %ge3A_132 : i1 to i32
      %cond3A_134 = arith.constant 0 : i32
      %cond3A_135 = arith.cmpi ne, %convert_element_type3A_133, %cond3A_134 : i32
      scf.if %cond3A_135 {
        %sub3A_149 = arith.constant 2 : i32
        %sub3A_150 = arith.subi %add3A_105, %sub3A_149 : i32
        %mul3A_151 = arith.constant 128 : i32
        %mul3A_152 = arith.muli %sub3A_150, %mul3A_151 : i32
        %add3A_153 = arith.addi %mul3A_2, %mul3A_152 : i32
        %dma_wait3A_154 = tpu.memref_slice %arg4[%add3A_153] : memref<160000xf32, #tpu.memory_space<hbm>> -> memref<128xf32, #tpu.memory_space<hbm>>
        %dma_wait3A_155 = tpu.memref_slice %arg4[%add3A_153] : memref<160000xf32, #tpu.memory_space<hbm>> -> memref<128xf32, #tpu.memory_space<hbm>>
        tpu.wait_dma2 semaphore(%arg19 : memref<!tpu.dma_semaphore, #tpu.memory_space<semaphore_mem>>) src(%arg13 : memref<128xf32, #tpu.memory_space<vmem>>) dst(%dma_wait3A_155 : memref<128xf32, #tpu.memory_space<hbm>>)
      } else {
      }
      %scan3A_136 = arith.constant 0 : i32
      %scan3A_137 = arith.constant 0 : i32
      %scan3A_138 = arith.constant 8 : i32
      %scan3A_139 = arith.addi %scan3A_137, %scan3A_138 : i32
      %scan3A_140 = arith.constant 1 : i32
      %scan3A_141 = scf.for %scan3A_149 = %scan3A_137 to %scan3A_139 step %scan3A_140 iter_args(%scan3A_150 = %scan3A_136) -> (i32)  : i32 {
        %mul3A_151 = arith.constant 16 : i32
        %mul3A_152 = arith.muli %scan3A_149, %mul3A_151 : i32
        %add3A_153 = vector.broadcast %mul3A_152 : i32 to vector<16xi32>
        %add3A_154 = arith.addi %add3A_153, %iota3A : vector<16xi32>
        %broadcast_in_dim3A = arith.constant 0.000000e+00 : f32
        %broadcast_in_dim3A_155 = vector.broadcast %broadcast_in_dim3A : f32 to vector<16xf32>
        %scan3A_156 = arith.constant 0 : i32
        %scan3A_157 = arith.constant 8 : i32
        %scan3A_158 = arith.addi %scan3A_156, %scan3A_157 : i32
        %scan3A_159 = arith.constant 2 : i32
        %scan3A_160:2 = scf.for %scan3A_217 = %scan3A_156 to %scan3A_158 step %scan3A_159 iter_args(%scan3A_218 = %broadcast_in_dim3A_155, %scan3A_219 = %broadcast_in_dim3A_155) -> (vector<16xf32>, vector<16xf32>)  : i32 {
          %mul3A_220 = arith.constant 8 : i32
          %mul3A_221 = arith.muli %scan3A_217, %mul3A_220 : i32
          %add3A_222 = arith.constant 0 : i32
          %add3A_223 = arith.addi %mul3A_221, %add3A_222 : i32
          %add3A_224 = vector.broadcast %add3A_223 : i32 to vector<16xi32>
          %add3A_225 = arith.addi %add3A_224, %iota3A : vector<16xi32>
          %and3A = arith.constant 63 : i32
          %and3A_226 = vector.broadcast %and3A : i32 to vector<16xi32>
          %and3A_227 = arith.andi %add3A_225, %and3A_226 : vector<16xi32>
          %gather3A = tpu.vector_load_idx %arg9[%add3A_154, %and3A_227] : memref<128x64xi32, #tpu.memory_space<vmem>>[vector<16xi32>, vector<16xi32>], vector<16xi32>,
          %gather3A_228 = tpu.vector_load_idx %arg11[%add3A_154, %and3A_227] : memref<128x64xi32, #tpu.memory_space<vmem>>[vector<16xi32>, vector<16xi32>], vector<16xi32>,
          %bitcast3A_229 = vector.bitcast %gather3A : vector<16xi32> to vector<64xf8E4M3FN>
          %unpack3A = tpu.unpack_subelements %bitcast3A_229, 0 {pack_format = #tpu.pack_format<interleaved>} : vector<64xf8E4M3FN> -> vector<32xbf16>
          %unpack3A_230 = tpu.unpack_subelements %bitcast3A_229, 1 {pack_format = #tpu.pack_format<interleaved>} : vector<64xf8E4M3FN> -> vector<32xbf16>
          %bitcast3A_231 = vector.bitcast %gather3A_228 : vector<16xi32> to vector<64xf8E4M3FN>
          %unpack3A_232 = tpu.unpack_subelements %bitcast3A_231, 0 {pack_format = #tpu.pack_format<interleaved>} : vector<64xf8E4M3FN> -> vector<32xbf16>
          %unpack3A_233 = tpu.unpack_subelements %bitcast3A_231, 1 {pack_format = #tpu.pack_format<interleaved>} : vector<64xf8E4M3FN> -> vector<32xbf16>
          %mul3A_234 = arith.mulf %unpack3A, %unpack3A_232 : vector<32xbf16>
          %mul3A_235 = arith.mulf %unpack3A_230, %unpack3A_233 : vector<32xbf16>
          %mul3A_236 = arith.constant 8 : i32
          %mul3A_237 = arith.muli %scan3A_217, %mul3A_236 : i32
          %add3A_238 = arith.constant 1 : i32
          %add3A_239 = arith.addi %mul3A_237, %add3A_238 : i32
          %add3A_240 = vector.broadcast %add3A_239 : i32 to vector<16xi32>
          %add3A_241 = arith.addi %add3A_240, %iota3A : vector<16xi32>
          %and3A_242 = arith.constant 63 : i32
          %and3A_243 = vector.broadcast %and3A_242 : i32 to vector<16xi32>
          %and3A_244 = arith.andi %add3A_241, %and3A_243 : vector<16xi32>
          %gather3A_245 = tpu.vector_load_idx %arg9[%add3A_154, %and3A_244] : memref<128x64xi32, #tpu.memory_space<vmem>>[vector<16xi32>, vector<16xi32>], vector<16xi32>,
          %gather3A_246 = tpu.vector_load_idx %arg11[%add3A_154, %and3A_244] : memref<128x64xi32, #tpu.memory_space<vmem>>[vector<16xi32>, vector<16xi32>], vector<16xi32>,
          %bitcast3A_247 = vector.bitcast %gather3A_245 : vector<16xi32> to vector<64xf8E4M3FN>
          %unpack3A_248 = tpu.unpack_subelements %bitcast3A_247, 0 {pack_format = #tpu.pack_format<interleaved>} : vector<64xf8E4M3FN> -> vector<32xbf16>
          %unpack3A_249 = tpu.unpack_subelements %bitcast3A_247, 1 {pack_format = #tpu.pack_format<interleaved>} : vector<64xf8E4M3FN> -> vector<32xbf16>
          %bitcast3A_250 = vector.bitcast %gather3A_246 : vector<16xi32> to vector<64xf8E4M3FN>
          %unpack3A_251 = tpu.unpack_subelements %bitcast3A_250, 0 {pack_format = #tpu.pack_format<interleaved>} : vector<64xf8E4M3FN> -> vector<32xbf16>
          %unpack3A_252 = tpu.unpack_subelements %bitcast3A_250, 1 {pack_format = #tpu.pack_format<interleaved>} : vector<64xf8E4M3FN> -> vector<32xbf16>
          %mul3A_253 = arith.mulf %unpack3A_248, %unpack3A_251 : vector<32xbf16>
          %mul3A_254 = arith.mulf %unpack3A_249, %unpack3A_252 : vector<32xbf16>
          %add3A_255 = arith.addf %mul3A_234, %mul3A_253 : vector<32xbf16>
          %add3A_256 = arith.addf %mul3A_235, %mul3A_254 : vector<32xbf16>
          %mul3A_257 = arith.constant 8 : i32
          %mul3A_258 = arith.muli %scan3A_217, %mul3A_257 : i32
          %add3A_259 = arith.constant 2 : i32
          %add3A_260 = arith.addi %mul3A_258, %add3A_259 : i32
          %add3A_261 = vector.broadcast %add3A_260 : i32 to vector<16xi32>
          %add3A_262 = arith.addi %add3A_261, %iota3A : vector<16xi32>
          %and3A_263 = arith.constant 63 : i32
          %and3A_264 = vector.broadcast %and3A_263 : i32 to vector<16xi32>
          %and3A_265 = arith.andi %add3A_262, %and3A_264 : vector<16xi32>
          %gather3A_266 = tpu.vector_load_idx %arg9[%add3A_154, %and3A_265] : memref<128x64xi32, #tpu.memory_space<vmem>>[vector<16xi32>, vector<16xi32>], vector<16xi32>,
          %gather3A_267 = tpu.vector_load_idx %arg11[%add3A_154, %and3A_265] : memref<128x64xi32, #tpu.memory_space<vmem>>[vector<16xi32>, vector<16xi32>], vector<16xi32>,
          %bitcast3A_268 = vector.bitcast %gather3A_266 : vector<16xi32> to vector<64xf8E4M3FN>
          %unpack3A_269 = tpu.unpack_subelements %bitcast3A_268, 0 {pack_format = #tpu.pack_format<interleaved>} : vector<64xf8E4M3FN> -> vector<32xbf16>
          %unpack3A_270 = tpu.unpack_subelements %bitcast3A_268, 1 {pack_format = #tpu.pack_format<interleaved>} : vector<64xf8E4M3FN> -> vector<32xbf16>
          %bitcast3A_271 = vector.bitcast %gather3A_267 : vector<16xi32> to vector<64xf8E4M3FN>
          %unpack3A_272 = tpu.unpack_subelements %bitcast3A_271, 0 {pack_format = #tpu.pack_format<interleaved>} : vector<64xf8E4M3FN> -> vector<32xbf16>
          %unpack3A_273 = tpu.unpack_subelements %bitcast3A_271, 1 {pack_format = #tpu.pack_format<interleaved>} : vector<64xf8E4M3FN> -> vector<32xbf16>
          %mul3A_274 = arith.mulf %unpack3A_269, %unpack3A_272 : vector<32xbf16>
          %mul3A_275 = arith.mulf %unpack3A_270, %unpack3A_273 : vector<32xbf16>
          %add3A_276 = arith.addf %add3A_255, %mul3A_274 : vector<32xbf16>
          %add3A_277 = arith.addf %add3A_256, %mul3A_275 : vector<32xbf16>
          %mul3A_278 = arith.constant 8 : i32
          %mul3A_279 = arith.muli %scan3A_217, %mul3A_278 : i32
          %add3A_280 = arith.constant 3 : i32
          %add3A_281 = arith.addi %mul3A_279, %add3A_280 : i32
          %add3A_282 = vector.broadcast %add3A_281 : i32 to vector<16xi32>
          %add3A_283 = arith.addi %add3A_282, %iota3A : vector<16xi32>
          %and3A_284 = arith.constant 63 : i32
          %and3A_285 = vector.broadcast %and3A_284 : i32 to vector<16xi32>
          %and3A_286 = arith.andi %add3A_283, %and3A_285 : vector<16xi32>
          %gather3A_287 = tpu.vector_load_idx %arg9[%add3A_154, %and3A_286] : memref<128x64xi32, #tpu.memory_space<vmem>>[vector<16xi32>, vector<16xi32>], vector<16xi32>,
          %gather3A_288 = tpu.vector_load_idx %arg11[%add3A_154, %and3A_286] : memref<128x64xi32, #tpu.memory_space<vmem>>[vector<16xi32>, vector<16xi32>], vector<16xi32>,
          %bitcast3A_289 = vector.bitcast %gather3A_287 : vector<16xi32> to vector<64xf8E4M3FN>
          %unpack3A_290 = tpu.unpack_subelements %bitcast3A_289, 0 {pack_format = #tpu.pack_format<interleaved>} : vector<64xf8E4M3FN> -> vector<32xbf16>
          %unpack3A_291 = tpu.unpack_subelements %bitcast3A_289, 1 {pack_format = #tpu.pack_format<interleaved>} : vector<64xf8E4M3FN> -> vector<32xbf16>
          %bitcast3A_292 = vector.bitcast %gather3A_288 : vector<16xi32> to vector<64xf8E4M3FN>
          %unpack3A_293 = tpu.unpack_subelements %bitcast3A_292, 0 {pack_format = #tpu.pack_format<interleaved>} : vector<64xf8E4M3FN> -> vector<32xbf16>
          %unpack3A_294 = tpu.unpack_subelements %bitcast3A_292, 1 {pack_format = #tpu.pack_format<interleaved>} : vector<64xf8E4M3FN> -> vector<32xbf16>
          %mul3A_295 = arith.mulf %unpack3A_290, %unpack3A_293 : vector<32xbf16>
          %mul3A_296 = arith.mulf %unpack3A_291, %unpack3A_294 : vector<32xbf16>
          %add3A_297 = arith.addf %add3A_276, %mul3A_295 : vector<32xbf16>
          %add3A_298 = arith.addf %add3A_277, %mul3A_296 : vector<32xbf16>
          %mul3A_299 = arith.constant 8 : i32
          %mul3A_300 = arith.muli %scan3A_217, %mul3A_299 : i32
          %add3A_301 = arith.constant 4 : i32
          %add3A_302 = arith.addi %mul3A_300, %add3A_301 : i32
          %add3A_303 = vector.broadcast %add3A_302 : i32 to vector<16xi32>
          %add3A_304 = arith.addi %add3A_303, %iota3A : vector<16xi32>
          %and3A_305 = arith.constant 63 : i32
          %and3A_306 = vector.broadcast %and3A_305 : i32 to vector<16xi32>
          %and3A_307 = arith.andi %add3A_304, %and3A_306 : vector<16xi32>
          %gather3A_308 = tpu.vector_load_idx %arg9[%add3A_154, %and3A_307] : memref<128x64xi32, #tpu.memory_space<vmem>>[vector<16xi32>, vector<16xi32>], vector<16xi32>,
          %gather3A_309 = tpu.vector_load_idx %arg11[%add3A_154, %and3A_307] : memref<128x64xi32, #tpu.memory_space<vmem>>[vector<16xi32>, vector<16xi32>], vector<16xi32>,
          %bitcast3A_310 = vector.bitcast %gather3A_308 : vector<16xi32> to vector<64xf8E4M3FN>
          %unpack3A_311 = tpu.unpack_subelements %bitcast3A_310, 0 {pack_format = #tpu.pack_format<interleaved>} : vector<64xf8E4M3FN> -> vector<32xbf16>
          %unpack3A_312 = tpu.unpack_subelements %bitcast3A_310, 1 {pack_format = #tpu.pack_format<interleaved>} : vector<64xf8E4M3FN> -> vector<32xbf16>
          %bitcast3A_313 = vector.bitcast %gather3A_309 : vector<16xi32> to vector<64xf8E4M3FN>
          %unpack3A_314 = tpu.unpack_subelements %bitcast3A_313, 0 {pack_format = #tpu.pack_format<interleaved>} : vector<64xf8E4M3FN> -> vector<32xbf16>
          %unpack3A_315 = tpu.unpack_subelements %bitcast3A_313, 1 {pack_format = #tpu.pack_format<interleaved>} : vector<64xf8E4M3FN> -> vector<32xbf16>
          %mul3A_316 = arith.mulf %unpack3A_311, %unpack3A_314 : vector<32xbf16>
          %mul3A_317 = arith.mulf %unpack3A_312, %unpack3A_315 : vector<32xbf16>
          %add3A_318 = arith.addf %add3A_297, %mul3A_316 : vector<32xbf16>
          %add3A_319 = arith.addf %add3A_298, %mul3A_317 : vector<32xbf16>
          %mul3A_320 = arith.constant 8 : i32
          %mul3A_321 = arith.muli %scan3A_217, %mul3A_320 : i32
          %add3A_322 = arith.constant 5 : i32
          %add3A_323 = arith.addi %mul3A_321, %add3A_322 : i32
          %add3A_324 = vector.broadcast %add3A_323 : i32 to vector<16xi32>
          %add3A_325 = arith.addi %add3A_324, %iota3A : vector<16xi32>
          %and3A_326 = arith.constant 63 : i32
          %and3A_327 = vector.broadcast %and3A_326 : i32 to vector<16xi32>
          %and3A_328 = arith.andi %add3A_325, %and3A_327 : vector<16xi32>
          %gather3A_329 = tpu.vector_load_idx %arg9[%add3A_154, %and3A_328] : memref<128x64xi32, #tpu.memory_space<vmem>>[vector<16xi32>, vector<16xi32>], vector<16xi32>,
          %gather3A_330 = tpu.vector_load_idx %arg11[%add3A_154, %and3A_328] : memref<128x64xi32, #tpu.memory_space<vmem>>[vector<16xi32>, vector<16xi32>], vector<16xi32>,
          %bitcast3A_331 = vector.bitcast %gather3A_329 : vector<16xi32> to vector<64xf8E4M3FN>
          %unpack3A_332 = tpu.unpack_subelements %bitcast3A_331, 0 {pack_format = #tpu.pack_format<interleaved>} : vector<64xf8E4M3FN> -> vector<32xbf16>
          %unpack3A_333 = tpu.unpack_subelements %bitcast3A_331, 1 {pack_format = #tpu.pack_format<interleaved>} : vector<64xf8E4M3FN> -> vector<32xbf16>
          %bitcast3A_334 = vector.bitcast %gather3A_330 : vector<16xi32> to vector<64xf8E4M3FN>
          %unpack3A_335 = tpu.unpack_subelements %bitcast3A_334, 0 {pack_format = #tpu.pack_format<interleaved>} : vector<64xf8E4M3FN> -> vector<32xbf16>
          %unpack3A_336 = tpu.unpack_subelements %bitcast3A_334, 1 {pack_format = #tpu.pack_format<interleaved>} : vector<64xf8E4M3FN> -> vector<32xbf16>
          %mul3A_337 = arith.mulf %unpack3A_332, %unpack3A_335 : vector<32xbf16>
          %mul3A_338 = arith.mulf %unpack3A_333, %unpack3A_336 : vector<32xbf16>
          %add3A_339 = arith.addf %add3A_318, %mul3A_337 : vector<32xbf16>
          %add3A_340 = arith.addf %add3A_319, %mul3A_338 : vector<32xbf16>
          %mul3A_341 = arith.constant 8 : i32
          %mul3A_342 = arith.muli %scan3A_217, %mul3A_341 : i32
          %add3A_343 = arith.constant 6 : i32
          %add3A_344 = arith.addi %mul3A_342, %add3A_343 : i32
          %add3A_345 = vector.broadcast %add3A_344 : i32 to vector<16xi32>
          %add3A_346 = arith.addi %add3A_345, %iota3A : vector<16xi32>
          %and3A_347 = arith.constant 63 : i32
          %and3A_348 = vector.broadcast %and3A_347 : i32 to vector<16xi32>
          %and3A_349 = arith.andi %add3A_346, %and3A_348 : vector<16xi32>
          %gather3A_350 = tpu.vector_load_idx %arg9[%add3A_154, %and3A_349] : memref<128x64xi32, #tpu.memory_space<vmem>>[vector<16xi32>, vector<16xi32>], vector<16xi32>,
          %gather3A_351 = tpu.vector_load_idx %arg11[%add3A_154, %and3A_349] : memref<128x64xi32, #tpu.memory_space<vmem>>[vector<16xi32>, vector<16xi32>], vector<16xi32>,
          %bitcast3A_352 = vector.bitcast %gather3A_350 : vector<16xi32> to vector<64xf8E4M3FN>
          %unpack3A_353 = tpu.unpack_subelements %bitcast3A_352, 0 {pack_format = #tpu.pack_format<interleaved>} : vector<64xf8E4M3FN> -> vector<32xbf16>
          %unpack3A_354 = tpu.unpack_subelements %bitcast3A_352, 1 {pack_format = #tpu.pack_format<interleaved>} : vector<64xf8E4M3FN> -> vector<32xbf16>
          %bitcast3A_355 = vector.bitcast %gather3A_351 : vector<16xi32> to vector<64xf8E4M3FN>
          %unpack3A_356 = tpu.unpack_subelements %bitcast3A_355, 0 {pack_format = #tpu.pack_format<interleaved>} : vector<64xf8E4M3FN> -> vector<32xbf16>
          %unpack3A_357 = tpu.unpack_subelements %bitcast3A_355, 1 {pack_format = #tpu.pack_format<interleaved>} : vector<64xf8E4M3FN> -> vector<32xbf16>
          %mul3A_358 = arith.mulf %unpack3A_353, %unpack3A_356 : vector<32xbf16>
          %mul3A_359 = arith.mulf %unpack3A_354, %unpack3A_357 : vector<32xbf16>
          %add3A_360 = arith.addf %add3A_339, %mul3A_358 : vector<32xbf16>
          %add3A_361 = arith.addf %add3A_340, %mul3A_359 : vector<32xbf16>
          %mul3A_362 = arith.constant 8 : i32
          %mul3A_363 = arith.muli %scan3A_217, %mul3A_362 : i32
          %add3A_364 = arith.constant 7 : i32
          %add3A_365 = arith.addi %mul3A_363, %add3A_364 : i32
          %add3A_366 = vector.broadcast %add3A_365 : i32 to vector<16xi32>
          %add3A_367 = arith.addi %add3A_366, %iota3A : vector<16xi32>
          %and3A_368 = arith.constant 63 : i32
          %and3A_369 = vector.broadcast %and3A_368 : i32 to vector<16xi32>
          %and3A_370 = arith.andi %add3A_367, %and3A_369 : vector<16xi32>
          %gather3A_371 = tpu.vector_load_idx %arg9[%add3A_154, %and3A_370] : memref<128x64xi32, #tpu.memory_space<vmem>>[vector<16xi32>, vector<16xi32>], vector<16xi32>,
          %gather3A_372 = tpu.vector_load_idx %arg11[%add3A_154, %and3A_370] : memref<128x64xi32, #tpu.memory_space<vmem>>[vector<16xi32>, vector<16xi32>], vector<16xi32>,
          %bitcast3A_373 = vector.bitcast %gather3A_371 : vector<16xi32> to vector<64xf8E4M3FN>
          %unpack3A_374 = tpu.unpack_subelements %bitcast3A_373, 0 {pack_format = #tpu.pack_format<interleaved>} : vector<64xf8E4M3FN> -> vector<32xbf16>
          %unpack3A_375 = tpu.unpack_subelements %bitcast3A_373, 1 {pack_format = #tpu.pack_format<interleaved>} : vector<64xf8E4M3FN> -> vector<32xbf16>
          %bitcast3A_376 = vector.bitcast %gather3A_372 : vector<16xi32> to vector<64xf8E4M3FN>
          %unpack3A_377 = tpu.unpack_subelements %bitcast3A_376, 0 {pack_format = #tpu.pack_format<interleaved>} : vector<64xf8E4M3FN> -> vector<32xbf16>
          %unpack3A_378 = tpu.unpack_subelements %bitcast3A_376, 1 {pack_format = #tpu.pack_format<interleaved>} : vector<64xf8E4M3FN> -> vector<32xbf16>
          %mul3A_379 = arith.mulf %unpack3A_374, %unpack3A_377 : vector<32xbf16>
          %mul3A_380 = arith.mulf %unpack3A_375, %unpack3A_378 : vector<32xbf16>
          %add3A_381 = arith.addf %add3A_360, %mul3A_379 : vector<32xbf16>
          %add3A_382 = arith.addf %add3A_361, %mul3A_380 : vector<32xbf16>
          %add3A_383 = arith.addf %add3A_381, %add3A_382 : vector<32xbf16>
          %unpack3A_384 = tpu.unpack_subelements %add3A_383, 0 {pack_format = #tpu.pack_format<interleaved>} : vector<32xbf16> -> vector<16xf32>
          %unpack3A_385 = tpu.unpack_subelements %add3A_383, 1 {pack_format = #tpu.pack_format<interleaved>} : vector<32xbf16> -> vector<16xf32>
          %add3A_386 = arith.addf %scan3A_218, %unpack3A_384 : vector<16xf32>
          %add3A_387 = arith.addf %scan3A_219, %unpack3A_385 : vector<16xf32>
          %scan3A_388 = arith.constant 1 : i32
          %scan3A_389 = arith.addi %scan3A_217, %scan3A_388 : i32
          %mul3A_390 = arith.constant 8 : i32
          %mul3A_391 = arith.muli %scan3A_389, %mul3A_390 : i32
          %add3A_392 = arith.constant 0 : i32
          %add3A_393 = arith.addi %mul3A_391, %add3A_392 : i32
          %add3A_394 = vector.broadcast %add3A_393 : i32 to vector<16xi32>
          %add3A_395 = arith.addi %add3A_394, %iota3A : vector<16xi32>
          %and3A_396 = arith.constant 63 : i32
          %and3A_397 = vector.broadcast %and3A_396 : i32 to vector<16xi32>
          %and3A_398 = arith.andi %add3A_395, %and3A_397 : vector<16xi32>
          %gather3A_399 = tpu.vector_load_idx %arg9[%add3A_154, %and3A_398] : memref<128x64xi32, #tpu.memory_space<vmem>>[vector<16xi32>, vector<16xi32>], vector<16xi32>,
          %gather3A_400 = tpu.vector_load_idx %arg11[%add3A_154, %and3A_398] : memref<128x64xi32, #tpu.memory_space<vmem>>[vector<16xi32>, vector<16xi32>], vector<16xi32>,
          %bitcast3A_401 = vector.bitcast %gather3A_399 : vector<16xi32> to vector<64xf8E4M3FN>
          %unpack3A_402 = tpu.unpack_subelements %bitcast3A_401, 0 {pack_format = #tpu.pack_format<interleaved>} : vector<64xf8E4M3FN> -> vector<32xbf16>
          %unpack3A_403 = tpu.unpack_subelements %bitcast3A_401, 1 {pack_format = #tpu.pack_format<interleaved>} : vector<64xf8E4M3FN> -> vector<32xbf16>
          %bitcast3A_404 = vector.bitcast %gather3A_400 : vector<16xi32> to vector<64xf8E4M3FN>
          %unpack3A_405 = tpu.unpack_subelements %bitcast3A_404, 0 {pack_format = #tpu.pack_format<interleaved>} : vector<64xf8E4M3FN> -> vector<32xbf16>
          %unpack3A_406 = tpu.unpack_subelements %bitcast3A_404, 1 {pack_format = #tpu.pack_format<interleaved>} : vector<64xf8E4M3FN> -> vector<32xbf16>
          %mul3A_407 = arith.mulf %unpack3A_402, %unpack3A_405 : vector<32xbf16>
          %mul3A_408 = arith.mulf %unpack3A_403, %unpack3A_406 : vector<32xbf16>
          %mul3A_409 = arith.constant 8 : i32
          %mul3A_410 = arith.muli %scan3A_389, %mul3A_409 : i32
          %add3A_411 = arith.constant 1 : i32
          %add3A_412 = arith.addi %mul3A_410, %add3A_411 : i32
          %add3A_413 = vector.broadcast %add3A_412 : i32 to vector<16xi32>
          %add3A_414 = arith.addi %add3A_413, %iota3A : vector<16xi32>
          %and3A_415 = arith.constant 63 : i32
          %and3A_416 = vector.broadcast %and3A_415 : i32 to vector<16xi32>
          %and3A_417 = arith.andi %add3A_414, %and3A_416 : vector<16xi32>
          %gather3A_418 = tpu.vector_load_idx %arg9[%add3A_154, %and3A_417] : memref<128x64xi32, #tpu.memory_space<vmem>>[vector<16xi32>, vector<16xi32>], vector<16xi32>,
          %gather3A_419 = tpu.vector_load_idx %arg11[%add3A_154, %and3A_417] : memref<128x64xi32, #tpu.memory_space<vmem>>[vector<16xi32>, vector<16xi32>], vector<16xi32>,
          %bitcast3A_420 = vector.bitcast %gather3A_418 : vector<16xi32> to vector<64xf8E4M3FN>
          %unpack3A_421 = tpu.unpack_subelements %bitcast3A_420, 0 {pack_format = #tpu.pack_format<interleaved>} : vector<64xf8E4M3FN> -> vector<32xbf16>
          %unpack3A_422 = tpu.unpack_subelements %bitcast3A_420, 1 {pack_format = #tpu.pack_format<interleaved>} : vector<64xf8E4M3FN> -> vector<32xbf16>
          %bitcast3A_423 = vector.bitcast %gather3A_419 : vector<16xi32> to vector<64xf8E4M3FN>
          %unpack3A_424 = tpu.unpack_subelements %bitcast3A_423, 0 {pack_format = #tpu.pack_format<interleaved>} : vector<64xf8E4M3FN> -> vector<32xbf16>
          %unpack3A_425 = tpu.unpack_subelements %bitcast3A_423, 1 {pack_format = #tpu.pack_format<interleaved>} : vector<64xf8E4M3FN> -> vector<32xbf16>
          %mul3A_426 = arith.mulf %unpack3A_421, %unpack3A_424 : vector<32xbf16>
          %mul3A_427 = arith.mulf %unpack3A_422, %unpack3A_425 : vector<32xbf16>
          %add3A_428 = arith.addf %mul3A_407, %mul3A_426 : vector<32xbf16>
          %add3A_429 = arith.addf %mul3A_408, %mul3A_427 : vector<32xbf16>
          %mul3A_430 = arith.constant 8 : i32
          %mul3A_431 = arith.muli %scan3A_389, %mul3A_430 : i32
          %add3A_432 = arith.constant 2 : i32
          %add3A_433 = arith.addi %mul3A_431, %add3A_432 : i32
          %add3A_434 = vector.broadcast %add3A_433 : i32 to vector<16xi32>
          %add3A_435 = arith.addi %add3A_434, %iota3A : vector<16xi32>
          %and3A_436 = arith.constant 63 : i32
          %and3A_437 = vector.broadcast %and3A_436 : i32 to vector<16xi32>
          %and3A_438 = arith.andi %add3A_435, %and3A_437 : vector<16xi32>
          %gather3A_439 = tpu.vector_load_idx %arg9[%add3A_154, %and3A_438] : memref<128x64xi32, #tpu.memory_space<vmem>>[vector<16xi32>, vector<16xi32>], vector<16xi32>,
          %gather3A_440 = tpu.vector_load_idx %arg11[%add3A_154, %and3A_438] : memref<128x64xi32, #tpu.memory_space<vmem>>[vector<16xi32>, vector<16xi32>], vector<16xi32>,
          %bitcast3A_441 = vector.bitcast %gather3A_439 : vector<16xi32> to vector<64xf8E4M3FN>
          %unpack3A_442 = tpu.unpack_subelements %bitcast3A_441, 0 {pack_format = #tpu.pack_format<interleaved>} : vector<64xf8E4M3FN> -> vector<32xbf16>
          %unpack3A_443 = tpu.unpack_subelements %bitcast3A_441, 1 {pack_format = #tpu.pack_format<interleaved>} : vector<64xf8E4M3FN> -> vector<32xbf16>
          %bitcast3A_444 = vector.bitcast %gather3A_440 : vector<16xi32> to vector<64xf8E4M3FN>
          %unpack3A_445 = tpu.unpack_subelements %bitcast3A_444, 0 {pack_format = #tpu.pack_format<interleaved>} : vector<64xf8E4M3FN> -> vector<32xbf16>
          %unpack3A_446 = tpu.unpack_subelements %bitcast3A_444, 1 {pack_format = #tpu.pack_format<interleaved>} : vector<64xf8E4M3FN> -> vector<32xbf16>
          %mul3A_447 = arith.mulf %unpack3A_442, %unpack3A_445 : vector<32xbf16>
          %mul3A_448 = arith.mulf %unpack3A_443, %unpack3A_446 : vector<32xbf16>
          %add3A_449 = arith.addf %add3A_428, %mul3A_447 : vector<32xbf16>
          %add3A_450 = arith.addf %add3A_429, %mul3A_448 : vector<32xbf16>
          %mul3A_451 = arith.constant 8 : i32
          %mul3A_452 = arith.muli %scan3A_389, %mul3A_451 : i32
          %add3A_453 = arith.constant 3 : i32
          %add3A_454 = arith.addi %mul3A_452, %add3A_453 : i32
          %add3A_455 = vector.broadcast %add3A_454 : i32 to vector<16xi32>
          %add3A_456 = arith.addi %add3A_455, %iota3A : vector<16xi32>
          %and3A_457 = arith.constant 63 : i32
          %and3A_458 = vector.broadcast %and3A_457 : i32 to vector<16xi32>
          %and3A_459 = arith.andi %add3A_456, %and3A_458 : vector<16xi32>
          %gather3A_460 = tpu.vector_load_idx %arg9[%add3A_154, %and3A_459] : memref<128x64xi32, #tpu.memory_space<vmem>>[vector<16xi32>, vector<16xi32>], vector<16xi32>,
          %gather3A_461 = tpu.vector_load_idx %arg11[%add3A_154, %and3A_459] : memref<128x64xi32, #tpu.memory_space<vmem>>[vector<16xi32>, vector<16xi32>], vector<16xi32>,
          %bitcast3A_462 = vector.bitcast %gather3A_460 : vector<16xi32> to vector<64xf8E4M3FN>
          %unpack3A_463 = tpu.unpack_subelements %bitcast3A_462, 0 {pack_format = #tpu.pack_format<interleaved>} : vector<64xf8E4M3FN> -> vector<32xbf16>
          %unpack3A_464 = tpu.unpack_subelements %bitcast3A_462, 1 {pack_format = #tpu.pack_format<interleaved>} : vector<64xf8E4M3FN> -> vector<32xbf16>
          %bitcast3A_465 = vector.bitcast %gather3A_461 : vector<16xi32> to vector<64xf8E4M3FN>
          %unpack3A_466 = tpu.unpack_subelements %bitcast3A_465, 0 {pack_format = #tpu.pack_format<interleaved>} : vector<64xf8E4M3FN> -> vector<32xbf16>
          %unpack3A_467 = tpu.unpack_subelements %bitcast3A_465, 1 {pack_format = #tpu.pack_format<interleaved>} : vector<64xf8E4M3FN> -> vector<32xbf16>
          %mul3A_468 = arith.mulf %unpack3A_463, %unpack3A_466 : vector<32xbf16>
          %mul3A_469 = arith.mulf %unpack3A_464, %unpack3A_467 : vector<32xbf16>
          %add3A_470 = arith.addf %add3A_449, %mul3A_468 : vector<32xbf16>
          %add3A_471 = arith.addf %add3A_450, %mul3A_469 : vector<32xbf16>
          %mul3A_472 = arith.constant 8 : i32
          %mul3A_473 = arith.muli %scan3A_389, %mul3A_472 : i32
          %add3A_474 = arith.constant 4 : i32
          %add3A_475 = arith.addi %mul3A_473, %add3A_474 : i32
          %add3A_476 = vector.broadcast %add3A_475 : i32 to vector<16xi32>
          %add3A_477 = arith.addi %add3A_476, %iota3A : vector<16xi32>
          %and3A_478 = arith.constant 63 : i32
          %and3A_479 = vector.broadcast %and3A_478 : i32 to vector<16xi32>
          %and3A_480 = arith.andi %add3A_477, %and3A_479 : vector<16xi32>
          %gather3A_481 = tpu.vector_load_idx %arg9[%add3A_154, %and3A_480] : memref<128x64xi32, #tpu.memory_space<vmem>>[vector<16xi32>, vector<16xi32>], vector<16xi32>,
          %gather3A_482 = tpu.vector_load_idx %arg11[%add3A_154, %and3A_480] : memref<128x64xi32, #tpu.memory_space<vmem>>[vector<16xi32>, vector<16xi32>], vector<16xi32>,
          %bitcast3A_483 = vector.bitcast %gather3A_481 : vector<16xi32> to vector<64xf8E4M3FN>
          %unpack3A_484 = tpu.unpack_subelements %bitcast3A_483, 0 {pack_format = #tpu.pack_format<interleaved>} : vector<64xf8E4M3FN> -> vector<32xbf16>
          %unpack3A_485 = tpu.unpack_subelements %bitcast3A_483, 1 {pack_format = #tpu.pack_format<interleaved>} : vector<64xf8E4M3FN> -> vector<32xbf16>
          %bitcast3A_486 = vector.bitcast %gather3A_482 : vector<16xi32> to vector<64xf8E4M3FN>
          %unpack3A_487 = tpu.unpack_subelements %bitcast3A_486, 0 {pack_format = #tpu.pack_format<interleaved>} : vector<64xf8E4M3FN> -> vector<32xbf16>
          %unpack3A_488 = tpu.unpack_subelements %bitcast3A_486, 1 {pack_format = #tpu.pack_format<interleaved>} : vector<64xf8E4M3FN> -> vector<32xbf16>
          %mul3A_489 = arith.mulf %unpack3A_484, %unpack3A_487 : vector<32xbf16>
          %mul3A_490 = arith.mulf %unpack3A_485, %unpack3A_488 : vector<32xbf16>
          %add3A_491 = arith.addf %add3A_470, %mul3A_489 : vector<32xbf16>
          %add3A_492 = arith.addf %add3A_471, %mul3A_490 : vector<32xbf16>
          %mul3A_493 = arith.constant 8 : i32
          %mul3A_494 = arith.muli %scan3A_389, %mul3A_493 : i32
          %add3A_495 = arith.constant 5 : i32
          %add3A_496 = arith.addi %mul3A_494, %add3A_495 : i32
          %add3A_497 = vector.broadcast %add3A_496 : i32 to vector<16xi32>
          %add3A_498 = arith.addi %add3A_497, %iota3A : vector<16xi32>
          %and3A_499 = arith.constant 63 : i32
          %and3A_500 = vector.broadcast %and3A_499 : i32 to vector<16xi32>
          %and3A_501 = arith.andi %add3A_498, %and3A_500 : vector<16xi32>
          %gather3A_502 = tpu.vector_load_idx %arg9[%add3A_154, %and3A_501] : memref<128x64xi32, #tpu.memory_space<vmem>>[vector<16xi32>, vector<16xi32>], vector<16xi32>,
          %gather3A_503 = tpu.vector_load_idx %arg11[%add3A_154, %and3A_501] : memref<128x64xi32, #tpu.memory_space<vmem>>[vector<16xi32>, vector<16xi32>], vector<16xi32>,
          %bitcast3A_504 = vector.bitcast %gather3A_502 : vector<16xi32> to vector<64xf8E4M3FN>
          %unpack3A_505 = tpu.unpack_subelements %bitcast3A_504, 0 {pack_format = #tpu.pack_format<interleaved>} : vector<64xf8E4M3FN> -> vector<32xbf16>
          %unpack3A_506 = tpu.unpack_subelements %bitcast3A_504, 1 {pack_format = #tpu.pack_format<interleaved>} : vector<64xf8E4M3FN> -> vector<32xbf16>
          %bitcast3A_507 = vector.bitcast %gather3A_503 : vector<16xi32> to vector<64xf8E4M3FN>
          %unpack3A_508 = tpu.unpack_subelements %bitcast3A_507, 0 {pack_format = #tpu.pack_format<interleaved>} : vector<64xf8E4M3FN> -> vector<32xbf16>
          %unpack3A_509 = tpu.unpack_subelements %bitcast3A_507, 1 {pack_format = #tpu.pack_format<interleaved>} : vector<64xf8E4M3FN> -> vector<32xbf16>
          %mul3A_510 = arith.mulf %unpack3A_505, %unpack3A_508 : vector<32xbf16>
          %mul3A_511 = arith.mulf %unpack3A_506, %unpack3A_509 : vector<32xbf16>
          %add3A_512 = arith.addf %add3A_491, %mul3A_510 : vector<32xbf16>
          %add3A_513 = arith.addf %add3A_492, %mul3A_511 : vector<32xbf16>
          %mul3A_514 = arith.constant 8 : i32
          %mul3A_515 = arith.muli %scan3A_389, %mul3A_514 : i32
          %add3A_516 = arith.constant 6 : i32
          %add3A_517 = arith.addi %mul3A_515, %add3A_516 : i32
          %add3A_518 = vector.broadcast %add3A_517 : i32 to vector<16xi32>
          %add3A_519 = arith.addi %add3A_518, %iota3A : vector<16xi32>
          %and3A_520 = arith.constant 63 : i32
          %and3A_521 = vector.broadcast %and3A_520 : i32 to vector<16xi32>
          %and3A_522 = arith.andi %add3A_519, %and3A_521 : vector<16xi32>
          %gather3A_523 = tpu.vector_load_idx %arg9[%add3A_154, %and3A_522] : memref<128x64xi32, #tpu.memory_space<vmem>>[vector<16xi32>, vector<16xi32>], vector<16xi32>,
          %gather3A_524 = tpu.vector_load_idx %arg11[%add3A_154, %and3A_522] : memref<128x64xi32, #tpu.memory_space<vmem>>[vector<16xi32>, vector<16xi32>], vector<16xi32>,
          %bitcast3A_525 = vector.bitcast %gather3A_523 : vector<16xi32> to vector<64xf8E4M3FN>
          %unpack3A_526 = tpu.unpack_subelements %bitcast3A_525, 0 {pack_format = #tpu.pack_format<interleaved>} : vector<64xf8E4M3FN> -> vector<32xbf16>
          %unpack3A_527 = tpu.unpack_subelements %bitcast3A_525, 1 {pack_format = #tpu.pack_format<interleaved>} : vector<64xf8E4M3FN> -> vector<32xbf16>
          %bitcast3A_528 = vector.bitcast %gather3A_524 : vector<16xi32> to vector<64xf8E4M3FN>
          %unpack3A_529 = tpu.unpack_subelements %bitcast3A_528, 0 {pack_format = #tpu.pack_format<interleaved>} : vector<64xf8E4M3FN> -> vector<32xbf16>
          %unpack3A_530 = tpu.unpack_subelements %bitcast3A_528, 1 {pack_format = #tpu.pack_format<interleaved>} : vector<64xf8E4M3FN> -> vector<32xbf16>
          %mul3A_531 = arith.mulf %unpack3A_526, %unpack3A_529 : vector<32xbf16>
          %mul3A_532 = arith.mulf %unpack3A_527, %unpack3A_530 : vector<32xbf16>
          %add3A_533 = arith.addf %add3A_512, %mul3A_531 : vector<32xbf16>
          %add3A_534 = arith.addf %add3A_513, %mul3A_532 : vector<32xbf16>
          %mul3A_535 = arith.constant 8 : i32
          %mul3A_536 = arith.muli %scan3A_389, %mul3A_535 : i32
          %add3A_537 = arith.constant 7 : i32
          %add3A_538 = arith.addi %mul3A_536, %add3A_537 : i32
          %add3A_539 = vector.broadcast %add3A_538 : i32 to vector<16xi32>
          %add3A_540 = arith.addi %add3A_539, %iota3A : vector<16xi32>
          %and3A_541 = arith.constant 63 : i32
          %and3A_542 = vector.broadcast %and3A_541 : i32 to vector<16xi32>
          %and3A_543 = arith.andi %add3A_540, %and3A_542 : vector<16xi32>
          %gather3A_544 = tpu.vector_load_idx %arg9[%add3A_154, %and3A_543] : memref<128x64xi32, #tpu.memory_space<vmem>>[vector<16xi32>, vector<16xi32>], vector<16xi32>,
          %gather3A_545 = tpu.vector_load_idx %arg11[%add3A_154, %and3A_543] : memref<128x64xi32, #tpu.memory_space<vmem>>[vector<16xi32>, vector<16xi32>], vector<16xi32>,
          %bitcast3A_546 = vector.bitcast %gather3A_544 : vector<16xi32> to vector<64xf8E4M3FN>
          %unpack3A_547 = tpu.unpack_subelements %bitcast3A_546, 0 {pack_format = #tpu.pack_format<interleaved>} : vector<64xf8E4M3FN> -> vector<32xbf16>
          %unpack3A_548 = tpu.unpack_subelements %bitcast3A_546, 1 {pack_format = #tpu.pack_format<interleaved>} : vector<64xf8E4M3FN> -> vector<32xbf16>
          %bitcast3A_549 = vector.bitcast %gather3A_545 : vector<16xi32> to vector<64xf8E4M3FN>
          %unpack3A_550 = tpu.unpack_subelements %bitcast3A_549, 0 {pack_format = #tpu.pack_format<interleaved>} : vector<64xf8E4M3FN> -> vector<32xbf16>
          %unpack3A_551 = tpu.unpack_subelements %bitcast3A_549, 1 {pack_format = #tpu.pack_format<interleaved>} : vector<64xf8E4M3FN> -> vector<32xbf16>
          %mul3A_552 = arith.mulf %unpack3A_547, %unpack3A_550 : vector<32xbf16>
          %mul3A_553 = arith.mulf %unpack3A_548, %unpack3A_551 : vector<32xbf16>
          %add3A_554 = arith.addf %add3A_533, %mul3A_552 : vector<32xbf16>
          %add3A_555 = arith.addf %add3A_534, %mul3A_553 : vector<32xbf16>
          %add3A_556 = arith.addf %add3A_554, %add3A_555 : vector<32xbf16>
          %unpack3A_557 = tpu.unpack_subelements %add3A_556, 0 {pack_format = #tpu.pack_format<interleaved>} : vector<32xbf16> -> vector<16xf32>
          %unpack3A_558 = tpu.unpack_subelements %add3A_556, 1 {pack_format = #tpu.pack_format<interleaved>} : vector<32xbf16> -> vector<16xf32>
          %add3A_559 = arith.addf %add3A_386, %unpack3A_557 : vector<16xf32>
          %add3A_560 = arith.addf %add3A_387, %unpack3A_558 : vector<16xf32>
          scf.yield %add3A_559, %add3A_560 : vector<16xf32>, vector<16xf32>
        }
        %scan3A_161 = arith.constant 8 : i32
        %add3A_162 = arith.addf %scan3A_160#0, %scan3A_160#1 : vector<16xf32>
        %mul3A_163 = arith.constant 2.000000e+00 : f32
        %mul3A_164 = vector.broadcast %mul3A_163 : f32 to vector<16xf32>
        %mul3A_165 = arith.mulf %mul3A_164, %add3A_162 : vector<16xf32>
        %sub3A_166 = arith.constant 2.000000e+00 : f32
        %sub3A_167 = vector.broadcast %sub3A_166 : f32 to vector<16xf32>
        %sub3A_168 = arith.subf %sub3A_167, %mul3A_165 : vector<16xf32>
        %max3A = arith.constant 0.000000e+00 : f32
        %max3A_169 = vector.broadcast %max3A : f32 to vector<16xf32>
        %max3A_170 = arith.maximumf %sub3A_168, %max3A_169 : vector<16xf32>
        %bitcast3A = vector.bitcast %max3A_170 : vector<16xf32> to vector<16xi32>
        %shift_right_arithmetic3A = arith.constant 1 : i32
        %shift_right_arithmetic3A_171 = vector.broadcast %shift_right_arithmetic3A : i32 to vector<16xi32>
        %shift_right_arithmetic3A_172 = arith.shrsi %bitcast3A, %shift_right_arithmetic3A_171 : vector<16xi32>
        %sub3A_173 = arith.constant 1597463007 : i32
        %sub3A_174 = vector.broadcast %sub3A_173 : i32 to vector<16xi32>
        %sub3A_175 = arith.subi %sub3A_174, %shift_right_arithmetic3A_172 : vector<16xi32>
        %bitcast3A_176 = vector.bitcast %sub3A_175 : vector<16xi32> to vector<16xf32>
        %mul3A_177 = arith.constant 5.000000e-01 : f32
        %mul3A_178 = vector.broadcast %mul3A_177 : f32 to vector<16xf32>
        %mul3A_179 = arith.mulf %mul3A_178, %max3A_170 : vector<16xf32>
        %mul3A_180 = arith.mulf %mul3A_179, %bitcast3A_176 : vector<16xf32>
        %mul3A_181 = arith.mulf %mul3A_180, %bitcast3A_176 : vector<16xf32>
        %sub3A_182 = arith.constant 1.500000e+00 : f32
        %sub3A_183 = vector.broadcast %sub3A_182 : f32 to vector<16xf32>
        %sub3A_184 = arith.subf %sub3A_183, %mul3A_181 : vector<16xf32>
        %mul3A_185 = arith.mulf %bitcast3A_176, %sub3A_184 : vector<16xf32>
        %mul3A_186 = arith.constant 5.000000e-01 : f32
        %mul3A_187 = vector.broadcast %mul3A_186 : f32 to vector<16xf32>
        %mul3A_188 = arith.mulf %mul3A_187, %max3A_170 : vector<16xf32>
        %mul3A_189 = arith.mulf %mul3A_188, %mul3A_185 : vector<16xf32>
        %mul3A_190 = arith.mulf %mul3A_189, %mul3A_185 : vector<16xf32>
        %sub3A_191 = arith.constant 1.500000e+00 : f32
        %sub3A_192 = vector.broadcast %sub3A_191 : f32 to vector<16xf32>
        %sub3A_193 = arith.subf %sub3A_192, %mul3A_190 : vector<16xf32>
        %mul3A_194 = arith.mulf %mul3A_185, %sub3A_193 : vector<16xf32>
        %mul3A_195 = arith.constant 5.000000e-01 : f32
        %mul3A_196 = vector.broadcast %mul3A_195 : f32 to vector<16xf32>
        %mul3A_197 = arith.mulf %mul3A_196, %max3A_170 : vector<16xf32>
        %mul3A_198 = arith.mulf %mul3A_197, %mul3A_194 : vector<16xf32>
        %mul3A_199 = arith.mulf %mul3A_198, %mul3A_194 : vector<16xf32>
        %sub3A_200 = arith.constant 1.500000e+00 : f32
        %sub3A_201 = vector.broadcast %sub3A_200 : f32 to vector<16xf32>
        %sub3A_202 = arith.subf %sub3A_201, %mul3A_199 : vector<16xf32>
        %mul3A_203 = arith.mulf %mul3A_194, %sub3A_202 : vector<16xf32>
        %mul3A_204 = arith.mulf %max3A_170, %mul3A_203 : vector<16xf32>
        %sub3A_205 = arith.constant 1.000000e+00 : f32
        %sub3A_206 = vector.broadcast %sub3A_205 : f32 to vector<16xf32>
        %sub3A_207 = arith.subf %mul3A_204, %sub3A_206 : vector<16xf32>
        %exp3A = math.exp %sub3A_207 : vector<16xf32>
        %add3A_208 = arith.constant 1.000000e+00 : f32
        %add3A_209 = vector.broadcast %add3A_208 : f32 to vector<16xf32>
        %add3A_210 = arith.addf %add3A_209, %exp3A : vector<16xf32>
        %div3A = arith.constant 1.000000e+00 : f32
        %div3A_211 = vector.broadcast %div3A : f32 to vector<16xf32>
        %div3A_212 = arith.divf %div3A_211, %add3A_210 : vector<16xf32>
        %mul3A_213 = arith.constant 16 : i32
        %mul3A_214 = arith.muli %scan3A_149, %mul3A_213 : i32
        %swap3A = arith.index_cast %mul3A_214 : i32 to index
        %swap3A_215 = tpu.vector_load %arg13[%swap3A] {strides = array<i32>} : memref<128xf32, #tpu.memory_space<vmem>>, vector<16xf32>,
        tpu.vector_store %arg13[%swap3A], %div3A_212 {strides = array<i32>} : memref<128xf32, #tpu.memory_space<vmem>>, vector<16xf32>,
        %scan3A_216 = arith.constant 0 : i32
        scf.yield %scan3A_216 : i32
      }
      %scan3A_142 = arith.constant 8 : i32
      %mul3A_143 = arith.constant 128 : i32
      %mul3A_144 = arith.muli %add3A_105, %mul3A_143 : i32
      %add3A_145 = arith.addi %mul3A_2, %mul3A_144 : i32
      %dma_start3A_146 = tpu.memref_slice %arg4[%add3A_145] : memref<160000xf32, #tpu.memory_space<hbm>> -> memref<128xf32, #tpu.memory_space<hbm>>
      %dma_start3A_147 = tpu.memref_slice %arg4[%add3A_145] : memref<160000xf32, #tpu.memory_space<hbm>> -> memref<128xf32, #tpu.memory_space<hbm>>
      tpu.enqueue_dma source(%arg13 : memref<128xf32, #tpu.memory_space<vmem>>) target(%dma_start3A_147 : memref<128xf32, #tpu.memory_space<hbm>>) target_semaphore(%arg19 : memref<!tpu.dma_semaphore, #tpu.memory_space<semaphore_mem>>)
      %while3A_148 = arith.constant 0 : i32
      scf.yield %while3A_148 : i32
    }
    %while3A_41 = arith.constant 1 : i32
    %while3A_42 = scf.for %while3A_56 = %while3A_38 to %while3A_34 step %while3A_41 iter_args(%while3A_57 = %while3A_40) -> (i32)  : i32 {
      %mul3A_58 = arith.constant 2 : i32
      %mul3A_59 = arith.muli %mul3A_58, %while3A_56 : i32
      %add3A_60 = arith.constant 0 : i32
      %add3A_61 = arith.addi %mul3A_59, %add3A_60 : i32
      %mul3A_62 = arith.constant 128 : i32
      %mul3A_63 = arith.muli %add3A_61, %mul3A_62 : i32
      %lt3A_64 = arith.constant 8 : i32
      %lt3A_65 = arith.cmpi slt, %add3A_61, %lt3A_64 : i32
      %convert_element_type3A_66 = arith.extui %lt3A_65 : i1 to i32
      %cond3A_67 = arith.constant 0 : i32
      %cond3A_68 = arith.cmpi ne, %convert_element_type3A_66, %cond3A_67 : i32
      scf.if %cond3A_68 {
        %dma_wait3A_149 = tpu.memref_slice %arg6[%mul3A_63] : memref<5120xi32, #tpu.memory_space<vmem>> -> memref<128xi32, #tpu.memory_space<vmem>>
        %dma_wait3A_150 = arith.constant 0 : i32
        %dma_wait3A_151 = arith.constant 0 : i32
        %dma_wait3A_152 = tpu.memref_slice %arg2[%dma_wait3A_150, %dma_wait3A_151] : memref<10240x64xi32, #tpu.memory_space<hbm>> -> memref<10240x64xi32, #tpu.memory_space<hbm>>
        tpu.wait_indirect_dma semaphore(%arg14 : memref<!tpu.dma_semaphore, #tpu.memory_space<semaphore_mem>>) src(%dma_wait3A_152 : memref<10240x64xi32, #tpu.memory_space<hbm>>) dst(%arg8 : memref<128x64xi32, #tpu.memory_space<vmem>>)
        %dma_wait3A_153 = tpu.memref_slice %arg7[%mul3A_63] : memref<5120xi32, #tpu.memory_space<vmem>> -> memref<128xi32, #tpu.memory_space<vmem>>
        %dma_wait3A_154 = arith.constant 0 : i32
        %dma_wait3A_155 = arith.constant 0 : i32
        %dma_wait3A_156 = tpu.memref_slice %arg2[%dma_wait3A_154, %dma_wait3A_155] : memref<10240x64xi32, #tpu.memory_space<hbm>> -> memref<10240x64xi32, #tpu.memory_space<hbm>>
        tpu.wait_indirect_dma semaphore(%arg16 : memref<!tpu.dma_semaphore, #tpu.memory_space<semaphore_mem>>) src(%dma_wait3A_156 : memref<10240x64xi32, #tpu.memory_space<hbm>>) dst(%arg10 : memref<128x64xi32, #tpu.memory_space<vmem>>)
      } else {
      }
      %ge3A = arith.constant 8 : i32
      %ge3A_69 = arith.cmpi sge, %add3A_61, %ge3A : i32
      %convert_element_type3A_70 = arith.extui %ge3A_69 : i1 to i32
      %cond3A_71 = arith.constant 0 : i32
      %cond3A_72 = arith.cmpi ne, %convert_element_type3A_70, %cond3A_71 : i32
      scf.if %cond3A_72 {
        %dma_wait3A_149 = tpu.memref_slice %arg6[%mul3A_63] : memref<5120xi32, #tpu.memory_space<vmem>> -> memref<128xi32, #tpu.memory_space<vmem>>
        %dma_wait3A_150 = arith.constant 0 : i32
        %dma_wait3A_151 = arith.constant 0 : i32
        %dma_wait3A_152 = tpu.memref_slice %arg5[%dma_wait3A_150, %dma_wait3A_151] : memref<10240x64xi32, #tpu.memory_space<vmem_shared>> -> memref<10240x64xi32, #tpu.memory_space<vmem_shared>>
        tpu.wait_indirect_dma semaphore(%arg14 : memref<!tpu.dma_semaphore, #tpu.memory_space<semaphore_mem>>) src(%dma_wait3A_152 : memref<10240x64xi32, #tpu.memory_space<vmem_shared>>) dst(%arg8 : memref<128x64xi32, #tpu.memory_space<vmem>>)
        %dma_wait3A_153 = tpu.memref_slice %arg7[%mul3A_63] : memref<5120xi32, #tpu.memory_space<vmem>> -> memref<128xi32, #tpu.memory_space<vmem>>
        %dma_wait3A_154 = arith.constant 0 : i32
        %dma_wait3A_155 = arith.constant 0 : i32
        %dma_wait3A_156 = tpu.memref_slice %arg5[%dma_wait3A_154, %dma_wait3A_155] : memref<10240x64xi32, #tpu.memory_space<vmem_shared>> -> memref<10240x64xi32, #tpu.memory_space<vmem_shared>>
        tpu.wait_indirect_dma semaphore(%arg16 : memref<!tpu.dma_semaphore, #tpu.memory_space<semaphore_mem>>) src(%dma_wait3A_156 : memref<10240x64xi32, #tpu.memory_space<vmem_shared>>) dst(%arg10 : memref<128x64xi32, #tpu.memory_space<vmem>>)
      } else {
      }
      %add3A_73 = arith.constant 1 : i32
      %add3A_74 = arith.addi %add3A_61, %add3A_73 : i32
      %eq3A_75 = arith.constant 8 : i32
      %eq3A_76 = arith.cmpi eq, %add3A_74, %eq3A_75 : i32
      %convert_element_type3A_77 = arith.extui %eq3A_76 : i1 to i32
      %cond3A_78 = arith.constant 0 : i32
      %cond3A_79 = arith.cmpi ne, %convert_element_type3A_77, %cond3A_78 : i32
      scf.if %cond3A_79 {
        %mul3A_149 = arith.constant 640 : i32
        %mul3A_150 = arith.muli %arg1, %mul3A_149 : i32
        %mul3A_151 = arith.constant 640 : i32
        %mul3A_152 = arith.muli %arg1, %mul3A_151 : i32
        %dma_wait3A_153 = arith.constant 0 : i32
        %dma_wait3A_154 = tpu.memref_slice %arg5[%mul3A_152, %dma_wait3A_153] : memref<10240x64xi32, #tpu.memory_space<vmem_shared>> -> memref<640x64xi32, #tpu.memory_space<vmem_shared>>
        %dma_wait3A_155 = arith.constant 0 : i32
        %dma_wait3A_156 = tpu.memref_slice %arg2[%mul3A_150, %dma_wait3A_155] : memref<10240x64xi32, #tpu.memory_space<hbm>> -> memref<640x64xi32, #tpu.memory_space<hbm>>
        tpu.wait_dma2 semaphore(%arg20 : memref<!tpu.dma_semaphore, #tpu.memory_space<semaphore_mem>>) src(%dma_wait3A_156 : memref<640x64xi32, #tpu.memory_space<hbm>>) dst(%dma_wait3A_154 : memref<640x64xi32, #tpu.memory_space<vmem_shared>>)
        %barrier3A = arith.constant 0 : index
        tpu.barrier barrier_id(%barrier3A)
      } else {
      }
      %add3A_80 = arith.constant 1 : i32
      %add3A_81 = arith.addi %add3A_61, %add3A_80 : i32
      %lt3A_82 = arith.cmpi slt, %add3A_81, %mul3A_8 : i32
      %convert_element_type3A_83 = arith.extui %lt3A_82 : i1 to i32
      %cond3A_84 = arith.constant 0 : i32
      %cond3A_85 = arith.cmpi ne, %convert_element_type3A_83, %cond3A_84 : i32
      scf.if %cond3A_85 {
        %add3A_149 = arith.constant 1 : i32
        %add3A_150 = arith.addi %add3A_61, %add3A_149 : i32
        %mul3A_151 = arith.constant 128 : i32
        %mul3A_152 = arith.muli %add3A_150, %mul3A_151 : i32
        %lt3A_153 = arith.constant 8 : i32
        %lt3A_154 = arith.cmpi slt, %add3A_150, %lt3A_153 : i32
        %convert_element_type3A_155 = arith.extui %lt3A_154 : i1 to i32
        %cond3A_156 = arith.constant 0 : i32
        %cond3A_157 = arith.cmpi ne, %convert_element_type3A_155, %cond3A_156 : i32
        scf.if %cond3A_157 {
          %dma_start3A_163 = tpu.memref_slice %arg6[%mul3A_152] : memref<5120xi32, #tpu.memory_space<vmem>> -> memref<128xi32, #tpu.memory_space<vmem>>
          %dma_start3A_164 = arith.constant 0 : i32
          %dma_start3A_165 = arith.constant 0 : i32
          %dma_start3A_166 = tpu.memref_slice %arg2[%dma_start3A_164, %dma_start3A_165] : memref<10240x64xi32, #tpu.memory_space<hbm>> -> memref<10240x64xi32, #tpu.memory_space<hbm>>
          tpu.enqueue_indirect_dma source(%dma_start3A_166 : memref<10240x64xi32, #tpu.memory_space<hbm>>) target(%arg9 : memref<128x64xi32, #tpu.memory_space<vmem>>) offsets(%dma_start3A_163 : memref<128xi32, #tpu.memory_space<vmem>>) semaphore(%arg15 : memref<!tpu.dma_semaphore, #tpu.memory_space<semaphore_mem>>)
          %dma_start3A_167 = tpu.memref_slice %arg7[%mul3A_152] : memref<5120xi32, #tpu.memory_space<vmem>> -> memref<128xi32, #tpu.memory_space<vmem>>
          %dma_start3A_168 = arith.constant 0 : i32
          %dma_start3A_169 = arith.constant 0 : i32
          %dma_start3A_170 = tpu.memref_slice %arg2[%dma_start3A_168, %dma_start3A_169] : memref<10240x64xi32, #tpu.memory_space<hbm>> -> memref<10240x64xi32, #tpu.memory_space<hbm>>
          tpu.enqueue_indirect_dma source(%dma_start3A_170 : memref<10240x64xi32, #tpu.memory_space<hbm>>) target(%arg11 : memref<128x64xi32, #tpu.memory_space<vmem>>) offsets(%dma_start3A_167 : memref<128xi32, #tpu.memory_space<vmem>>) semaphore(%arg17 : memref<!tpu.dma_semaphore, #tpu.memory_space<semaphore_mem>>)
        } else {
        }
        %ge3A_158 = arith.constant 8 : i32
        %ge3A_159 = arith.cmpi sge, %add3A_150, %ge3A_158 : i32
        %convert_element_type3A_160 = arith.extui %ge3A_159 : i1 to i32
        %cond3A_161 = arith.constant 0 : i32
        %cond3A_162 = arith.cmpi ne, %convert_element_type3A_160, %cond3A_161 : i32
        scf.if %cond3A_162 {
          %dma_start3A_163 = tpu.memref_slice %arg6[%mul3A_152] : memref<5120xi32, #tpu.memory_space<vmem>> -> memref<128xi32, #tpu.memory_space<vmem>>
          %dma_start3A_164 = arith.constant 0 : i32
          %dma_start3A_165 = arith.constant 0 : i32
          %dma_start3A_166 = tpu.memref_slice %arg5[%dma_start3A_164, %dma_start3A_165] : memref<10240x64xi32, #tpu.memory_space<vmem_shared>> -> memref<10240x64xi32, #tpu.memory_space<vmem_shared>>
          tpu.enqueue_indirect_dma source(%dma_start3A_166 : memref<10240x64xi32, #tpu.memory_space<vmem_shared>>) target(%arg9 : memref<128x64xi32, #tpu.memory_space<vmem>>) offsets(%dma_start3A_163 : memref<128xi32, #tpu.memory_space<vmem>>) semaphore(%arg15 : memref<!tpu.dma_semaphore, #tpu.memory_space<semaphore_mem>>)
          %dma_start3A_167 = tpu.memref_slice %arg7[%mul3A_152] : memref<5120xi32, #tpu.memory_space<vmem>> -> memref<128xi32, #tpu.memory_space<vmem>>
          %dma_start3A_168 = arith.constant 0 : i32
          %dma_start3A_169 = arith.constant 0 : i32
          %dma_start3A_170 = tpu.memref_slice %arg5[%dma_start3A_168, %dma_start3A_169] : memref<10240x64xi32, #tpu.memory_space<vmem_shared>> -> memref<10240x64xi32, #tpu.memory_space<vmem_shared>>
          tpu.enqueue_indirect_dma source(%dma_start3A_170 : memref<10240x64xi32, #tpu.memory_space<vmem_shared>>) target(%arg11 : memref<128x64xi32, #tpu.memory_space<vmem>>) offsets(%dma_start3A_167 : memref<128xi32, #tpu.memory_space<vmem>>) semaphore(%arg17 : memref<!tpu.dma_semaphore, #tpu.memory_space<semaphore_mem>>)
        } else {
        }
      } else {
      }
      %ge3A_86 = arith.constant 2 : i32
      %ge3A_87 = arith.cmpi sge, %add3A_61, %ge3A_86 : i32
      %convert_element_type3A_88 = arith.extui %ge3A_87 : i1 to i32
      %cond3A_89 = arith.constant 0 : i32
      %cond3A_90 = arith.cmpi ne, %convert_element_type3A_88, %cond3A_89 : i32
      scf.if %cond3A_90 {
        %sub3A_149 = arith.constant 2 : i32
        %sub3A_150 = arith.subi %add3A_61, %sub3A_149 : i32
        %mul3A_151 = arith.constant 128 : i32
        %mul3A_152 = arith.muli %sub3A_150, %mul3A_151 : i32
        %add3A_153 = arith.addi %mul3A_2, %mul3A_152 : i32
        %dma_wait3A_154 = tpu.memref_slice %arg4[%add3A_153] : memref<160000xf32, #tpu.memory_space<hbm>> -> memref<128xf32, #tpu.memory_space<hbm>>
        %dma_wait3A_155 = tpu.memref_slice %arg4[%add3A_153] : memref<160000xf32, #tpu.memory_space<hbm>> -> memref<128xf32, #tpu.memory_space<hbm>>
        tpu.wait_dma2 semaphore(%arg18 : memref<!tpu.dma_semaphore, #tpu.memory_space<semaphore_mem>>) src(%arg12 : memref<128xf32, #tpu.memory_space<vmem>>) dst(%dma_wait3A_155 : memref<128xf32, #tpu.memory_space<hbm>>)
      } else {
      }
      %scan3A = arith.constant 0 : i32
      %scan3A_91 = arith.constant 0 : i32
      %scan3A_92 = arith.constant 8 : i32
      %scan3A_93 = arith.addi %scan3A_91, %scan3A_92 : i32
      %scan3A_94 = arith.constant 1 : i32
      %scan3A_95 = scf.for %scan3A_149 = %scan3A_91 to %scan3A_93 step %scan3A_94 iter_args(%scan3A_150 = %scan3A) -> (i32)  : i32 {
        %mul3A_151 = arith.constant 16 : i32
        %mul3A_152 = arith.muli %scan3A_149, %mul3A_151 : i32
        %add3A_153 = vector.broadcast %mul3A_152 : i32 to vector<16xi32>
        %add3A_154 = arith.addi %add3A_153, %iota3A : vector<16xi32>
        %broadcast_in_dim3A = arith.constant 0.000000e+00 : f32
        %broadcast_in_dim3A_155 = vector.broadcast %broadcast_in_dim3A : f32 to vector<16xf32>
        %scan3A_156 = arith.constant 0 : i32
        %scan3A_157 = arith.constant 8 : i32
        %scan3A_158 = arith.addi %scan3A_156, %scan3A_157 : i32
        %scan3A_159 = arith.constant 2 : i32
        %scan3A_160:2 = scf.for %scan3A_217 = %scan3A_156 to %scan3A_158 step %scan3A_159 iter_args(%scan3A_218 = %broadcast_in_dim3A_155, %scan3A_219 = %broadcast_in_dim3A_155) -> (vector<16xf32>, vector<16xf32>)  : i32 {
          %mul3A_220 = arith.constant 8 : i32
          %mul3A_221 = arith.muli %scan3A_217, %mul3A_220 : i32
          %add3A_222 = arith.constant 0 : i32
          %add3A_223 = arith.addi %mul3A_221, %add3A_222 : i32
          %add3A_224 = vector.broadcast %add3A_223 : i32 to vector<16xi32>
          %add3A_225 = arith.addi %add3A_224, %iota3A : vector<16xi32>
          %and3A = arith.constant 63 : i32
          %and3A_226 = vector.broadcast %and3A : i32 to vector<16xi32>
          %and3A_227 = arith.andi %add3A_225, %and3A_226 : vector<16xi32>
          %gather3A = tpu.vector_load_idx %arg8[%add3A_154, %and3A_227] : memref<128x64xi32, #tpu.memory_space<vmem>>[vector<16xi32>, vector<16xi32>], vector<16xi32>,
          %gather3A_228 = tpu.vector_load_idx %arg10[%add3A_154, %and3A_227] : memref<128x64xi32, #tpu.memory_space<vmem>>[vector<16xi32>, vector<16xi32>], vector<16xi32>,
          %bitcast3A_229 = vector.bitcast %gather3A : vector<16xi32> to vector<64xf8E4M3FN>
          %unpack3A = tpu.unpack_subelements %bitcast3A_229, 0 {pack_format = #tpu.pack_format<interleaved>} : vector<64xf8E4M3FN> -> vector<32xbf16>
          %unpack3A_230 = tpu.unpack_subelements %bitcast3A_229, 1 {pack_format = #tpu.pack_format<interleaved>} : vector<64xf8E4M3FN> -> vector<32xbf16>
          %bitcast3A_231 = vector.bitcast %gather3A_228 : vector<16xi32> to vector<64xf8E4M3FN>
          %unpack3A_232 = tpu.unpack_subelements %bitcast3A_231, 0 {pack_format = #tpu.pack_format<interleaved>} : vector<64xf8E4M3FN> -> vector<32xbf16>
          %unpack3A_233 = tpu.unpack_subelements %bitcast3A_231, 1 {pack_format = #tpu.pack_format<interleaved>} : vector<64xf8E4M3FN> -> vector<32xbf16>
          %mul3A_234 = arith.mulf %unpack3A, %unpack3A_232 : vector<32xbf16>
          %mul3A_235 = arith.mulf %unpack3A_230, %unpack3A_233 : vector<32xbf16>
          %mul3A_236 = arith.constant 8 : i32
          %mul3A_237 = arith.muli %scan3A_217, %mul3A_236 : i32
          %add3A_238 = arith.constant 1 : i32
          %add3A_239 = arith.addi %mul3A_237, %add3A_238 : i32
          %add3A_240 = vector.broadcast %add3A_239 : i32 to vector<16xi32>
          %add3A_241 = arith.addi %add3A_240, %iota3A : vector<16xi32>
          %and3A_242 = arith.constant 63 : i32
          %and3A_243 = vector.broadcast %and3A_242 : i32 to vector<16xi32>
          %and3A_244 = arith.andi %add3A_241, %and3A_243 : vector<16xi32>
          %gather3A_245 = tpu.vector_load_idx %arg8[%add3A_154, %and3A_244] : memref<128x64xi32, #tpu.memory_space<vmem>>[vector<16xi32>, vector<16xi32>], vector<16xi32>,
          %gather3A_246 = tpu.vector_load_idx %arg10[%add3A_154, %and3A_244] : memref<128x64xi32, #tpu.memory_space<vmem>>[vector<16xi32>, vector<16xi32>], vector<16xi32>,
          %bitcast3A_247 = vector.bitcast %gather3A_245 : vector<16xi32> to vector<64xf8E4M3FN>
          %unpack3A_248 = tpu.unpack_subelements %bitcast3A_247, 0 {pack_format = #tpu.pack_format<interleaved>} : vector<64xf8E4M3FN> -> vector<32xbf16>
          %unpack3A_249 = tpu.unpack_subelements %bitcast3A_247, 1 {pack_format = #tpu.pack_format<interleaved>} : vector<64xf8E4M3FN> -> vector<32xbf16>
          %bitcast3A_250 = vector.bitcast %gather3A_246 : vector<16xi32> to vector<64xf8E4M3FN>
          %unpack3A_251 = tpu.unpack_subelements %bitcast3A_250, 0 {pack_format = #tpu.pack_format<interleaved>} : vector<64xf8E4M3FN> -> vector<32xbf16>
          %unpack3A_252 = tpu.unpack_subelements %bitcast3A_250, 1 {pack_format = #tpu.pack_format<interleaved>} : vector<64xf8E4M3FN> -> vector<32xbf16>
          %mul3A_253 = arith.mulf %unpack3A_248, %unpack3A_251 : vector<32xbf16>
          %mul3A_254 = arith.mulf %unpack3A_249, %unpack3A_252 : vector<32xbf16>
          %add3A_255 = arith.addf %mul3A_234, %mul3A_253 : vector<32xbf16>
          %add3A_256 = arith.addf %mul3A_235, %mul3A_254 : vector<32xbf16>
          %mul3A_257 = arith.constant 8 : i32
          %mul3A_258 = arith.muli %scan3A_217, %mul3A_257 : i32
          %add3A_259 = arith.constant 2 : i32
          %add3A_260 = arith.addi %mul3A_258, %add3A_259 : i32
          %add3A_261 = vector.broadcast %add3A_260 : i32 to vector<16xi32>
          %add3A_262 = arith.addi %add3A_261, %iota3A : vector<16xi32>
          %and3A_263 = arith.constant 63 : i32
          %and3A_264 = vector.broadcast %and3A_263 : i32 to vector<16xi32>
          %and3A_265 = arith.andi %add3A_262, %and3A_264 : vector<16xi32>
          %gather3A_266 = tpu.vector_load_idx %arg8[%add3A_154, %and3A_265] : memref<128x64xi32, #tpu.memory_space<vmem>>[vector<16xi32>, vector<16xi32>], vector<16xi32>,
          %gather3A_267 = tpu.vector_load_idx %arg10[%add3A_154, %and3A_265] : memref<128x64xi32, #tpu.memory_space<vmem>>[vector<16xi32>, vector<16xi32>], vector<16xi32>,
          %bitcast3A_268 = vector.bitcast %gather3A_266 : vector<16xi32> to vector<64xf8E4M3FN>
          %unpack3A_269 = tpu.unpack_subelements %bitcast3A_268, 0 {pack_format = #tpu.pack_format<interleaved>} : vector<64xf8E4M3FN> -> vector<32xbf16>
          %unpack3A_270 = tpu.unpack_subelements %bitcast3A_268, 1 {pack_format = #tpu.pack_format<interleaved>} : vector<64xf8E4M3FN> -> vector<32xbf16>
          %bitcast3A_271 = vector.bitcast %gather3A_267 : vector<16xi32> to vector<64xf8E4M3FN>
          %unpack3A_272 = tpu.unpack_subelements %bitcast3A_271, 0 {pack_format = #tpu.pack_format<interleaved>} : vector<64xf8E4M3FN> -> vector<32xbf16>
          %unpack3A_273 = tpu.unpack_subelements %bitcast3A_271, 1 {pack_format = #tpu.pack_format<interleaved>} : vector<64xf8E4M3FN> -> vector<32xbf16>
          %mul3A_274 = arith.mulf %unpack3A_269, %unpack3A_272 : vector<32xbf16>
          %mul3A_275 = arith.mulf %unpack3A_270, %unpack3A_273 : vector<32xbf16>
          %add3A_276 = arith.addf %add3A_255, %mul3A_274 : vector<32xbf16>
          %add3A_277 = arith.addf %add3A_256, %mul3A_275 : vector<32xbf16>
          %mul3A_278 = arith.constant 8 : i32
          %mul3A_279 = arith.muli %scan3A_217, %mul3A_278 : i32
          %add3A_280 = arith.constant 3 : i32
          %add3A_281 = arith.addi %mul3A_279, %add3A_280 : i32
          %add3A_282 = vector.broadcast %add3A_281 : i32 to vector<16xi32>
          %add3A_283 = arith.addi %add3A_282, %iota3A : vector<16xi32>
          %and3A_284 = arith.constant 63 : i32
          %and3A_285 = vector.broadcast %and3A_284 : i32 to vector<16xi32>
          %and3A_286 = arith.andi %add3A_283, %and3A_285 : vector<16xi32>
          %gather3A_287 = tpu.vector_load_idx %arg8[%add3A_154, %and3A_286] : memref<128x64xi32, #tpu.memory_space<vmem>>[vector<16xi32>, vector<16xi32>], vector<16xi32>,
          %gather3A_288 = tpu.vector_load_idx %arg10[%add3A_154, %and3A_286] : memref<128x64xi32, #tpu.memory_space<vmem>>[vector<16xi32>, vector<16xi32>], vector<16xi32>,
          %bitcast3A_289 = vector.bitcast %gather3A_287 : vector<16xi32> to vector<64xf8E4M3FN>
          %unpack3A_290 = tpu.unpack_subelements %bitcast3A_289, 0 {pack_format = #tpu.pack_format<interleaved>} : vector<64xf8E4M3FN> -> vector<32xbf16>
          %unpack3A_291 = tpu.unpack_subelements %bitcast3A_289, 1 {pack_format = #tpu.pack_format<interleaved>} : vector<64xf8E4M3FN> -> vector<32xbf16>
          %bitcast3A_292 = vector.bitcast %gather3A_288 : vector<16xi32> to vector<64xf8E4M3FN>
          %unpack3A_293 = tpu.unpack_subelements %bitcast3A_292, 0 {pack_format = #tpu.pack_format<interleaved>} : vector<64xf8E4M3FN> -> vector<32xbf16>
          %unpack3A_294 = tpu.unpack_subelements %bitcast3A_292, 1 {pack_format = #tpu.pack_format<interleaved>} : vector<64xf8E4M3FN> -> vector<32xbf16>
          %mul3A_295 = arith.mulf %unpack3A_290, %unpack3A_293 : vector<32xbf16>
          %mul3A_296 = arith.mulf %unpack3A_291, %unpack3A_294 : vector<32xbf16>
          %add3A_297 = arith.addf %add3A_276, %mul3A_295 : vector<32xbf16>
          %add3A_298 = arith.addf %add3A_277, %mul3A_296 : vector<32xbf16>
          %mul3A_299 = arith.constant 8 : i32
          %mul3A_300 = arith.muli %scan3A_217, %mul3A_299 : i32
          %add3A_301 = arith.constant 4 : i32
          %add3A_302 = arith.addi %mul3A_300, %add3A_301 : i32
          %add3A_303 = vector.broadcast %add3A_302 : i32 to vector<16xi32>
          %add3A_304 = arith.addi %add3A_303, %iota3A : vector<16xi32>
          %and3A_305 = arith.constant 63 : i32
          %and3A_306 = vector.broadcast %and3A_305 : i32 to vector<16xi32>
          %and3A_307 = arith.andi %add3A_304, %and3A_306 : vector<16xi32>
          %gather3A_308 = tpu.vector_load_idx %arg8[%add3A_154, %and3A_307] : memref<128x64xi32, #tpu.memory_space<vmem>>[vector<16xi32>, vector<16xi32>], vector<16xi32>,
          %gather3A_309 = tpu.vector_load_idx %arg10[%add3A_154, %and3A_307] : memref<128x64xi32, #tpu.memory_space<vmem>>[vector<16xi32>, vector<16xi32>], vector<16xi32>,
          %bitcast3A_310 = vector.bitcast %gather3A_308 : vector<16xi32> to vector<64xf8E4M3FN>
          %unpack3A_311 = tpu.unpack_subelements %bitcast3A_310, 0 {pack_format = #tpu.pack_format<interleaved>} : vector<64xf8E4M3FN> -> vector<32xbf16>
          %unpack3A_312 = tpu.unpack_subelements %bitcast3A_310, 1 {pack_format = #tpu.pack_format<interleaved>} : vector<64xf8E4M3FN> -> vector<32xbf16>
          %bitcast3A_313 = vector.bitcast %gather3A_309 : vector<16xi32> to vector<64xf8E4M3FN>
          %unpack3A_314 = tpu.unpack_subelements %bitcast3A_313, 0 {pack_format = #tpu.pack_format<interleaved>} : vector<64xf8E4M3FN> -> vector<32xbf16>
          %unpack3A_315 = tpu.unpack_subelements %bitcast3A_313, 1 {pack_format = #tpu.pack_format<interleaved>} : vector<64xf8E4M3FN> -> vector<32xbf16>
          %mul3A_316 = arith.mulf %unpack3A_311, %unpack3A_314 : vector<32xbf16>
          %mul3A_317 = arith.mulf %unpack3A_312, %unpack3A_315 : vector<32xbf16>
          %add3A_318 = arith.addf %add3A_297, %mul3A_316 : vector<32xbf16>
          %add3A_319 = arith.addf %add3A_298, %mul3A_317 : vector<32xbf16>
          %mul3A_320 = arith.constant 8 : i32
          %mul3A_321 = arith.muli %scan3A_217, %mul3A_320 : i32
          %add3A_322 = arith.constant 5 : i32
          %add3A_323 = arith.addi %mul3A_321, %add3A_322 : i32
          %add3A_324 = vector.broadcast %add3A_323 : i32 to vector<16xi32>
          %add3A_325 = arith.addi %add3A_324, %iota3A : vector<16xi32>
          %and3A_326 = arith.constant 63 : i32
          %and3A_327 = vector.broadcast %and3A_326 : i32 to vector<16xi32>
          %and3A_328 = arith.andi %add3A_325, %and3A_327 : vector<16xi32>
          %gather3A_329 = tpu.vector_load_idx %arg8[%add3A_154, %and3A_328] : memref<128x64xi32, #tpu.memory_space<vmem>>[vector<16xi32>, vector<16xi32>], vector<16xi32>,
          %gather3A_330 = tpu.vector_load_idx %arg10[%add3A_154, %and3A_328] : memref<128x64xi32, #tpu.memory_space<vmem>>[vector<16xi32>, vector<16xi32>], vector<16xi32>,
          %bitcast3A_331 = vector.bitcast %gather3A_329 : vector<16xi32> to vector<64xf8E4M3FN>
          %unpack3A_332 = tpu.unpack_subelements %bitcast3A_331, 0 {pack_format = #tpu.pack_format<interleaved>} : vector<64xf8E4M3FN> -> vector<32xbf16>
          %unpack3A_333 = tpu.unpack_subelements %bitcast3A_331, 1 {pack_format = #tpu.pack_format<interleaved>} : vector<64xf8E4M3FN> -> vector<32xbf16>
          %bitcast3A_334 = vector.bitcast %gather3A_330 : vector<16xi32> to vector<64xf8E4M3FN>
          %unpack3A_335 = tpu.unpack_subelements %bitcast3A_334, 0 {pack_format = #tpu.pack_format<interleaved>} : vector<64xf8E4M3FN> -> vector<32xbf16>
          %unpack3A_336 = tpu.unpack_subelements %bitcast3A_334, 1 {pack_format = #tpu.pack_format<interleaved>} : vector<64xf8E4M3FN> -> vector<32xbf16>
          %mul3A_337 = arith.mulf %unpack3A_332, %unpack3A_335 : vector<32xbf16>
          %mul3A_338 = arith.mulf %unpack3A_333, %unpack3A_336 : vector<32xbf16>
          %add3A_339 = arith.addf %add3A_318, %mul3A_337 : vector<32xbf16>
          %add3A_340 = arith.addf %add3A_319, %mul3A_338 : vector<32xbf16>
          %mul3A_341 = arith.constant 8 : i32
          %mul3A_342 = arith.muli %scan3A_217, %mul3A_341 : i32
          %add3A_343 = arith.constant 6 : i32
          %add3A_344 = arith.addi %mul3A_342, %add3A_343 : i32
          %add3A_345 = vector.broadcast %add3A_344 : i32 to vector<16xi32>
          %add3A_346 = arith.addi %add3A_345, %iota3A : vector<16xi32>
          %and3A_347 = arith.constant 63 : i32
          %and3A_348 = vector.broadcast %and3A_347 : i32 to vector<16xi32>
          %and3A_349 = arith.andi %add3A_346, %and3A_348 : vector<16xi32>
          %gather3A_350 = tpu.vector_load_idx %arg8[%add3A_154, %and3A_349] : memref<128x64xi32, #tpu.memory_space<vmem>>[vector<16xi32>, vector<16xi32>], vector<16xi32>,
          %gather3A_351 = tpu.vector_load_idx %arg10[%add3A_154, %and3A_349] : memref<128x64xi32, #tpu.memory_space<vmem>>[vector<16xi32>, vector<16xi32>], vector<16xi32>,
          %bitcast3A_352 = vector.bitcast %gather3A_350 : vector<16xi32> to vector<64xf8E4M3FN>
          %unpack3A_353 = tpu.unpack_subelements %bitcast3A_352, 0 {pack_format = #tpu.pack_format<interleaved>} : vector<64xf8E4M3FN> -> vector<32xbf16>
          %unpack3A_354 = tpu.unpack_subelements %bitcast3A_352, 1 {pack_format = #tpu.pack_format<interleaved>} : vector<64xf8E4M3FN> -> vector<32xbf16>
          %bitcast3A_355 = vector.bitcast %gather3A_351 : vector<16xi32> to vector<64xf8E4M3FN>
          %unpack3A_356 = tpu.unpack_subelements %bitcast3A_355, 0 {pack_format = #tpu.pack_format<interleaved>} : vector<64xf8E4M3FN> -> vector<32xbf16>
          %unpack3A_357 = tpu.unpack_subelements %bitcast3A_355, 1 {pack_format = #tpu.pack_format<interleaved>} : vector<64xf8E4M3FN> -> vector<32xbf16>
          %mul3A_358 = arith.mulf %unpack3A_353, %unpack3A_356 : vector<32xbf16>
          %mul3A_359 = arith.mulf %unpack3A_354, %unpack3A_357 : vector<32xbf16>
          %add3A_360 = arith.addf %add3A_339, %mul3A_358 : vector<32xbf16>
          %add3A_361 = arith.addf %add3A_340, %mul3A_359 : vector<32xbf16>
          %mul3A_362 = arith.constant 8 : i32
          %mul3A_363 = arith.muli %scan3A_217, %mul3A_362 : i32
          %add3A_364 = arith.constant 7 : i32
          %add3A_365 = arith.addi %mul3A_363, %add3A_364 : i32
          %add3A_366 = vector.broadcast %add3A_365 : i32 to vector<16xi32>
          %add3A_367 = arith.addi %add3A_366, %iota3A : vector<16xi32>
          %and3A_368 = arith.constant 63 : i32
          %and3A_369 = vector.broadcast %and3A_368 : i32 to vector<16xi32>
          %and3A_370 = arith.andi %add3A_367, %and3A_369 : vector<16xi32>
          %gather3A_371 = tpu.vector_load_idx %arg8[%add3A_154, %and3A_370] : memref<128x64xi32, #tpu.memory_space<vmem>>[vector<16xi32>, vector<16xi32>], vector<16xi32>,
          %gather3A_372 = tpu.vector_load_idx %arg10[%add3A_154, %and3A_370] : memref<128x64xi32, #tpu.memory_space<vmem>>[vector<16xi32>, vector<16xi32>], vector<16xi32>,
          %bitcast3A_373 = vector.bitcast %gather3A_371 : vector<16xi32> to vector<64xf8E4M3FN>
          %unpack3A_374 = tpu.unpack_subelements %bitcast3A_373, 0 {pack_format = #tpu.pack_format<interleaved>} : vector<64xf8E4M3FN> -> vector<32xbf16>
          %unpack3A_375 = tpu.unpack_subelements %bitcast3A_373, 1 {pack_format = #tpu.pack_format<interleaved>} : vector<64xf8E4M3FN> -> vector<32xbf16>
          %bitcast3A_376 = vector.bitcast %gather3A_372 : vector<16xi32> to vector<64xf8E4M3FN>
          %unpack3A_377 = tpu.unpack_subelements %bitcast3A_376, 0 {pack_format = #tpu.pack_format<interleaved>} : vector<64xf8E4M3FN> -> vector<32xbf16>
          %unpack3A_378 = tpu.unpack_subelements %bitcast3A_376, 1 {pack_format = #tpu.pack_format<interleaved>} : vector<64xf8E4M3FN> -> vector<32xbf16>
          %mul3A_379 = arith.mulf %unpack3A_374, %unpack3A_377 : vector<32xbf16>
          %mul3A_380 = arith.mulf %unpack3A_375, %unpack3A_378 : vector<32xbf16>
          %add3A_381 = arith.addf %add3A_360, %mul3A_379 : vector<32xbf16>
          %add3A_382 = arith.addf %add3A_361, %mul3A_380 : vector<32xbf16>
          %add3A_383 = arith.addf %add3A_381, %add3A_382 : vector<32xbf16>
          %unpack3A_384 = tpu.unpack_subelements %add3A_383, 0 {pack_format = #tpu.pack_format<interleaved>} : vector<32xbf16> -> vector<16xf32>
          %unpack3A_385 = tpu.unpack_subelements %add3A_383, 1 {pack_format = #tpu.pack_format<interleaved>} : vector<32xbf16> -> vector<16xf32>
          %add3A_386 = arith.addf %scan3A_218, %unpack3A_384 : vector<16xf32>
          %add3A_387 = arith.addf %scan3A_219, %unpack3A_385 : vector<16xf32>
          %scan3A_388 = arith.constant 1 : i32
          %scan3A_389 = arith.addi %scan3A_217, %scan3A_388 : i32
          %mul3A_390 = arith.constant 8 : i32
          %mul3A_391 = arith.muli %scan3A_389, %mul3A_390 : i32
          %add3A_392 = arith.constant 0 : i32
          %add3A_393 = arith.addi %mul3A_391, %add3A_392 : i32
          %add3A_394 = vector.broadcast %add3A_393 : i32 to vector<16xi32>
          %add3A_395 = arith.addi %add3A_394, %iota3A : vector<16xi32>
          %and3A_396 = arith.constant 63 : i32
          %and3A_397 = vector.broadcast %and3A_396 : i32 to vector<16xi32>
          %and3A_398 = arith.andi %add3A_395, %and3A_397 : vector<16xi32>
          %gather3A_399 = tpu.vector_load_idx %arg8[%add3A_154, %and3A_398] : memref<128x64xi32, #tpu.memory_space<vmem>>[vector<16xi32>, vector<16xi32>], vector<16xi32>,
          %gather3A_400 = tpu.vector_load_idx %arg10[%add3A_154, %and3A_398] : memref<128x64xi32, #tpu.memory_space<vmem>>[vector<16xi32>, vector<16xi32>], vector<16xi32>,
          %bitcast3A_401 = vector.bitcast %gather3A_399 : vector<16xi32> to vector<64xf8E4M3FN>
          %unpack3A_402 = tpu.unpack_subelements %bitcast3A_401, 0 {pack_format = #tpu.pack_format<interleaved>} : vector<64xf8E4M3FN> -> vector<32xbf16>
          %unpack3A_403 = tpu.unpack_subelements %bitcast3A_401, 1 {pack_format = #tpu.pack_format<interleaved>} : vector<64xf8E4M3FN> -> vector<32xbf16>
          %bitcast3A_404 = vector.bitcast %gather3A_400 : vector<16xi32> to vector<64xf8E4M3FN>
          %unpack3A_405 = tpu.unpack_subelements %bitcast3A_404, 0 {pack_format = #tpu.pack_format<interleaved>} : vector<64xf8E4M3FN> -> vector<32xbf16>
          %unpack3A_406 = tpu.unpack_subelements %bitcast3A_404, 1 {pack_format = #tpu.pack_format<interleaved>} : vector<64xf8E4M3FN> -> vector<32xbf16>
          %mul3A_407 = arith.mulf %unpack3A_402, %unpack3A_405 : vector<32xbf16>
          %mul3A_408 = arith.mulf %unpack3A_403, %unpack3A_406 : vector<32xbf16>
          %mul3A_409 = arith.constant 8 : i32
          %mul3A_410 = arith.muli %scan3A_389, %mul3A_409 : i32
          %add3A_411 = arith.constant 1 : i32
          %add3A_412 = arith.addi %mul3A_410, %add3A_411 : i32
          %add3A_413 = vector.broadcast %add3A_412 : i32 to vector<16xi32>
          %add3A_414 = arith.addi %add3A_413, %iota3A : vector<16xi32>
          %and3A_415 = arith.constant 63 : i32
          %and3A_416 = vector.broadcast %and3A_415 : i32 to vector<16xi32>
          %and3A_417 = arith.andi %add3A_414, %and3A_416 : vector<16xi32>
          %gather3A_418 = tpu.vector_load_idx %arg8[%add3A_154, %and3A_417] : memref<128x64xi32, #tpu.memory_space<vmem>>[vector<16xi32>, vector<16xi32>], vector<16xi32>,
          %gather3A_419 = tpu.vector_load_idx %arg10[%add3A_154, %and3A_417] : memref<128x64xi32, #tpu.memory_space<vmem>>[vector<16xi32>, vector<16xi32>], vector<16xi32>,
          %bitcast3A_420 = vector.bitcast %gather3A_418 : vector<16xi32> to vector<64xf8E4M3FN>
          %unpack3A_421 = tpu.unpack_subelements %bitcast3A_420, 0 {pack_format = #tpu.pack_format<interleaved>} : vector<64xf8E4M3FN> -> vector<32xbf16>
          %unpack3A_422 = tpu.unpack_subelements %bitcast3A_420, 1 {pack_format = #tpu.pack_format<interleaved>} : vector<64xf8E4M3FN> -> vector<32xbf16>
          %bitcast3A_423 = vector.bitcast %gather3A_419 : vector<16xi32> to vector<64xf8E4M3FN>
          %unpack3A_424 = tpu.unpack_subelements %bitcast3A_423, 0 {pack_format = #tpu.pack_format<interleaved>} : vector<64xf8E4M3FN> -> vector<32xbf16>
          %unpack3A_425 = tpu.unpack_subelements %bitcast3A_423, 1 {pack_format = #tpu.pack_format<interleaved>} : vector<64xf8E4M3FN> -> vector<32xbf16>
          %mul3A_426 = arith.mulf %unpack3A_421, %unpack3A_424 : vector<32xbf16>
          %mul3A_427 = arith.mulf %unpack3A_422, %unpack3A_425 : vector<32xbf16>
          %add3A_428 = arith.addf %mul3A_407, %mul3A_426 : vector<32xbf16>
          %add3A_429 = arith.addf %mul3A_408, %mul3A_427 : vector<32xbf16>
          %mul3A_430 = arith.constant 8 : i32
          %mul3A_431 = arith.muli %scan3A_389, %mul3A_430 : i32
          %add3A_432 = arith.constant 2 : i32
          %add3A_433 = arith.addi %mul3A_431, %add3A_432 : i32
          %add3A_434 = vector.broadcast %add3A_433 : i32 to vector<16xi32>
          %add3A_435 = arith.addi %add3A_434, %iota3A : vector<16xi32>
          %and3A_436 = arith.constant 63 : i32
          %and3A_437 = vector.broadcast %and3A_436 : i32 to vector<16xi32>
          %and3A_438 = arith.andi %add3A_435, %and3A_437 : vector<16xi32>
          %gather3A_439 = tpu.vector_load_idx %arg8[%add3A_154, %and3A_438] : memref<128x64xi32, #tpu.memory_space<vmem>>[vector<16xi32>, vector<16xi32>], vector<16xi32>,
          %gather3A_440 = tpu.vector_load_idx %arg10[%add3A_154, %and3A_438] : memref<128x64xi32, #tpu.memory_space<vmem>>[vector<16xi32>, vector<16xi32>], vector<16xi32>,
          %bitcast3A_441 = vector.bitcast %gather3A_439 : vector<16xi32> to vector<64xf8E4M3FN>
          %unpack3A_442 = tpu.unpack_subelements %bitcast3A_441, 0 {pack_format = #tpu.pack_format<interleaved>} : vector<64xf8E4M3FN> -> vector<32xbf16>
          %unpack3A_443 = tpu.unpack_subelements %bitcast3A_441, 1 {pack_format = #tpu.pack_format<interleaved>} : vector<64xf8E4M3FN> -> vector<32xbf16>
          %bitcast3A_444 = vector.bitcast %gather3A_440 : vector<16xi32> to vector<64xf8E4M3FN>
          %unpack3A_445 = tpu.unpack_subelements %bitcast3A_444, 0 {pack_format = #tpu.pack_format<interleaved>} : vector<64xf8E4M3FN> -> vector<32xbf16>
          %unpack3A_446 = tpu.unpack_subelements %bitcast3A_444, 1 {pack_format = #tpu.pack_format<interleaved>} : vector<64xf8E4M3FN> -> vector<32xbf16>
          %mul3A_447 = arith.mulf %unpack3A_442, %unpack3A_445 : vector<32xbf16>
          %mul3A_448 = arith.mulf %unpack3A_443, %unpack3A_446 : vector<32xbf16>
          %add3A_449 = arith.addf %add3A_428, %mul3A_447 : vector<32xbf16>
          %add3A_450 = arith.addf %add3A_429, %mul3A_448 : vector<32xbf16>
          %mul3A_451 = arith.constant 8 : i32
          %mul3A_452 = arith.muli %scan3A_389, %mul3A_451 : i32
          %add3A_453 = arith.constant 3 : i32
          %add3A_454 = arith.addi %mul3A_452, %add3A_453 : i32
          %add3A_455 = vector.broadcast %add3A_454 : i32 to vector<16xi32>
          %add3A_456 = arith.addi %add3A_455, %iota3A : vector<16xi32>
          %and3A_457 = arith.constant 63 : i32
          %and3A_458 = vector.broadcast %and3A_457 : i32 to vector<16xi32>
          %and3A_459 = arith.andi %add3A_456, %and3A_458 : vector<16xi32>
          %gather3A_460 = tpu.vector_load_idx %arg8[%add3A_154, %and3A_459] : memref<128x64xi32, #tpu.memory_space<vmem>>[vector<16xi32>, vector<16xi32>], vector<16xi32>,
          %gather3A_461 = tpu.vector_load_idx %arg10[%add3A_154, %and3A_459] : memref<128x64xi32, #tpu.memory_space<vmem>>[vector<16xi32>, vector<16xi32>], vector<16xi32>,
          %bitcast3A_462 = vector.bitcast %gather3A_460 : vector<16xi32> to vector<64xf8E4M3FN>
          %unpack3A_463 = tpu.unpack_subelements %bitcast3A_462, 0 {pack_format = #tpu.pack_format<interleaved>} : vector<64xf8E4M3FN> -> vector<32xbf16>
          %unpack3A_464 = tpu.unpack_subelements %bitcast3A_462, 1 {pack_format = #tpu.pack_format<interleaved>} : vector<64xf8E4M3FN> -> vector<32xbf16>
          %bitcast3A_465 = vector.bitcast %gather3A_461 : vector<16xi32> to vector<64xf8E4M3FN>
          %unpack3A_466 = tpu.unpack_subelements %bitcast3A_465, 0 {pack_format = #tpu.pack_format<interleaved>} : vector<64xf8E4M3FN> -> vector<32xbf16>
          %unpack3A_467 = tpu.unpack_subelements %bitcast3A_465, 1 {pack_format = #tpu.pack_format<interleaved>} : vector<64xf8E4M3FN> -> vector<32xbf16>
          %mul3A_468 = arith.mulf %unpack3A_463, %unpack3A_466 : vector<32xbf16>
          %mul3A_469 = arith.mulf %unpack3A_464, %unpack3A_467 : vector<32xbf16>
          %add3A_470 = arith.addf %add3A_449, %mul3A_468 : vector<32xbf16>
          %add3A_471 = arith.addf %add3A_450, %mul3A_469 : vector<32xbf16>
          %mul3A_472 = arith.constant 8 : i32
          %mul3A_473 = arith.muli %scan3A_389, %mul3A_472 : i32
          %add3A_474 = arith.constant 4 : i32
          %add3A_475 = arith.addi %mul3A_473, %add3A_474 : i32
          %add3A_476 = vector.broadcast %add3A_475 : i32 to vector<16xi32>
          %add3A_477 = arith.addi %add3A_476, %iota3A : vector<16xi32>
          %and3A_478 = arith.constant 63 : i32
          %and3A_479 = vector.broadcast %and3A_478 : i32 to vector<16xi32>
          %and3A_480 = arith.andi %add3A_477, %and3A_479 : vector<16xi32>
          %gather3A_481 = tpu.vector_load_idx %arg8[%add3A_154, %and3A_480] : memref<128x64xi32, #tpu.memory_space<vmem>>[vector<16xi32>, vector<16xi32>], vector<16xi32>,
          %gather3A_482 = tpu.vector_load_idx %arg10[%add3A_154, %and3A_480] : memref<128x64xi32, #tpu.memory_space<vmem>>[vector<16xi32>, vector<16xi32>], vector<16xi32>,
          %bitcast3A_483 = vector.bitcast %gather3A_481 : vector<16xi32> to vector<64xf8E4M3FN>
          %unpack3A_484 = tpu.unpack_subelements %bitcast3A_483, 0 {pack_format = #tpu.pack_format<interleaved>} : vector<64xf8E4M3FN> -> vector<32xbf16>
          %unpack3A_485 = tpu.unpack_subelements %bitcast3A_483, 1 {pack_format = #tpu.pack_format<interleaved>} : vector<64xf8E4M3FN> -> vector<32xbf16>
          %bitcast3A_486 = vector.bitcast %gather3A_482 : vector<16xi32> to vector<64xf8E4M3FN>
          %unpack3A_487 = tpu.unpack_subelements %bitcast3A_486, 0 {pack_format = #tpu.pack_format<interleaved>} : vector<64xf8E4M3FN> -> vector<32xbf16>
          %unpack3A_488 = tpu.unpack_subelements %bitcast3A_486, 1 {pack_format = #tpu.pack_format<interleaved>} : vector<64xf8E4M3FN> -> vector<32xbf16>
          %mul3A_489 = arith.mulf %unpack3A_484, %unpack3A_487 : vector<32xbf16>
          %mul3A_490 = arith.mulf %unpack3A_485, %unpack3A_488 : vector<32xbf16>
          %add3A_491 = arith.addf %add3A_470, %mul3A_489 : vector<32xbf16>
          %add3A_492 = arith.addf %add3A_471, %mul3A_490 : vector<32xbf16>
          %mul3A_493 = arith.constant 8 : i32
          %mul3A_494 = arith.muli %scan3A_389, %mul3A_493 : i32
          %add3A_495 = arith.constant 5 : i32
          %add3A_496 = arith.addi %mul3A_494, %add3A_495 : i32
          %add3A_497 = vector.broadcast %add3A_496 : i32 to vector<16xi32>
          %add3A_498 = arith.addi %add3A_497, %iota3A : vector<16xi32>
          %and3A_499 = arith.constant 63 : i32
          %and3A_500 = vector.broadcast %and3A_499 : i32 to vector<16xi32>
          %and3A_501 = arith.andi %add3A_498, %and3A_500 : vector<16xi32>
          %gather3A_502 = tpu.vector_load_idx %arg8[%add3A_154, %and3A_501] : memref<128x64xi32, #tpu.memory_space<vmem>>[vector<16xi32>, vector<16xi32>], vector<16xi32>,
          %gather3A_503 = tpu.vector_load_idx %arg10[%add3A_154, %and3A_501] : memref<128x64xi32, #tpu.memory_space<vmem>>[vector<16xi32>, vector<16xi32>], vector<16xi32>,
          %bitcast3A_504 = vector.bitcast %gather3A_502 : vector<16xi32> to vector<64xf8E4M3FN>
          %unpack3A_505 = tpu.unpack_subelements %bitcast3A_504, 0 {pack_format = #tpu.pack_format<interleaved>} : vector<64xf8E4M3FN> -> vector<32xbf16>
          %unpack3A_506 = tpu.unpack_subelements %bitcast3A_504, 1 {pack_format = #tpu.pack_format<interleaved>} : vector<64xf8E4M3FN> -> vector<32xbf16>
          %bitcast3A_507 = vector.bitcast %gather3A_503 : vector<16xi32> to vector<64xf8E4M3FN>
          %unpack3A_508 = tpu.unpack_subelements %bitcast3A_507, 0 {pack_format = #tpu.pack_format<interleaved>} : vector<64xf8E4M3FN> -> vector<32xbf16>
          %unpack3A_509 = tpu.unpack_subelements %bitcast3A_507, 1 {pack_format = #tpu.pack_format<interleaved>} : vector<64xf8E4M3FN> -> vector<32xbf16>
          %mul3A_510 = arith.mulf %unpack3A_505, %unpack3A_508 : vector<32xbf16>
          %mul3A_511 = arith.mulf %unpack3A_506, %unpack3A_509 : vector<32xbf16>
          %add3A_512 = arith.addf %add3A_491, %mul3A_510 : vector<32xbf16>
          %add3A_513 = arith.addf %add3A_492, %mul3A_511 : vector<32xbf16>
          %mul3A_514 = arith.constant 8 : i32
          %mul3A_515 = arith.muli %scan3A_389, %mul3A_514 : i32
          %add3A_516 = arith.constant 6 : i32
          %add3A_517 = arith.addi %mul3A_515, %add3A_516 : i32
          %add3A_518 = vector.broadcast %add3A_517 : i32 to vector<16xi32>
          %add3A_519 = arith.addi %add3A_518, %iota3A : vector<16xi32>
          %and3A_520 = arith.constant 63 : i32
          %and3A_521 = vector.broadcast %and3A_520 : i32 to vector<16xi32>
          %and3A_522 = arith.andi %add3A_519, %and3A_521 : vector<16xi32>
          %gather3A_523 = tpu.vector_load_idx %arg8[%add3A_154, %and3A_522] : memref<128x64xi32, #tpu.memory_space<vmem>>[vector<16xi32>, vector<16xi32>], vector<16xi32>,
          %gather3A_524 = tpu.vector_load_idx %arg10[%add3A_154, %and3A_522] : memref<128x64xi32, #tpu.memory_space<vmem>>[vector<16xi32>, vector<16xi32>], vector<16xi32>,
          %bitcast3A_525 = vector.bitcast %gather3A_523 : vector<16xi32> to vector<64xf8E4M3FN>
          %unpack3A_526 = tpu.unpack_subelements %bitcast3A_525, 0 {pack_format = #tpu.pack_format<interleaved>} : vector<64xf8E4M3FN> -> vector<32xbf16>
          %unpack3A_527 = tpu.unpack_subelements %bitcast3A_525, 1 {pack_format = #tpu.pack_format<interleaved>} : vector<64xf8E4M3FN> -> vector<32xbf16>
          %bitcast3A_528 = vector.bitcast %gather3A_524 : vector<16xi32> to vector<64xf8E4M3FN>
          %unpack3A_529 = tpu.unpack_subelements %bitcast3A_528, 0 {pack_format = #tpu.pack_format<interleaved>} : vector<64xf8E4M3FN> -> vector<32xbf16>
          %unpack3A_530 = tpu.unpack_subelements %bitcast3A_528, 1 {pack_format = #tpu.pack_format<interleaved>} : vector<64xf8E4M3FN> -> vector<32xbf16>
          %mul3A_531 = arith.mulf %unpack3A_526, %unpack3A_529 : vector<32xbf16>
          %mul3A_532 = arith.mulf %unpack3A_527, %unpack3A_530 : vector<32xbf16>
          %add3A_533 = arith.addf %add3A_512, %mul3A_531 : vector<32xbf16>
          %add3A_534 = arith.addf %add3A_513, %mul3A_532 : vector<32xbf16>
          %mul3A_535 = arith.constant 8 : i32
          %mul3A_536 = arith.muli %scan3A_389, %mul3A_535 : i32
          %add3A_537 = arith.constant 7 : i32
          %add3A_538 = arith.addi %mul3A_536, %add3A_537 : i32
          %add3A_539 = vector.broadcast %add3A_538 : i32 to vector<16xi32>
          %add3A_540 = arith.addi %add3A_539, %iota3A : vector<16xi32>
          %and3A_541 = arith.constant 63 : i32
          %and3A_542 = vector.broadcast %and3A_541 : i32 to vector<16xi32>
          %and3A_543 = arith.andi %add3A_540, %and3A_542 : vector<16xi32>
          %gather3A_544 = tpu.vector_load_idx %arg8[%add3A_154, %and3A_543] : memref<128x64xi32, #tpu.memory_space<vmem>>[vector<16xi32>, vector<16xi32>], vector<16xi32>,
          %gather3A_545 = tpu.vector_load_idx %arg10[%add3A_154, %and3A_543] : memref<128x64xi32, #tpu.memory_space<vmem>>[vector<16xi32>, vector<16xi32>], vector<16xi32>,
          %bitcast3A_546 = vector.bitcast %gather3A_544 : vector<16xi32> to vector<64xf8E4M3FN>
          %unpack3A_547 = tpu.unpack_subelements %bitcast3A_546, 0 {pack_format = #tpu.pack_format<interleaved>} : vector<64xf8E4M3FN> -> vector<32xbf16>
          %unpack3A_548 = tpu.unpack_subelements %bitcast3A_546, 1 {pack_format = #tpu.pack_format<interleaved>} : vector<64xf8E4M3FN> -> vector<32xbf16>
          %bitcast3A_549 = vector.bitcast %gather3A_545 : vector<16xi32> to vector<64xf8E4M3FN>
          %unpack3A_550 = tpu.unpack_subelements %bitcast3A_549, 0 {pack_format = #tpu.pack_format<interleaved>} : vector<64xf8E4M3FN> -> vector<32xbf16>
          %unpack3A_551 = tpu.unpack_subelements %bitcast3A_549, 1 {pack_format = #tpu.pack_format<interleaved>} : vector<64xf8E4M3FN> -> vector<32xbf16>
          %mul3A_552 = arith.mulf %unpack3A_547, %unpack3A_550 : vector<32xbf16>
          %mul3A_553 = arith.mulf %unpack3A_548, %unpack3A_551 : vector<32xbf16>
          %add3A_554 = arith.addf %add3A_533, %mul3A_552 : vector<32xbf16>
          %add3A_555 = arith.addf %add3A_534, %mul3A_553 : vector<32xbf16>
          %add3A_556 = arith.addf %add3A_554, %add3A_555 : vector<32xbf16>
          %unpack3A_557 = tpu.unpack_subelements %add3A_556, 0 {pack_format = #tpu.pack_format<interleaved>} : vector<32xbf16> -> vector<16xf32>
          %unpack3A_558 = tpu.unpack_subelements %add3A_556, 1 {pack_format = #tpu.pack_format<interleaved>} : vector<32xbf16> -> vector<16xf32>
          %add3A_559 = arith.addf %add3A_386, %unpack3A_557 : vector<16xf32>
          %add3A_560 = arith.addf %add3A_387, %unpack3A_558 : vector<16xf32>
          scf.yield %add3A_559, %add3A_560 : vector<16xf32>, vector<16xf32>
        }
        %scan3A_161 = arith.constant 8 : i32
        %add3A_162 = arith.addf %scan3A_160#0, %scan3A_160#1 : vector<16xf32>
        %mul3A_163 = arith.constant 2.000000e+00 : f32
        %mul3A_164 = vector.broadcast %mul3A_163 : f32 to vector<16xf32>
        %mul3A_165 = arith.mulf %mul3A_164, %add3A_162 : vector<16xf32>
        %sub3A_166 = arith.constant 2.000000e+00 : f32
        %sub3A_167 = vector.broadcast %sub3A_166 : f32 to vector<16xf32>
        %sub3A_168 = arith.subf %sub3A_167, %mul3A_165 : vector<16xf32>
        %max3A = arith.constant 0.000000e+00 : f32
        %max3A_169 = vector.broadcast %max3A : f32 to vector<16xf32>
        %max3A_170 = arith.maximumf %sub3A_168, %max3A_169 : vector<16xf32>
        %bitcast3A = vector.bitcast %max3A_170 : vector<16xf32> to vector<16xi32>
        %shift_right_arithmetic3A = arith.constant 1 : i32
        %shift_right_arithmetic3A_171 = vector.broadcast %shift_right_arithmetic3A : i32 to vector<16xi32>
        %shift_right_arithmetic3A_172 = arith.shrsi %bitcast3A, %shift_right_arithmetic3A_171 : vector<16xi32>
        %sub3A_173 = arith.constant 1597463007 : i32
        %sub3A_174 = vector.broadcast %sub3A_173 : i32 to vector<16xi32>
        %sub3A_175 = arith.subi %sub3A_174, %shift_right_arithmetic3A_172 : vector<16xi32>
        %bitcast3A_176 = vector.bitcast %sub3A_175 : vector<16xi32> to vector<16xf32>
        %mul3A_177 = arith.constant 5.000000e-01 : f32
        %mul3A_178 = vector.broadcast %mul3A_177 : f32 to vector<16xf32>
        %mul3A_179 = arith.mulf %mul3A_178, %max3A_170 : vector<16xf32>
        %mul3A_180 = arith.mulf %mul3A_179, %bitcast3A_176 : vector<16xf32>
        %mul3A_181 = arith.mulf %mul3A_180, %bitcast3A_176 : vector<16xf32>
        %sub3A_182 = arith.constant 1.500000e+00 : f32
        %sub3A_183 = vector.broadcast %sub3A_182 : f32 to vector<16xf32>
        %sub3A_184 = arith.subf %sub3A_183, %mul3A_181 : vector<16xf32>
        %mul3A_185 = arith.mulf %bitcast3A_176, %sub3A_184 : vector<16xf32>
        %mul3A_186 = arith.constant 5.000000e-01 : f32
        %mul3A_187 = vector.broadcast %mul3A_186 : f32 to vector<16xf32>
        %mul3A_188 = arith.mulf %mul3A_187, %max3A_170 : vector<16xf32>
        %mul3A_189 = arith.mulf %mul3A_188, %mul3A_185 : vector<16xf32>
        %mul3A_190 = arith.mulf %mul3A_189, %mul3A_185 : vector<16xf32>
        %sub3A_191 = arith.constant 1.500000e+00 : f32
        %sub3A_192 = vector.broadcast %sub3A_191 : f32 to vector<16xf32>
        %sub3A_193 = arith.subf %sub3A_192, %mul3A_190 : vector<16xf32>
        %mul3A_194 = arith.mulf %mul3A_185, %sub3A_193 : vector<16xf32>
        %mul3A_195 = arith.constant 5.000000e-01 : f32
        %mul3A_196 = vector.broadcast %mul3A_195 : f32 to vector<16xf32>
        %mul3A_197 = arith.mulf %mul3A_196, %max3A_170 : vector<16xf32>
        %mul3A_198 = arith.mulf %mul3A_197, %mul3A_194 : vector<16xf32>
        %mul3A_199 = arith.mulf %mul3A_198, %mul3A_194 : vector<16xf32>
        %sub3A_200 = arith.constant 1.500000e+00 : f32
        %sub3A_201 = vector.broadcast %sub3A_200 : f32 to vector<16xf32>
        %sub3A_202 = arith.subf %sub3A_201, %mul3A_199 : vector<16xf32>
        %mul3A_203 = arith.mulf %mul3A_194, %sub3A_202 : vector<16xf32>
        %mul3A_204 = arith.mulf %max3A_170, %mul3A_203 : vector<16xf32>
        %sub3A_205 = arith.constant 1.000000e+00 : f32
        %sub3A_206 = vector.broadcast %sub3A_205 : f32 to vector<16xf32>
        %sub3A_207 = arith.subf %mul3A_204, %sub3A_206 : vector<16xf32>
        %exp3A = math.exp %sub3A_207 : vector<16xf32>
        %add3A_208 = arith.constant 1.000000e+00 : f32
        %add3A_209 = vector.broadcast %add3A_208 : f32 to vector<16xf32>
        %add3A_210 = arith.addf %add3A_209, %exp3A : vector<16xf32>
        %div3A = arith.constant 1.000000e+00 : f32
        %div3A_211 = vector.broadcast %div3A : f32 to vector<16xf32>
        %div3A_212 = arith.divf %div3A_211, %add3A_210 : vector<16xf32>
        %mul3A_213 = arith.constant 16 : i32
        %mul3A_214 = arith.muli %scan3A_149, %mul3A_213 : i32
        %swap3A = arith.index_cast %mul3A_214 : i32 to index
        %swap3A_215 = tpu.vector_load %arg12[%swap3A] {strides = array<i32>} : memref<128xf32, #tpu.memory_space<vmem>>, vector<16xf32>,
        tpu.vector_store %arg12[%swap3A], %div3A_212 {strides = array<i32>} : memref<128xf32, #tpu.memory_space<vmem>>, vector<16xf32>,
        %scan3A_216 = arith.constant 0 : i32
        scf.yield %scan3A_216 : i32
      }
      %scan3A_96 = arith.constant 8 : i32
      %mul3A_97 = arith.constant 128 : i32
      %mul3A_98 = arith.muli %add3A_61, %mul3A_97 : i32
      %add3A_99 = arith.addi %mul3A_2, %mul3A_98 : i32
      %dma_start3A_100 = tpu.memref_slice %arg4[%add3A_99] : memref<160000xf32, #tpu.memory_space<hbm>> -> memref<128xf32, #tpu.memory_space<hbm>>
      %dma_start3A_101 = tpu.memref_slice %arg4[%add3A_99] : memref<160000xf32, #tpu.memory_space<hbm>> -> memref<128xf32, #tpu.memory_space<hbm>>
      tpu.enqueue_dma source(%arg12 : memref<128xf32, #tpu.memory_space<vmem>>) target(%dma_start3A_101 : memref<128xf32, #tpu.memory_space<hbm>>) target_semaphore(%arg18 : memref<!tpu.dma_semaphore, #tpu.memory_space<semaphore_mem>>)
      %mul3A_102 = arith.constant 2 : i32
      %mul3A_103 = arith.muli %mul3A_102, %while3A_56 : i32
      %add3A_104 = arith.constant 1 : i32
      %add3A_105 = arith.addi %mul3A_103, %add3A_104 : i32
      %mul3A_106 = arith.constant 128 : i32
      %mul3A_107 = arith.muli %add3A_105, %mul3A_106 : i32
      %lt3A_108 = arith.constant 8 : i32
      %lt3A_109 = arith.cmpi slt, %add3A_105, %lt3A_108 : i32
      %convert_element_type3A_110 = arith.extui %lt3A_109 : i1 to i32
      %cond3A_111 = arith.constant 0 : i32
      %cond3A_112 = arith.cmpi ne, %convert_element_type3A_110, %cond3A_111 : i32
      scf.if %cond3A_112 {
        %dma_wait3A_149 = tpu.memref_slice %arg6[%mul3A_107] : memref<5120xi32, #tpu.memory_space<vmem>> -> memref<128xi32, #tpu.memory_space<vmem>>
        %dma_wait3A_150 = arith.constant 0 : i32
        %dma_wait3A_151 = arith.constant 0 : i32
        %dma_wait3A_152 = tpu.memref_slice %arg2[%dma_wait3A_150, %dma_wait3A_151] : memref<10240x64xi32, #tpu.memory_space<hbm>> -> memref<10240x64xi32, #tpu.memory_space<hbm>>
        tpu.wait_indirect_dma semaphore(%arg15 : memref<!tpu.dma_semaphore, #tpu.memory_space<semaphore_mem>>) src(%dma_wait3A_152 : memref<10240x64xi32, #tpu.memory_space<hbm>>) dst(%arg9 : memref<128x64xi32, #tpu.memory_space<vmem>>)
        %dma_wait3A_153 = tpu.memref_slice %arg7[%mul3A_107] : memref<5120xi32, #tpu.memory_space<vmem>> -> memref<128xi32, #tpu.memory_space<vmem>>
        %dma_wait3A_154 = arith.constant 0 : i32
        %dma_wait3A_155 = arith.constant 0 : i32
        %dma_wait3A_156 = tpu.memref_slice %arg2[%dma_wait3A_154, %dma_wait3A_155] : memref<10240x64xi32, #tpu.memory_space<hbm>> -> memref<10240x64xi32, #tpu.memory_space<hbm>>
        tpu.wait_indirect_dma semaphore(%arg17 : memref<!tpu.dma_semaphore, #tpu.memory_space<semaphore_mem>>) src(%dma_wait3A_156 : memref<10240x64xi32, #tpu.memory_space<hbm>>) dst(%arg11 : memref<128x64xi32, #tpu.memory_space<vmem>>)
      } else {
      }
      %ge3A_113 = arith.constant 8 : i32
      %ge3A_114 = arith.cmpi sge, %add3A_105, %ge3A_113 : i32
      %convert_element_type3A_115 = arith.extui %ge3A_114 : i1 to i32
      %cond3A_116 = arith.constant 0 : i32
      %cond3A_117 = arith.cmpi ne, %convert_element_type3A_115, %cond3A_116 : i32
      scf.if %cond3A_117 {
        %dma_wait3A_149 = tpu.memref_slice %arg6[%mul3A_107] : memref<5120xi32, #tpu.memory_space<vmem>> -> memref<128xi32, #tpu.memory_space<vmem>>
        %dma_wait3A_150 = arith.constant 0 : i32
        %dma_wait3A_151 = arith.constant 0 : i32
        %dma_wait3A_152 = tpu.memref_slice %arg5[%dma_wait3A_150, %dma_wait3A_151] : memref<10240x64xi32, #tpu.memory_space<vmem_shared>> -> memref<10240x64xi32, #tpu.memory_space<vmem_shared>>
        tpu.wait_indirect_dma semaphore(%arg15 : memref<!tpu.dma_semaphore, #tpu.memory_space<semaphore_mem>>) src(%dma_wait3A_152 : memref<10240x64xi32, #tpu.memory_space<vmem_shared>>) dst(%arg9 : memref<128x64xi32, #tpu.memory_space<vmem>>)
        %dma_wait3A_153 = tpu.memref_slice %arg7[%mul3A_107] : memref<5120xi32, #tpu.memory_space<vmem>> -> memref<128xi32, #tpu.memory_space<vmem>>
        %dma_wait3A_154 = arith.constant 0 : i32
        %dma_wait3A_155 = arith.constant 0 : i32
        %dma_wait3A_156 = tpu.memref_slice %arg5[%dma_wait3A_154, %dma_wait3A_155] : memref<10240x64xi32, #tpu.memory_space<vmem_shared>> -> memref<10240x64xi32, #tpu.memory_space<vmem_shared>>
        tpu.wait_indirect_dma semaphore(%arg17 : memref<!tpu.dma_semaphore, #tpu.memory_space<semaphore_mem>>) src(%dma_wait3A_156 : memref<10240x64xi32, #tpu.memory_space<vmem_shared>>) dst(%arg11 : memref<128x64xi32, #tpu.memory_space<vmem>>)
      } else {
      }
      %add3A_118 = arith.constant 1 : i32
      %add3A_119 = arith.addi %add3A_105, %add3A_118 : i32
      %eq3A_120 = arith.constant 8 : i32
      %eq3A_121 = arith.cmpi eq, %add3A_119, %eq3A_120 : i32
      %convert_element_type3A_122 = arith.extui %eq3A_121 : i1 to i32
      %cond3A_123 = arith.constant 0 : i32
      %cond3A_124 = arith.cmpi ne, %convert_element_type3A_122, %cond3A_123 : i32
      scf.if %cond3A_124 {
        %mul3A_149 = arith.constant 640 : i32
        %mul3A_150 = arith.muli %arg1, %mul3A_149 : i32
        %mul3A_151 = arith.constant 640 : i32
        %mul3A_152 = arith.muli %arg1, %mul3A_151 : i32
        %dma_wait3A_153 = arith.constant 0 : i32
        %dma_wait3A_154 = tpu.memref_slice %arg5[%mul3A_152, %dma_wait3A_153] : memref<10240x64xi32, #tpu.memory_space<vmem_shared>> -> memref<640x64xi32, #tpu.memory_space<vmem_shared>>
        %dma_wait3A_155 = arith.constant 0 : i32
        %dma_wait3A_156 = tpu.memref_slice %arg2[%mul3A_150, %dma_wait3A_155] : memref<10240x64xi32, #tpu.memory_space<hbm>> -> memref<640x64xi32, #tpu.memory_space<hbm>>
        tpu.wait_dma2 semaphore(%arg20 : memref<!tpu.dma_semaphore, #tpu.memory_space<semaphore_mem>>) src(%dma_wait3A_156 : memref<640x64xi32, #tpu.memory_space<hbm>>) dst(%dma_wait3A_154 : memref<640x64xi32, #tpu.memory_space<vmem_shared>>)
        %barrier3A = arith.constant 0 : index
        tpu.barrier barrier_id(%barrier3A)
      } else {
      }
      %add3A_125 = arith.constant 1 : i32
      %add3A_126 = arith.addi %add3A_105, %add3A_125 : i32
      %lt3A_127 = arith.cmpi slt, %add3A_126, %mul3A_8 : i32
      %convert_element_type3A_128 = arith.extui %lt3A_127 : i1 to i32
      %cond3A_129 = arith.constant 0 : i32
      %cond3A_130 = arith.cmpi ne, %convert_element_type3A_128, %cond3A_129 : i32
      scf.if %cond3A_130 {
        %add3A_149 = arith.constant 1 : i32
        %add3A_150 = arith.addi %add3A_105, %add3A_149 : i32
        %mul3A_151 = arith.constant 128 : i32
        %mul3A_152 = arith.muli %add3A_150, %mul3A_151 : i32
        %lt3A_153 = arith.constant 8 : i32
        %lt3A_154 = arith.cmpi slt, %add3A_150, %lt3A_153 : i32
        %convert_element_type3A_155 = arith.extui %lt3A_154 : i1 to i32
        %cond3A_156 = arith.constant 0 : i32
        %cond3A_157 = arith.cmpi ne, %convert_element_type3A_155, %cond3A_156 : i32
        scf.if %cond3A_157 {
          %dma_start3A_163 = tpu.memref_slice %arg6[%mul3A_152] : memref<5120xi32, #tpu.memory_space<vmem>> -> memref<128xi32, #tpu.memory_space<vmem>>
          %dma_start3A_164 = arith.constant 0 : i32
          %dma_start3A_165 = arith.constant 0 : i32
          %dma_start3A_166 = tpu.memref_slice %arg2[%dma_start3A_164, %dma_start3A_165] : memref<10240x64xi32, #tpu.memory_space<hbm>> -> memref<10240x64xi32, #tpu.memory_space<hbm>>
          tpu.enqueue_indirect_dma source(%dma_start3A_166 : memref<10240x64xi32, #tpu.memory_space<hbm>>) target(%arg8 : memref<128x64xi32, #tpu.memory_space<vmem>>) offsets(%dma_start3A_163 : memref<128xi32, #tpu.memory_space<vmem>>) semaphore(%arg14 : memref<!tpu.dma_semaphore, #tpu.memory_space<semaphore_mem>>)
          %dma_start3A_167 = tpu.memref_slice %arg7[%mul3A_152] : memref<5120xi32, #tpu.memory_space<vmem>> -> memref<128xi32, #tpu.memory_space<vmem>>
          %dma_start3A_168 = arith.constant 0 : i32
          %dma_start3A_169 = arith.constant 0 : i32
          %dma_start3A_170 = tpu.memref_slice %arg2[%dma_start3A_168, %dma_start3A_169] : memref<10240x64xi32, #tpu.memory_space<hbm>> -> memref<10240x64xi32, #tpu.memory_space<hbm>>
          tpu.enqueue_indirect_dma source(%dma_start3A_170 : memref<10240x64xi32, #tpu.memory_space<hbm>>) target(%arg10 : memref<128x64xi32, #tpu.memory_space<vmem>>) offsets(%dma_start3A_167 : memref<128xi32, #tpu.memory_space<vmem>>) semaphore(%arg16 : memref<!tpu.dma_semaphore, #tpu.memory_space<semaphore_mem>>)
        } else {
        }
        %ge3A_158 = arith.constant 8 : i32
        %ge3A_159 = arith.cmpi sge, %add3A_150, %ge3A_158 : i32
        %convert_element_type3A_160 = arith.extui %ge3A_159 : i1 to i32
        %cond3A_161 = arith.constant 0 : i32
        %cond3A_162 = arith.cmpi ne, %convert_element_type3A_160, %cond3A_161 : i32
        scf.if %cond3A_162 {
          %dma_start3A_163 = tpu.memref_slice %arg6[%mul3A_152] : memref<5120xi32, #tpu.memory_space<vmem>> -> memref<128xi32, #tpu.memory_space<vmem>>
          %dma_start3A_164 = arith.constant 0 : i32
          %dma_start3A_165 = arith.constant 0 : i32
          %dma_start3A_166 = tpu.memref_slice %arg5[%dma_start3A_164, %dma_start3A_165] : memref<10240x64xi32, #tpu.memory_space<vmem_shared>> -> memref<10240x64xi32, #tpu.memory_space<vmem_shared>>
          tpu.enqueue_indirect_dma source(%dma_start3A_166 : memref<10240x64xi32, #tpu.memory_space<vmem_shared>>) target(%arg8 : memref<128x64xi32, #tpu.memory_space<vmem>>) offsets(%dma_start3A_163 : memref<128xi32, #tpu.memory_space<vmem>>) semaphore(%arg14 : memref<!tpu.dma_semaphore, #tpu.memory_space<semaphore_mem>>)
          %dma_start3A_167 = tpu.memref_slice %arg7[%mul3A_152] : memref<5120xi32, #tpu.memory_space<vmem>> -> memref<128xi32, #tpu.memory_space<vmem>>
          %dma_start3A_168 = arith.constant 0 : i32
          %dma_start3A_169 = arith.constant 0 : i32
          %dma_start3A_170 = tpu.memref_slice %arg5[%dma_start3A_168, %dma_start3A_169] : memref<10240x64xi32, #tpu.memory_space<vmem_shared>> -> memref<10240x64xi32, #tpu.memory_space<vmem_shared>>
          tpu.enqueue_indirect_dma source(%dma_start3A_170 : memref<10240x64xi32, #tpu.memory_space<vmem_shared>>) target(%arg10 : memref<128x64xi32, #tpu.memory_space<vmem>>) offsets(%dma_start3A_167 : memref<128xi32, #tpu.memory_space<vmem>>) semaphore(%arg16 : memref<!tpu.dma_semaphore, #tpu.memory_space<semaphore_mem>>)
        } else {
        }
      } else {
      }
      %ge3A_131 = arith.constant 2 : i32
      %ge3A_132 = arith.cmpi sge, %add3A_105, %ge3A_131 : i32
      %convert_element_type3A_133 = arith.extui %ge3A_132 : i1 to i32
      %cond3A_134 = arith.constant 0 : i32
      %cond3A_135 = arith.cmpi ne, %convert_element_type3A_133, %cond3A_134 : i32
      scf.if %cond3A_135 {
        %sub3A_149 = arith.constant 2 : i32
        %sub3A_150 = arith.subi %add3A_105, %sub3A_149 : i32
        %mul3A_151 = arith.constant 128 : i32
        %mul3A_152 = arith.muli %sub3A_150, %mul3A_151 : i32
        %add3A_153 = arith.addi %mul3A_2, %mul3A_152 : i32
        %dma_wait3A_154 = tpu.memref_slice %arg4[%add3A_153] : memref<160000xf32, #tpu.memory_space<hbm>> -> memref<128xf32, #tpu.memory_space<hbm>>
        %dma_wait3A_155 = tpu.memref_slice %arg4[%add3A_153] : memref<160000xf32, #tpu.memory_space<hbm>> -> memref<128xf32, #tpu.memory_space<hbm>>
        tpu.wait_dma2 semaphore(%arg19 : memref<!tpu.dma_semaphore, #tpu.memory_space<semaphore_mem>>) src(%arg13 : memref<128xf32, #tpu.memory_space<vmem>>) dst(%dma_wait3A_155 : memref<128xf32, #tpu.memory_space<hbm>>)
      } else {
      }
      %scan3A_136 = arith.constant 0 : i32
      %scan3A_137 = arith.constant 0 : i32
      %scan3A_138 = arith.constant 8 : i32
      %scan3A_139 = arith.addi %scan3A_137, %scan3A_138 : i32
      %scan3A_140 = arith.constant 1 : i32
      %scan3A_141 = scf.for %scan3A_149 = %scan3A_137 to %scan3A_139 step %scan3A_140 iter_args(%scan3A_150 = %scan3A_136) -> (i32)  : i32 {
        %mul3A_151 = arith.constant 16 : i32
        %mul3A_152 = arith.muli %scan3A_149, %mul3A_151 : i32
        %add3A_153 = vector.broadcast %mul3A_152 : i32 to vector<16xi32>
        %add3A_154 = arith.addi %add3A_153, %iota3A : vector<16xi32>
        %broadcast_in_dim3A = arith.constant 0.000000e+00 : f32
        %broadcast_in_dim3A_155 = vector.broadcast %broadcast_in_dim3A : f32 to vector<16xf32>
        %scan3A_156 = arith.constant 0 : i32
        %scan3A_157 = arith.constant 8 : i32
        %scan3A_158 = arith.addi %scan3A_156, %scan3A_157 : i32
        %scan3A_159 = arith.constant 2 : i32
        %scan3A_160:2 = scf.for %scan3A_217 = %scan3A_156 to %scan3A_158 step %scan3A_159 iter_args(%scan3A_218 = %broadcast_in_dim3A_155, %scan3A_219 = %broadcast_in_dim3A_155) -> (vector<16xf32>, vector<16xf32>)  : i32 {
          %mul3A_220 = arith.constant 8 : i32
          %mul3A_221 = arith.muli %scan3A_217, %mul3A_220 : i32
          %add3A_222 = arith.constant 0 : i32
          %add3A_223 = arith.addi %mul3A_221, %add3A_222 : i32
          %add3A_224 = vector.broadcast %add3A_223 : i32 to vector<16xi32>
          %add3A_225 = arith.addi %add3A_224, %iota3A : vector<16xi32>
          %and3A = arith.constant 63 : i32
          %and3A_226 = vector.broadcast %and3A : i32 to vector<16xi32>
          %and3A_227 = arith.andi %add3A_225, %and3A_226 : vector<16xi32>
          %gather3A = tpu.vector_load_idx %arg9[%add3A_154, %and3A_227] : memref<128x64xi32, #tpu.memory_space<vmem>>[vector<16xi32>, vector<16xi32>], vector<16xi32>,
          %gather3A_228 = tpu.vector_load_idx %arg11[%add3A_154, %and3A_227] : memref<128x64xi32, #tpu.memory_space<vmem>>[vector<16xi32>, vector<16xi32>], vector<16xi32>,
          %bitcast3A_229 = vector.bitcast %gather3A : vector<16xi32> to vector<64xf8E4M3FN>
          %unpack3A = tpu.unpack_subelements %bitcast3A_229, 0 {pack_format = #tpu.pack_format<interleaved>} : vector<64xf8E4M3FN> -> vector<32xbf16>
          %unpack3A_230 = tpu.unpack_subelements %bitcast3A_229, 1 {pack_format = #tpu.pack_format<interleaved>} : vector<64xf8E4M3FN> -> vector<32xbf16>
          %bitcast3A_231 = vector.bitcast %gather3A_228 : vector<16xi32> to vector<64xf8E4M3FN>
          %unpack3A_232 = tpu.unpack_subelements %bitcast3A_231, 0 {pack_format = #tpu.pack_format<interleaved>} : vector<64xf8E4M3FN> -> vector<32xbf16>
          %unpack3A_233 = tpu.unpack_subelements %bitcast3A_231, 1 {pack_format = #tpu.pack_format<interleaved>} : vector<64xf8E4M3FN> -> vector<32xbf16>
          %mul3A_234 = arith.mulf %unpack3A, %unpack3A_232 : vector<32xbf16>
          %mul3A_235 = arith.mulf %unpack3A_230, %unpack3A_233 : vector<32xbf16>
          %mul3A_236 = arith.constant 8 : i32
          %mul3A_237 = arith.muli %scan3A_217, %mul3A_236 : i32
          %add3A_238 = arith.constant 1 : i32
          %add3A_239 = arith.addi %mul3A_237, %add3A_238 : i32
          %add3A_240 = vector.broadcast %add3A_239 : i32 to vector<16xi32>
          %add3A_241 = arith.addi %add3A_240, %iota3A : vector<16xi32>
          %and3A_242 = arith.constant 63 : i32
          %and3A_243 = vector.broadcast %and3A_242 : i32 to vector<16xi32>
          %and3A_244 = arith.andi %add3A_241, %and3A_243 : vector<16xi32>
          %gather3A_245 = tpu.vector_load_idx %arg9[%add3A_154, %and3A_244] : memref<128x64xi32, #tpu.memory_space<vmem>>[vector<16xi32>, vector<16xi32>], vector<16xi32>,
          %gather3A_246 = tpu.vector_load_idx %arg11[%add3A_154, %and3A_244] : memref<128x64xi32, #tpu.memory_space<vmem>>[vector<16xi32>, vector<16xi32>], vector<16xi32>,
          %bitcast3A_247 = vector.bitcast %gather3A_245 : vector<16xi32> to vector<64xf8E4M3FN>
          %unpack3A_248 = tpu.unpack_subelements %bitcast3A_247, 0 {pack_format = #tpu.pack_format<interleaved>} : vector<64xf8E4M3FN> -> vector<32xbf16>
          %unpack3A_249 = tpu.unpack_subelements %bitcast3A_247, 1 {pack_format = #tpu.pack_format<interleaved>} : vector<64xf8E4M3FN> -> vector<32xbf16>
          %bitcast3A_250 = vector.bitcast %gather3A_246 : vector<16xi32> to vector<64xf8E4M3FN>
          %unpack3A_251 = tpu.unpack_subelements %bitcast3A_250, 0 {pack_format = #tpu.pack_format<interleaved>} : vector<64xf8E4M3FN> -> vector<32xbf16>
          %unpack3A_252 = tpu.unpack_subelements %bitcast3A_250, 1 {pack_format = #tpu.pack_format<interleaved>} : vector<64xf8E4M3FN> -> vector<32xbf16>
          %mul3A_253 = arith.mulf %unpack3A_248, %unpack3A_251 : vector<32xbf16>
          %mul3A_254 = arith.mulf %unpack3A_249, %unpack3A_252 : vector<32xbf16>
          %add3A_255 = arith.addf %mul3A_234, %mul3A_253 : vector<32xbf16>
          %add3A_256 = arith.addf %mul3A_235, %mul3A_254 : vector<32xbf16>
          %mul3A_257 = arith.constant 8 : i32
          %mul3A_258 = arith.muli %scan3A_217, %mul3A_257 : i32
          %add3A_259 = arith.constant 2 : i32
          %add3A_260 = arith.addi %mul3A_258, %add3A_259 : i32
          %add3A_261 = vector.broadcast %add3A_260 : i32 to vector<16xi32>
          %add3A_262 = arith.addi %add3A_261, %iota3A : vector<16xi32>
          %and3A_263 = arith.constant 63 : i32
          %and3A_264 = vector.broadcast %and3A_263 : i32 to vector<16xi32>
          %and3A_265 = arith.andi %add3A_262, %and3A_264 : vector<16xi32>
          %gather3A_266 = tpu.vector_load_idx %arg9[%add3A_154, %and3A_265] : memref<128x64xi32, #tpu.memory_space<vmem>>[vector<16xi32>, vector<16xi32>], vector<16xi32>,
          %gather3A_267 = tpu.vector_load_idx %arg11[%add3A_154, %and3A_265] : memref<128x64xi32, #tpu.memory_space<vmem>>[vector<16xi32>, vector<16xi32>], vector<16xi32>,
          %bitcast3A_268 = vector.bitcast %gather3A_266 : vector<16xi32> to vector<64xf8E4M3FN>
          %unpack3A_269 = tpu.unpack_subelements %bitcast3A_268, 0 {pack_format = #tpu.pack_format<interleaved>} : vector<64xf8E4M3FN> -> vector<32xbf16>
          %unpack3A_270 = tpu.unpack_subelements %bitcast3A_268, 1 {pack_format = #tpu.pack_format<interleaved>} : vector<64xf8E4M3FN> -> vector<32xbf16>
          %bitcast3A_271 = vector.bitcast %gather3A_267 : vector<16xi32> to vector<64xf8E4M3FN>
          %unpack3A_272 = tpu.unpack_subelements %bitcast3A_271, 0 {pack_format = #tpu.pack_format<interleaved>} : vector<64xf8E4M3FN> -> vector<32xbf16>
          %unpack3A_273 = tpu.unpack_subelements %bitcast3A_271, 1 {pack_format = #tpu.pack_format<interleaved>} : vector<64xf8E4M3FN> -> vector<32xbf16>
          %mul3A_274 = arith.mulf %unpack3A_269, %unpack3A_272 : vector<32xbf16>
          %mul3A_275 = arith.mulf %unpack3A_270, %unpack3A_273 : vector<32xbf16>
          %add3A_276 = arith.addf %add3A_255, %mul3A_274 : vector<32xbf16>
          %add3A_277 = arith.addf %add3A_256, %mul3A_275 : vector<32xbf16>
          %mul3A_278 = arith.constant 8 : i32
          %mul3A_279 = arith.muli %scan3A_217, %mul3A_278 : i32
          %add3A_280 = arith.constant 3 : i32
          %add3A_281 = arith.addi %mul3A_279, %add3A_280 : i32
          %add3A_282 = vector.broadcast %add3A_281 : i32 to vector<16xi32>
          %add3A_283 = arith.addi %add3A_282, %iota3A : vector<16xi32>
          %and3A_284 = arith.constant 63 : i32
          %and3A_285 = vector.broadcast %and3A_284 : i32 to vector<16xi32>
          %and3A_286 = arith.andi %add3A_283, %and3A_285 : vector<16xi32>
          %gather3A_287 = tpu.vector_load_idx %arg9[%add3A_154, %and3A_286] : memref<128x64xi32, #tpu.memory_space<vmem>>[vector<16xi32>, vector<16xi32>], vector<16xi32>,
          %gather3A_288 = tpu.vector_load_idx %arg11[%add3A_154, %and3A_286] : memref<128x64xi32, #tpu.memory_space<vmem>>[vector<16xi32>, vector<16xi32>], vector<16xi32>,
          %bitcast3A_289 = vector.bitcast %gather3A_287 : vector<16xi32> to vector<64xf8E4M3FN>
          %unpack3A_290 = tpu.unpack_subelements %bitcast3A_289, 0 {pack_format = #tpu.pack_format<interleaved>} : vector<64xf8E4M3FN> -> vector<32xbf16>
          %unpack3A_291 = tpu.unpack_subelements %bitcast3A_289, 1 {pack_format = #tpu.pack_format<interleaved>} : vector<64xf8E4M3FN> -> vector<32xbf16>
          %bitcast3A_292 = vector.bitcast %gather3A_288 : vector<16xi32> to vector<64xf8E4M3FN>
          %unpack3A_293 = tpu.unpack_subelements %bitcast3A_292, 0 {pack_format = #tpu.pack_format<interleaved>} : vector<64xf8E4M3FN> -> vector<32xbf16>
          %unpack3A_294 = tpu.unpack_subelements %bitcast3A_292, 1 {pack_format = #tpu.pack_format<interleaved>} : vector<64xf8E4M3FN> -> vector<32xbf16>
          %mul3A_295 = arith.mulf %unpack3A_290, %unpack3A_293 : vector<32xbf16>
          %mul3A_296 = arith.mulf %unpack3A_291, %unpack3A_294 : vector<32xbf16>
          %add3A_297 = arith.addf %add3A_276, %mul3A_295 : vector<32xbf16>
          %add3A_298 = arith.addf %add3A_277, %mul3A_296 : vector<32xbf16>
          %mul3A_299 = arith.constant 8 : i32
          %mul3A_300 = arith.muli %scan3A_217, %mul3A_299 : i32
          %add3A_301 = arith.constant 4 : i32
          %add3A_302 = arith.addi %mul3A_300, %add3A_301 : i32
          %add3A_303 = vector.broadcast %add3A_302 : i32 to vector<16xi32>
          %add3A_304 = arith.addi %add3A_303, %iota3A : vector<16xi32>
          %and3A_305 = arith.constant 63 : i32
          %and3A_306 = vector.broadcast %and3A_305 : i32 to vector<16xi32>
          %and3A_307 = arith.andi %add3A_304, %and3A_306 : vector<16xi32>
          %gather3A_308 = tpu.vector_load_idx %arg9[%add3A_154, %and3A_307] : memref<128x64xi32, #tpu.memory_space<vmem>>[vector<16xi32>, vector<16xi32>], vector<16xi32>,
          %gather3A_309 = tpu.vector_load_idx %arg11[%add3A_154, %and3A_307] : memref<128x64xi32, #tpu.memory_space<vmem>>[vector<16xi32>, vector<16xi32>], vector<16xi32>,
          %bitcast3A_310 = vector.bitcast %gather3A_308 : vector<16xi32> to vector<64xf8E4M3FN>
          %unpack3A_311 = tpu.unpack_subelements %bitcast3A_310, 0 {pack_format = #tpu.pack_format<interleaved>} : vector<64xf8E4M3FN> -> vector<32xbf16>
          %unpack3A_312 = tpu.unpack_subelements %bitcast3A_310, 1 {pack_format = #tpu.pack_format<interleaved>} : vector<64xf8E4M3FN> -> vector<32xbf16>
          %bitcast3A_313 = vector.bitcast %gather3A_309 : vector<16xi32> to vector<64xf8E4M3FN>
          %unpack3A_314 = tpu.unpack_subelements %bitcast3A_313, 0 {pack_format = #tpu.pack_format<interleaved>} : vector<64xf8E4M3FN> -> vector<32xbf16>
          %unpack3A_315 = tpu.unpack_subelements %bitcast3A_313, 1 {pack_format = #tpu.pack_format<interleaved>} : vector<64xf8E4M3FN> -> vector<32xbf16>
          %mul3A_316 = arith.mulf %unpack3A_311, %unpack3A_314 : vector<32xbf16>
          %mul3A_317 = arith.mulf %unpack3A_312, %unpack3A_315 : vector<32xbf16>
          %add3A_318 = arith.addf %add3A_297, %mul3A_316 : vector<32xbf16>
          %add3A_319 = arith.addf %add3A_298, %mul3A_317 : vector<32xbf16>
          %mul3A_320 = arith.constant 8 : i32
          %mul3A_321 = arith.muli %scan3A_217, %mul3A_320 : i32
          %add3A_322 = arith.constant 5 : i32
          %add3A_323 = arith.addi %mul3A_321, %add3A_322 : i32
          %add3A_324 = vector.broadcast %add3A_323 : i32 to vector<16xi32>
          %add3A_325 = arith.addi %add3A_324, %iota3A : vector<16xi32>
          %and3A_326 = arith.constant 63 : i32
          %and3A_327 = vector.broadcast %and3A_326 : i32 to vector<16xi32>
          %and3A_328 = arith.andi %add3A_325, %and3A_327 : vector<16xi32>
          %gather3A_329 = tpu.vector_load_idx %arg9[%add3A_154, %and3A_328] : memref<128x64xi32, #tpu.memory_space<vmem>>[vector<16xi32>, vector<16xi32>], vector<16xi32>,
          %gather3A_330 = tpu.vector_load_idx %arg11[%add3A_154, %and3A_328] : memref<128x64xi32, #tpu.memory_space<vmem>>[vector<16xi32>, vector<16xi32>], vector<16xi32>,
          %bitcast3A_331 = vector.bitcast %gather3A_329 : vector<16xi32> to vector<64xf8E4M3FN>
          %unpack3A_332 = tpu.unpack_subelements %bitcast3A_331, 0 {pack_format = #tpu.pack_format<interleaved>} : vector<64xf8E4M3FN> -> vector<32xbf16>
          %unpack3A_333 = tpu.unpack_subelements %bitcast3A_331, 1 {pack_format = #tpu.pack_format<interleaved>} : vector<64xf8E4M3FN> -> vector<32xbf16>
          %bitcast3A_334 = vector.bitcast %gather3A_330 : vector<16xi32> to vector<64xf8E4M3FN>
          %unpack3A_335 = tpu.unpack_subelements %bitcast3A_334, 0 {pack_format = #tpu.pack_format<interleaved>} : vector<64xf8E4M3FN> -> vector<32xbf16>
          %unpack3A_336 = tpu.unpack_subelements %bitcast3A_334, 1 {pack_format = #tpu.pack_format<interleaved>} : vector<64xf8E4M3FN> -> vector<32xbf16>
          %mul3A_337 = arith.mulf %unpack3A_332, %unpack3A_335 : vector<32xbf16>
          %mul3A_338 = arith.mulf %unpack3A_333, %unpack3A_336 : vector<32xbf16>
          %add3A_339 = arith.addf %add3A_318, %mul3A_337 : vector<32xbf16>
          %add3A_340 = arith.addf %add3A_319, %mul3A_338 : vector<32xbf16>
          %mul3A_341 = arith.constant 8 : i32
          %mul3A_342 = arith.muli %scan3A_217, %mul3A_341 : i32
          %add3A_343 = arith.constant 6 : i32
          %add3A_344 = arith.addi %mul3A_342, %add3A_343 : i32
          %add3A_345 = vector.broadcast %add3A_344 : i32 to vector<16xi32>
          %add3A_346 = arith.addi %add3A_345, %iota3A : vector<16xi32>
          %and3A_347 = arith.constant 63 : i32
          %and3A_348 = vector.broadcast %and3A_347 : i32 to vector<16xi32>
          %and3A_349 = arith.andi %add3A_346, %and3A_348 : vector<16xi32>
          %gather3A_350 = tpu.vector_load_idx %arg9[%add3A_154, %and3A_349] : memref<128x64xi32, #tpu.memory_space<vmem>>[vector<16xi32>, vector<16xi32>], vector<16xi32>,
          %gather3A_351 = tpu.vector_load_idx %arg11[%add3A_154, %and3A_349] : memref<128x64xi32, #tpu.memory_space<vmem>>[vector<16xi32>, vector<16xi32>], vector<16xi32>,
          %bitcast3A_352 = vector.bitcast %gather3A_350 : vector<16xi32> to vector<64xf8E4M3FN>
          %unpack3A_353 = tpu.unpack_subelements %bitcast3A_352, 0 {pack_format = #tpu.pack_format<interleaved>} : vector<64xf8E4M3FN> -> vector<32xbf16>
          %unpack3A_354 = tpu.unpack_subelements %bitcast3A_352, 1 {pack_format = #tpu.pack_format<interleaved>} : vector<64xf8E4M3FN> -> vector<32xbf16>
          %bitcast3A_355 = vector.bitcast %gather3A_351 : vector<16xi32> to vector<64xf8E4M3FN>
          %unpack3A_356 = tpu.unpack_subelements %bitcast3A_355, 0 {pack_format = #tpu.pack_format<interleaved>} : vector<64xf8E4M3FN> -> vector<32xbf16>
          %unpack3A_357 = tpu.unpack_subelements %bitcast3A_355, 1 {pack_format = #tpu.pack_format<interleaved>} : vector<64xf8E4M3FN> -> vector<32xbf16>
          %mul3A_358 = arith.mulf %unpack3A_353, %unpack3A_356 : vector<32xbf16>
          %mul3A_359 = arith.mulf %unpack3A_354, %unpack3A_357 : vector<32xbf16>
          %add3A_360 = arith.addf %add3A_339, %mul3A_358 : vector<32xbf16>
          %add3A_361 = arith.addf %add3A_340, %mul3A_359 : vector<32xbf16>
          %mul3A_362 = arith.constant 8 : i32
          %mul3A_363 = arith.muli %scan3A_217, %mul3A_362 : i32
          %add3A_364 = arith.constant 7 : i32
          %add3A_365 = arith.addi %mul3A_363, %add3A_364 : i32
          %add3A_366 = vector.broadcast %add3A_365 : i32 to vector<16xi32>
          %add3A_367 = arith.addi %add3A_366, %iota3A : vector<16xi32>
          %and3A_368 = arith.constant 63 : i32
          %and3A_369 = vector.broadcast %and3A_368 : i32 to vector<16xi32>
          %and3A_370 = arith.andi %add3A_367, %and3A_369 : vector<16xi32>
          %gather3A_371 = tpu.vector_load_idx %arg9[%add3A_154, %and3A_370] : memref<128x64xi32, #tpu.memory_space<vmem>>[vector<16xi32>, vector<16xi32>], vector<16xi32>,
          %gather3A_372 = tpu.vector_load_idx %arg11[%add3A_154, %and3A_370] : memref<128x64xi32, #tpu.memory_space<vmem>>[vector<16xi32>, vector<16xi32>], vector<16xi32>,
          %bitcast3A_373 = vector.bitcast %gather3A_371 : vector<16xi32> to vector<64xf8E4M3FN>
          %unpack3A_374 = tpu.unpack_subelements %bitcast3A_373, 0 {pack_format = #tpu.pack_format<interleaved>} : vector<64xf8E4M3FN> -> vector<32xbf16>
          %unpack3A_375 = tpu.unpack_subelements %bitcast3A_373, 1 {pack_format = #tpu.pack_format<interleaved>} : vector<64xf8E4M3FN> -> vector<32xbf16>
          %bitcast3A_376 = vector.bitcast %gather3A_372 : vector<16xi32> to vector<64xf8E4M3FN>
          %unpack3A_377 = tpu.unpack_subelements %bitcast3A_376, 0 {pack_format = #tpu.pack_format<interleaved>} : vector<64xf8E4M3FN> -> vector<32xbf16>
          %unpack3A_378 = tpu.unpack_subelements %bitcast3A_376, 1 {pack_format = #tpu.pack_format<interleaved>} : vector<64xf8E4M3FN> -> vector<32xbf16>
          %mul3A_379 = arith.mulf %unpack3A_374, %unpack3A_377 : vector<32xbf16>
          %mul3A_380 = arith.mulf %unpack3A_375, %unpack3A_378 : vector<32xbf16>
          %add3A_381 = arith.addf %add3A_360, %mul3A_379 : vector<32xbf16>
          %add3A_382 = arith.addf %add3A_361, %mul3A_380 : vector<32xbf16>
          %add3A_383 = arith.addf %add3A_381, %add3A_382 : vector<32xbf16>
          %unpack3A_384 = tpu.unpack_subelements %add3A_383, 0 {pack_format = #tpu.pack_format<interleaved>} : vector<32xbf16> -> vector<16xf32>
          %unpack3A_385 = tpu.unpack_subelements %add3A_383, 1 {pack_format = #tpu.pack_format<interleaved>} : vector<32xbf16> -> vector<16xf32>
          %add3A_386 = arith.addf %scan3A_218, %unpack3A_384 : vector<16xf32>
          %add3A_387 = arith.addf %scan3A_219, %unpack3A_385 : vector<16xf32>
          %scan3A_388 = arith.constant 1 : i32
          %scan3A_389 = arith.addi %scan3A_217, %scan3A_388 : i32
          %mul3A_390 = arith.constant 8 : i32
          %mul3A_391 = arith.muli %scan3A_389, %mul3A_390 : i32
          %add3A_392 = arith.constant 0 : i32
          %add3A_393 = arith.addi %mul3A_391, %add3A_392 : i32
          %add3A_394 = vector.broadcast %add3A_393 : i32 to vector<16xi32>
          %add3A_395 = arith.addi %add3A_394, %iota3A : vector<16xi32>
          %and3A_396 = arith.constant 63 : i32
          %and3A_397 = vector.broadcast %and3A_396 : i32 to vector<16xi32>
          %and3A_398 = arith.andi %add3A_395, %and3A_397 : vector<16xi32>
          %gather3A_399 = tpu.vector_load_idx %arg9[%add3A_154, %and3A_398] : memref<128x64xi32, #tpu.memory_space<vmem>>[vector<16xi32>, vector<16xi32>], vector<16xi32>,
          %gather3A_400 = tpu.vector_load_idx %arg11[%add3A_154, %and3A_398] : memref<128x64xi32, #tpu.memory_space<vmem>>[vector<16xi32>, vector<16xi32>], vector<16xi32>,
          %bitcast3A_401 = vector.bitcast %gather3A_399 : vector<16xi32> to vector<64xf8E4M3FN>
          %unpack3A_402 = tpu.unpack_subelements %bitcast3A_401, 0 {pack_format = #tpu.pack_format<interleaved>} : vector<64xf8E4M3FN> -> vector<32xbf16>
          %unpack3A_403 = tpu.unpack_subelements %bitcast3A_401, 1 {pack_format = #tpu.pack_format<interleaved>} : vector<64xf8E4M3FN> -> vector<32xbf16>
          %bitcast3A_404 = vector.bitcast %gather3A_400 : vector<16xi32> to vector<64xf8E4M3FN>
          %unpack3A_405 = tpu.unpack_subelements %bitcast3A_404, 0 {pack_format = #tpu.pack_format<interleaved>} : vector<64xf8E4M3FN> -> vector<32xbf16>
          %unpack3A_406 = tpu.unpack_subelements %bitcast3A_404, 1 {pack_format = #tpu.pack_format<interleaved>} : vector<64xf8E4M3FN> -> vector<32xbf16>
          %mul3A_407 = arith.mulf %unpack3A_402, %unpack3A_405 : vector<32xbf16>
          %mul3A_408 = arith.mulf %unpack3A_403, %unpack3A_406 : vector<32xbf16>
          %mul3A_409 = arith.constant 8 : i32
          %mul3A_410 = arith.muli %scan3A_389, %mul3A_409 : i32
          %add3A_411 = arith.constant 1 : i32
          %add3A_412 = arith.addi %mul3A_410, %add3A_411 : i32
          %add3A_413 = vector.broadcast %add3A_412 : i32 to vector<16xi32>
          %add3A_414 = arith.addi %add3A_413, %iota3A : vector<16xi32>
          %and3A_415 = arith.constant 63 : i32
          %and3A_416 = vector.broadcast %and3A_415 : i32 to vector<16xi32>
          %and3A_417 = arith.andi %add3A_414, %and3A_416 : vector<16xi32>
          %gather3A_418 = tpu.vector_load_idx %arg9[%add3A_154, %and3A_417] : memref<128x64xi32, #tpu.memory_space<vmem>>[vector<16xi32>, vector<16xi32>], vector<16xi32>,
          %gather3A_419 = tpu.vector_load_idx %arg11[%add3A_154, %and3A_417] : memref<128x64xi32, #tpu.memory_space<vmem>>[vector<16xi32>, vector<16xi32>], vector<16xi32>,
          %bitcast3A_420 = vector.bitcast %gather3A_418 : vector<16xi32> to vector<64xf8E4M3FN>
          %unpack3A_421 = tpu.unpack_subelements %bitcast3A_420, 0 {pack_format = #tpu.pack_format<interleaved>} : vector<64xf8E4M3FN> -> vector<32xbf16>
          %unpack3A_422 = tpu.unpack_subelements %bitcast3A_420, 1 {pack_format = #tpu.pack_format<interleaved>} : vector<64xf8E4M3FN> -> vector<32xbf16>
          %bitcast3A_423 = vector.bitcast %gather3A_419 : vector<16xi32> to vector<64xf8E4M3FN>
          %unpack3A_424 = tpu.unpack_subelements %bitcast3A_423, 0 {pack_format = #tpu.pack_format<interleaved>} : vector<64xf8E4M3FN> -> vector<32xbf16>
          %unpack3A_425 = tpu.unpack_subelements %bitcast3A_423, 1 {pack_format = #tpu.pack_format<interleaved>} : vector<64xf8E4M3FN> -> vector<32xbf16>
          %mul3A_426 = arith.mulf %unpack3A_421, %unpack3A_424 : vector<32xbf16>
          %mul3A_427 = arith.mulf %unpack3A_422, %unpack3A_425 : vector<32xbf16>
          %add3A_428 = arith.addf %mul3A_407, %mul3A_426 : vector<32xbf16>
          %add3A_429 = arith.addf %mul3A_408, %mul3A_427 : vector<32xbf16>
          %mul3A_430 = arith.constant 8 : i32
          %mul3A_431 = arith.muli %scan3A_389, %mul3A_430 : i32
          %add3A_432 = arith.constant 2 : i32
          %add3A_433 = arith.addi %mul3A_431, %add3A_432 : i32
          %add3A_434 = vector.broadcast %add3A_433 : i32 to vector<16xi32>
          %add3A_435 = arith.addi %add3A_434, %iota3A : vector<16xi32>
          %and3A_436 = arith.constant 63 : i32
          %and3A_437 = vector.broadcast %and3A_436 : i32 to vector<16xi32>
          %and3A_438 = arith.andi %add3A_435, %and3A_437 : vector<16xi32>
          %gather3A_439 = tpu.vector_load_idx %arg9[%add3A_154, %and3A_438] : memref<128x64xi32, #tpu.memory_space<vmem>>[vector<16xi32>, vector<16xi32>], vector<16xi32>,
          %gather3A_440 = tpu.vector_load_idx %arg11[%add3A_154, %and3A_438] : memref<128x64xi32, #tpu.memory_space<vmem>>[vector<16xi32>, vector<16xi32>], vector<16xi32>,
          %bitcast3A_441 = vector.bitcast %gather3A_439 : vector<16xi32> to vector<64xf8E4M3FN>
          %unpack3A_442 = tpu.unpack_subelements %bitcast3A_441, 0 {pack_format = #tpu.pack_format<interleaved>} : vector<64xf8E4M3FN> -> vector<32xbf16>
          %unpack3A_443 = tpu.unpack_subelements %bitcast3A_441, 1 {pack_format = #tpu.pack_format<interleaved>} : vector<64xf8E4M3FN> -> vector<32xbf16>
          %bitcast3A_444 = vector.bitcast %gather3A_440 : vector<16xi32> to vector<64xf8E4M3FN>
          %unpack3A_445 = tpu.unpack_subelements %bitcast3A_444, 0 {pack_format = #tpu.pack_format<interleaved>} : vector<64xf8E4M3FN> -> vector<32xbf16>
          %unpack3A_446 = tpu.unpack_subelements %bitcast3A_444, 1 {pack_format = #tpu.pack_format<interleaved>} : vector<64xf8E4M3FN> -> vector<32xbf16>
          %mul3A_447 = arith.mulf %unpack3A_442, %unpack3A_445 : vector<32xbf16>
          %mul3A_448 = arith.mulf %unpack3A_443, %unpack3A_446 : vector<32xbf16>
          %add3A_449 = arith.addf %add3A_428, %mul3A_447 : vector<32xbf16>
          %add3A_450 = arith.addf %add3A_429, %mul3A_448 : vector<32xbf16>
          %mul3A_451 = arith.constant 8 : i32
          %mul3A_452 = arith.muli %scan3A_389, %mul3A_451 : i32
          %add3A_453 = arith.constant 3 : i32
          %add3A_454 = arith.addi %mul3A_452, %add3A_453 : i32
          %add3A_455 = vector.broadcast %add3A_454 : i32 to vector<16xi32>
          %add3A_456 = arith.addi %add3A_455, %iota3A : vector<16xi32>
          %and3A_457 = arith.constant 63 : i32
          %and3A_458 = vector.broadcast %and3A_457 : i32 to vector<16xi32>
          %and3A_459 = arith.andi %add3A_456, %and3A_458 : vector<16xi32>
          %gather3A_460 = tpu.vector_load_idx %arg9[%add3A_154, %and3A_459] : memref<128x64xi32, #tpu.memory_space<vmem>>[vector<16xi32>, vector<16xi32>], vector<16xi32>,
          %gather3A_461 = tpu.vector_load_idx %arg11[%add3A_154, %and3A_459] : memref<128x64xi32, #tpu.memory_space<vmem>>[vector<16xi32>, vector<16xi32>], vector<16xi32>,
          %bitcast3A_462 = vector.bitcast %gather3A_460 : vector<16xi32> to vector<64xf8E4M3FN>
          %unpack3A_463 = tpu.unpack_subelements %bitcast3A_462, 0 {pack_format = #tpu.pack_format<interleaved>} : vector<64xf8E4M3FN> -> vector<32xbf16>
          %unpack3A_464 = tpu.unpack_subelements %bitcast3A_462, 1 {pack_format = #tpu.pack_format<interleaved>} : vector<64xf8E4M3FN> -> vector<32xbf16>
          %bitcast3A_465 = vector.bitcast %gather3A_461 : vector<16xi32> to vector<64xf8E4M3FN>
          %unpack3A_466 = tpu.unpack_subelements %bitcast3A_465, 0 {pack_format = #tpu.pack_format<interleaved>} : vector<64xf8E4M3FN> -> vector<32xbf16>
          %unpack3A_467 = tpu.unpack_subelements %bitcast3A_465, 1 {pack_format = #tpu.pack_format<interleaved>} : vector<64xf8E4M3FN> -> vector<32xbf16>
          %mul3A_468 = arith.mulf %unpack3A_463, %unpack3A_466 : vector<32xbf16>
          %mul3A_469 = arith.mulf %unpack3A_464, %unpack3A_467 : vector<32xbf16>
          %add3A_470 = arith.addf %add3A_449, %mul3A_468 : vector<32xbf16>
          %add3A_471 = arith.addf %add3A_450, %mul3A_469 : vector<32xbf16>
          %mul3A_472 = arith.constant 8 : i32
          %mul3A_473 = arith.muli %scan3A_389, %mul3A_472 : i32
          %add3A_474 = arith.constant 4 : i32
          %add3A_475 = arith.addi %mul3A_473, %add3A_474 : i32
          %add3A_476 = vector.broadcast %add3A_475 : i32 to vector<16xi32>
          %add3A_477 = arith.addi %add3A_476, %iota3A : vector<16xi32>
          %and3A_478 = arith.constant 63 : i32
          %and3A_479 = vector.broadcast %and3A_478 : i32 to vector<16xi32>
          %and3A_480 = arith.andi %add3A_477, %and3A_479 : vector<16xi32>
          %gather3A_481 = tpu.vector_load_idx %arg9[%add3A_154, %and3A_480] : memref<128x64xi32, #tpu.memory_space<vmem>>[vector<16xi32>, vector<16xi32>], vector<16xi32>,
          %gather3A_482 = tpu.vector_load_idx %arg11[%add3A_154, %and3A_480] : memref<128x64xi32, #tpu.memory_space<vmem>>[vector<16xi32>, vector<16xi32>], vector<16xi32>,
          %bitcast3A_483 = vector.bitcast %gather3A_481 : vector<16xi32> to vector<64xf8E4M3FN>
          %unpack3A_484 = tpu.unpack_subelements %bitcast3A_483, 0 {pack_format = #tpu.pack_format<interleaved>} : vector<64xf8E4M3FN> -> vector<32xbf16>
          %unpack3A_485 = tpu.unpack_subelements %bitcast3A_483, 1 {pack_format = #tpu.pack_format<interleaved>} : vector<64xf8E4M3FN> -> vector<32xbf16>
          %bitcast3A_486 = vector.bitcast %gather3A_482 : vector<16xi32> to vector<64xf8E4M3FN>
          %unpack3A_487 = tpu.unpack_subelements %bitcast3A_486, 0 {pack_format = #tpu.pack_format<interleaved>} : vector<64xf8E4M3FN> -> vector<32xbf16>
          %unpack3A_488 = tpu.unpack_subelements %bitcast3A_486, 1 {pack_format = #tpu.pack_format<interleaved>} : vector<64xf8E4M3FN> -> vector<32xbf16>
          %mul3A_489 = arith.mulf %unpack3A_484, %unpack3A_487 : vector<32xbf16>
          %mul3A_490 = arith.mulf %unpack3A_485, %unpack3A_488 : vector<32xbf16>
          %add3A_491 = arith.addf %add3A_470, %mul3A_489 : vector<32xbf16>
          %add3A_492 = arith.addf %add3A_471, %mul3A_490 : vector<32xbf16>
          %mul3A_493 = arith.constant 8 : i32
          %mul3A_494 = arith.muli %scan3A_389, %mul3A_493 : i32
          %add3A_495 = arith.constant 5 : i32
          %add3A_496 = arith.addi %mul3A_494, %add3A_495 : i32
          %add3A_497 = vector.broadcast %add3A_496 : i32 to vector<16xi32>
          %add3A_498 = arith.addi %add3A_497, %iota3A : vector<16xi32>
          %and3A_499 = arith.constant 63 : i32
          %and3A_500 = vector.broadcast %and3A_499 : i32 to vector<16xi32>
          %and3A_501 = arith.andi %add3A_498, %and3A_500 : vector<16xi32>
          %gather3A_502 = tpu.vector_load_idx %arg9[%add3A_154, %and3A_501] : memref<128x64xi32, #tpu.memory_space<vmem>>[vector<16xi32>, vector<16xi32>], vector<16xi32>,
          %gather3A_503 = tpu.vector_load_idx %arg11[%add3A_154, %and3A_501] : memref<128x64xi32, #tpu.memory_space<vmem>>[vector<16xi32>, vector<16xi32>], vector<16xi32>,
          %bitcast3A_504 = vector.bitcast %gather3A_502 : vector<16xi32> to vector<64xf8E4M3FN>
          %unpack3A_505 = tpu.unpack_subelements %bitcast3A_504, 0 {pack_format = #tpu.pack_format<interleaved>} : vector<64xf8E4M3FN> -> vector<32xbf16>
          %unpack3A_506 = tpu.unpack_subelements %bitcast3A_504, 1 {pack_format = #tpu.pack_format<interleaved>} : vector<64xf8E4M3FN> -> vector<32xbf16>
          %bitcast3A_507 = vector.bitcast %gather3A_503 : vector<16xi32> to vector<64xf8E4M3FN>
          %unpack3A_508 = tpu.unpack_subelements %bitcast3A_507, 0 {pack_format = #tpu.pack_format<interleaved>} : vector<64xf8E4M3FN> -> vector<32xbf16>
          %unpack3A_509 = tpu.unpack_subelements %bitcast3A_507, 1 {pack_format = #tpu.pack_format<interleaved>} : vector<64xf8E4M3FN> -> vector<32xbf16>
          %mul3A_510 = arith.mulf %unpack3A_505, %unpack3A_508 : vector<32xbf16>
          %mul3A_511 = arith.mulf %unpack3A_506, %unpack3A_509 : vector<32xbf16>
          %add3A_512 = arith.addf %add3A_491, %mul3A_510 : vector<32xbf16>
          %add3A_513 = arith.addf %add3A_492, %mul3A_511 : vector<32xbf16>
          %mul3A_514 = arith.constant 8 : i32
          %mul3A_515 = arith.muli %scan3A_389, %mul3A_514 : i32
          %add3A_516 = arith.constant 6 : i32
          %add3A_517 = arith.addi %mul3A_515, %add3A_516 : i32
          %add3A_518 = vector.broadcast %add3A_517 : i32 to vector<16xi32>
          %add3A_519 = arith.addi %add3A_518, %iota3A : vector<16xi32>
          %and3A_520 = arith.constant 63 : i32
          %and3A_521 = vector.broadcast %and3A_520 : i32 to vector<16xi32>
          %and3A_522 = arith.andi %add3A_519, %and3A_521 : vector<16xi32>
          %gather3A_523 = tpu.vector_load_idx %arg9[%add3A_154, %and3A_522] : memref<128x64xi32, #tpu.memory_space<vmem>>[vector<16xi32>, vector<16xi32>], vector<16xi32>,
          %gather3A_524 = tpu.vector_load_idx %arg11[%add3A_154, %and3A_522] : memref<128x64xi32, #tpu.memory_space<vmem>>[vector<16xi32>, vector<16xi32>], vector<16xi32>,
          %bitcast3A_525 = vector.bitcast %gather3A_523 : vector<16xi32> to vector<64xf8E4M3FN>
          %unpack3A_526 = tpu.unpack_subelements %bitcast3A_525, 0 {pack_format = #tpu.pack_format<interleaved>} : vector<64xf8E4M3FN> -> vector<32xbf16>
          %unpack3A_527 = tpu.unpack_subelements %bitcast3A_525, 1 {pack_format = #tpu.pack_format<interleaved>} : vector<64xf8E4M3FN> -> vector<32xbf16>
          %bitcast3A_528 = vector.bitcast %gather3A_524 : vector<16xi32> to vector<64xf8E4M3FN>
          %unpack3A_529 = tpu.unpack_subelements %bitcast3A_528, 0 {pack_format = #tpu.pack_format<interleaved>} : vector<64xf8E4M3FN> -> vector<32xbf16>
          %unpack3A_530 = tpu.unpack_subelements %bitcast3A_528, 1 {pack_format = #tpu.pack_format<interleaved>} : vector<64xf8E4M3FN> -> vector<32xbf16>
          %mul3A_531 = arith.mulf %unpack3A_526, %unpack3A_529 : vector<32xbf16>
          %mul3A_532 = arith.mulf %unpack3A_527, %unpack3A_530 : vector<32xbf16>
          %add3A_533 = arith.addf %add3A_512, %mul3A_531 : vector<32xbf16>
          %add3A_534 = arith.addf %add3A_513, %mul3A_532 : vector<32xbf16>
          %mul3A_535 = arith.constant 8 : i32
          %mul3A_536 = arith.muli %scan3A_389, %mul3A_535 : i32
          %add3A_537 = arith.constant 7 : i32
          %add3A_538 = arith.addi %mul3A_536, %add3A_537 : i32
          %add3A_539 = vector.broadcast %add3A_538 : i32 to vector<16xi32>
          %add3A_540 = arith.addi %add3A_539, %iota3A : vector<16xi32>
          %and3A_541 = arith.constant 63 : i32
          %and3A_542 = vector.broadcast %and3A_541 : i32 to vector<16xi32>
          %and3A_543 = arith.andi %add3A_540, %and3A_542 : vector<16xi32>
          %gather3A_544 = tpu.vector_load_idx %arg9[%add3A_154, %and3A_543] : memref<128x64xi32, #tpu.memory_space<vmem>>[vector<16xi32>, vector<16xi32>], vector<16xi32>,
          %gather3A_545 = tpu.vector_load_idx %arg11[%add3A_154, %and3A_543] : memref<128x64xi32, #tpu.memory_space<vmem>>[vector<16xi32>, vector<16xi32>], vector<16xi32>,
          %bitcast3A_546 = vector.bitcast %gather3A_544 : vector<16xi32> to vector<64xf8E4M3FN>
          %unpack3A_547 = tpu.unpack_subelements %bitcast3A_546, 0 {pack_format = #tpu.pack_format<interleaved>} : vector<64xf8E4M3FN> -> vector<32xbf16>
          %unpack3A_548 = tpu.unpack_subelements %bitcast3A_546, 1 {pack_format = #tpu.pack_format<interleaved>} : vector<64xf8E4M3FN> -> vector<32xbf16>
          %bitcast3A_549 = vector.bitcast %gather3A_545 : vector<16xi32> to vector<64xf8E4M3FN>
          %unpack3A_550 = tpu.unpack_subelements %bitcast3A_549, 0 {pack_format = #tpu.pack_format<interleaved>} : vector<64xf8E4M3FN> -> vector<32xbf16>
          %unpack3A_551 = tpu.unpack_subelements %bitcast3A_549, 1 {pack_format = #tpu.pack_format<interleaved>} : vector<64xf8E4M3FN> -> vector<32xbf16>
          %mul3A_552 = arith.mulf %unpack3A_547, %unpack3A_550 : vector<32xbf16>
          %mul3A_553 = arith.mulf %unpack3A_548, %unpack3A_551 : vector<32xbf16>
          %add3A_554 = arith.addf %add3A_533, %mul3A_552 : vector<32xbf16>
          %add3A_555 = arith.addf %add3A_534, %mul3A_553 : vector<32xbf16>
          %add3A_556 = arith.addf %add3A_554, %add3A_555 : vector<32xbf16>
          %unpack3A_557 = tpu.unpack_subelements %add3A_556, 0 {pack_format = #tpu.pack_format<interleaved>} : vector<32xbf16> -> vector<16xf32>
          %unpack3A_558 = tpu.unpack_subelements %add3A_556, 1 {pack_format = #tpu.pack_format<interleaved>} : vector<32xbf16> -> vector<16xf32>
          %add3A_559 = arith.addf %add3A_386, %unpack3A_557 : vector<16xf32>
          %add3A_560 = arith.addf %add3A_387, %unpack3A_558 : vector<16xf32>
          scf.yield %add3A_559, %add3A_560 : vector<16xf32>, vector<16xf32>
        }
        %scan3A_161 = arith.constant 8 : i32
        %add3A_162 = arith.addf %scan3A_160#0, %scan3A_160#1 : vector<16xf32>
        %mul3A_163 = arith.constant 2.000000e+00 : f32
        %mul3A_164 = vector.broadcast %mul3A_163 : f32 to vector<16xf32>
        %mul3A_165 = arith.mulf %mul3A_164, %add3A_162 : vector<16xf32>
        %sub3A_166 = arith.constant 2.000000e+00 : f32
        %sub3A_167 = vector.broadcast %sub3A_166 : f32 to vector<16xf32>
        %sub3A_168 = arith.subf %sub3A_167, %mul3A_165 : vector<16xf32>
        %max3A = arith.constant 0.000000e+00 : f32
        %max3A_169 = vector.broadcast %max3A : f32 to vector<16xf32>
        %max3A_170 = arith.maximumf %sub3A_168, %max3A_169 : vector<16xf32>
        %bitcast3A = vector.bitcast %max3A_170 : vector<16xf32> to vector<16xi32>
        %shift_right_arithmetic3A = arith.constant 1 : i32
        %shift_right_arithmetic3A_171 = vector.broadcast %shift_right_arithmetic3A : i32 to vector<16xi32>
        %shift_right_arithmetic3A_172 = arith.shrsi %bitcast3A, %shift_right_arithmetic3A_171 : vector<16xi32>
        %sub3A_173 = arith.constant 1597463007 : i32
        %sub3A_174 = vector.broadcast %sub3A_173 : i32 to vector<16xi32>
        %sub3A_175 = arith.subi %sub3A_174, %shift_right_arithmetic3A_172 : vector<16xi32>
        %bitcast3A_176 = vector.bitcast %sub3A_175 : vector<16xi32> to vector<16xf32>
        %mul3A_177 = arith.constant 5.000000e-01 : f32
        %mul3A_178 = vector.broadcast %mul3A_177 : f32 to vector<16xf32>
        %mul3A_179 = arith.mulf %mul3A_178, %max3A_170 : vector<16xf32>
        %mul3A_180 = arith.mulf %mul3A_179, %bitcast3A_176 : vector<16xf32>
        %mul3A_181 = arith.mulf %mul3A_180, %bitcast3A_176 : vector<16xf32>
        %sub3A_182 = arith.constant 1.500000e+00 : f32
        %sub3A_183 = vector.broadcast %sub3A_182 : f32 to vector<16xf32>
        %sub3A_184 = arith.subf %sub3A_183, %mul3A_181 : vector<16xf32>
        %mul3A_185 = arith.mulf %bitcast3A_176, %sub3A_184 : vector<16xf32>
        %mul3A_186 = arith.constant 5.000000e-01 : f32
        %mul3A_187 = vector.broadcast %mul3A_186 : f32 to vector<16xf32>
        %mul3A_188 = arith.mulf %mul3A_187, %max3A_170 : vector<16xf32>
        %mul3A_189 = arith.mulf %mul3A_188, %mul3A_185 : vector<16xf32>
        %mul3A_190 = arith.mulf %mul3A_189, %mul3A_185 : vector<16xf32>
        %sub3A_191 = arith.constant 1.500000e+00 : f32
        %sub3A_192 = vector.broadcast %sub3A_191 : f32 to vector<16xf32>
        %sub3A_193 = arith.subf %sub3A_192, %mul3A_190 : vector<16xf32>
        %mul3A_194 = arith.mulf %mul3A_185, %sub3A_193 : vector<16xf32>
        %mul3A_195 = arith.constant 5.000000e-01 : f32
        %mul3A_196 = vector.broadcast %mul3A_195 : f32 to vector<16xf32>
        %mul3A_197 = arith.mulf %mul3A_196, %max3A_170 : vector<16xf32>
        %mul3A_198 = arith.mulf %mul3A_197, %mul3A_194 : vector<16xf32>
        %mul3A_199 = arith.mulf %mul3A_198, %mul3A_194 : vector<16xf32>
        %sub3A_200 = arith.constant 1.500000e+00 : f32
        %sub3A_201 = vector.broadcast %sub3A_200 : f32 to vector<16xf32>
        %sub3A_202 = arith.subf %sub3A_201, %mul3A_199 : vector<16xf32>
        %mul3A_203 = arith.mulf %mul3A_194, %sub3A_202 : vector<16xf32>
        %mul3A_204 = arith.mulf %max3A_170, %mul3A_203 : vector<16xf32>
        %sub3A_205 = arith.constant 1.000000e+00 : f32
        %sub3A_206 = vector.broadcast %sub3A_205 : f32 to vector<16xf32>
        %sub3A_207 = arith.subf %mul3A_204, %sub3A_206 : vector<16xf32>
        %exp3A = math.exp %sub3A_207 : vector<16xf32>
        %add3A_208 = arith.constant 1.000000e+00 : f32
        %add3A_209 = vector.broadcast %add3A_208 : f32 to vector<16xf32>
        %add3A_210 = arith.addf %add3A_209, %exp3A : vector<16xf32>
        %div3A = arith.constant 1.000000e+00 : f32
        %div3A_211 = vector.broadcast %div3A : f32 to vector<16xf32>
        %div3A_212 = arith.divf %div3A_211, %add3A_210 : vector<16xf32>
        %mul3A_213 = arith.constant 16 : i32
        %mul3A_214 = arith.muli %scan3A_149, %mul3A_213 : i32
        %swap3A = arith.index_cast %mul3A_214 : i32 to index
        %swap3A_215 = tpu.vector_load %arg13[%swap3A] {strides = array<i32>} : memref<128xf32, #tpu.memory_space<vmem>>, vector<16xf32>,
        tpu.vector_store %arg13[%swap3A], %div3A_212 {strides = array<i32>} : memref<128xf32, #tpu.memory_space<vmem>>, vector<16xf32>,
        %scan3A_216 = arith.constant 0 : i32
        scf.yield %scan3A_216 : i32
      }
      %scan3A_142 = arith.constant 8 : i32
      %mul3A_143 = arith.constant 128 : i32
      %mul3A_144 = arith.muli %add3A_105, %mul3A_143 : i32
      %add3A_145 = arith.addi %mul3A_2, %mul3A_144 : i32
      %dma_start3A_146 = tpu.memref_slice %arg4[%add3A_145] : memref<160000xf32, #tpu.memory_space<hbm>> -> memref<128xf32, #tpu.memory_space<hbm>>
      %dma_start3A_147 = tpu.memref_slice %arg4[%add3A_145] : memref<160000xf32, #tpu.memory_space<hbm>> -> memref<128xf32, #tpu.memory_space<hbm>>
      tpu.enqueue_dma source(%arg13 : memref<128xf32, #tpu.memory_space<vmem>>) target(%dma_start3A_147 : memref<128xf32, #tpu.memory_space<hbm>>) target_semaphore(%arg19 : memref<!tpu.dma_semaphore, #tpu.memory_space<semaphore_mem>>)
      %while3A_148 = arith.constant 0 : i32
      scf.yield %while3A_148 : i32
    }
    %sub3A_43 = arith.constant 2 : i32
    %sub3A_44 = arith.subi %mul3A_8, %sub3A_43 : i32
    %mul3A_45 = arith.constant 128 : i32
    %mul3A_46 = arith.muli %sub3A_44, %mul3A_45 : i32
    %add3A_47 = arith.addi %mul3A_2, %mul3A_46 : i32
    %dma_wait3A = tpu.memref_slice %arg4[%add3A_47] : memref<160000xf32, #tpu.memory_space<hbm>> -> memref<128xf32, #tpu.memory_space<hbm>>
    %dma_wait3A_48 = tpu.memref_slice %arg4[%add3A_47] : memref<160000xf32, #tpu.memory_space<hbm>> -> memref<128xf32, #tpu.memory_space<hbm>>
    tpu.wait_dma2 semaphore(%arg18 : memref<!tpu.dma_semaphore, #tpu.memory_space<semaphore_mem>>) src(%arg12 : memref<128xf32, #tpu.memory_space<vmem>>) dst(%dma_wait3A_48 : memref<128xf32, #tpu.memory_space<hbm>>)
    %sub3A_49 = arith.constant 1 : i32
    %sub3A_50 = arith.subi %mul3A_8, %sub3A_49 : i32
    %mul3A_51 = arith.constant 128 : i32
    %mul3A_52 = arith.muli %sub3A_50, %mul3A_51 : i32
    %add3A_53 = arith.addi %mul3A_2, %mul3A_52 : i32
    %dma_wait3A_54 = tpu.memref_slice %arg4[%add3A_53] : memref<160000xf32, #tpu.memory_space<hbm>> -> memref<128xf32, #tpu.memory_space<hbm>>
    %dma_wait3A_55 = tpu.memref_slice %arg4[%add3A_53] : memref<160000xf32, #tpu.memory_space<hbm>> -> memref<128xf32, #tpu.memory_space<hbm>>
    tpu.wait_dma2 semaphore(%arg19 : memref<!tpu.dma_semaphore, #tpu.memory_space<semaphore_mem>>) src(%arg13 : memref<128xf32, #tpu.memory_space<vmem>>) dst(%dma_wait3A_55 : memref<128xf32, #tpu.memory_space<hbm>>)
    return
  }
}

module attributes {stable_mosaic.version = 14 : i64} {
  func.func @body(%arg0: memref<10000x256xf32, #tpu.memory_space<vmem>>, %arg1: memref<10240x64xi32, #tpu.memory_space<vmem>>) attributes {dimension_semantics = [], scalar_prefetch = 0 : i64, scratch_operands = 0 : i64, tpu.core_type = #tpu.core_type<tc>} {
    %get3A = arith.constant 0 : index
    %get3A_0 = arith.constant 0 : index
    %get3A_1 = vector.load %arg0[%get3A, %get3A_0] : memref<10000x256xf32, #tpu.memory_space<vmem>>, vector<10000x256xf32>
    %mul3A = arith.mulf %get3A_1, %get3A_1 : vector<10000x256xf32>
    %reduce_sum3A = arith.constant dense<0.000000e+00> : vector<10000xf32>
    %reduce_sum3A_2 = vector.multi_reduction <add>, %mul3A, %reduce_sum3A [1] : vector<10000x256xf32> to vector<10000xf32>
    %broadcast_in_dim3A = vector.shape_cast %reduce_sum3A_2 : vector<10000xf32> to vector<10000x1xf32>
    %rsqrt3A = math.rsqrt %broadcast_in_dim3A : vector<10000x1xf32>
    %mul3A_3 = vector.broadcast %rsqrt3A : vector<10000x1xf32> to vector<10000x256xf32>
    %mul3A_4 = arith.mulf %get3A_1, %mul3A_3 : vector<10000x256xf32>
    %convert_element_type3A = arith.truncf %mul3A_4 : vector<10000x256xf32> to vector<10000x256xf8E4M3FN>
    %bitcast_convert_type3A = tpu.bitcast %convert_element_type3A : vector<10000x256xf8E4M3FN> -> vector<10000x256xi8>
    %convert_element_type3A_5 = arith.extui %bitcast_convert_type3A : vector<10000x256xi8> to vector<10000x256xi32>
    %slice3A = vector.extract_strided_slice %convert_element_type3A_5 {offsets = [0, 0], sizes = [10000, 64], strides = [1, 1]} : vector<10000x256xi32> to vector<10000x64xi32>
    %slice3A_6 = vector.extract_strided_slice %convert_element_type3A_5 {offsets = [0, 64], sizes = [10000, 64], strides = [1, 1]} : vector<10000x256xi32> to vector<10000x64xi32>
    %shift_left3A = arith.constant 8 : i32
    %shift_left3A_7 = vector.broadcast %shift_left3A : i32 to vector<10000x64xi32>
    %shift_left3A_8 = arith.shli %slice3A_6, %shift_left3A_7 : vector<10000x64xi32>
    %or3A = arith.ori %slice3A, %shift_left3A_8 : vector<10000x64xi32>
    %slice3A_9 = vector.extract_strided_slice %convert_element_type3A_5 {offsets = [0, 128], sizes = [10000, 64], strides = [1, 1]} : vector<10000x256xi32> to vector<10000x64xi32>
    %shift_left3A_10 = arith.constant 16 : i32
    %shift_left3A_11 = vector.broadcast %shift_left3A_10 : i32 to vector<10000x64xi32>
    %shift_left3A_12 = arith.shli %slice3A_9, %shift_left3A_11 : vector<10000x64xi32>
    %or3A_13 = arith.ori %or3A, %shift_left3A_12 : vector<10000x64xi32>
    %slice3A_14 = vector.extract_strided_slice %convert_element_type3A_5 {offsets = [0, 192], sizes = [10000, 64], strides = [1, 1]} : vector<10000x256xi32> to vector<10000x64xi32>
    %shift_left3A_15 = arith.constant 24 : i32
    %shift_left3A_16 = vector.broadcast %shift_left3A_15 : i32 to vector<10000x64xi32>
    %shift_left3A_17 = arith.shli %slice3A_14, %shift_left3A_16 : vector<10000x64xi32>
    %or3A_18 = arith.ori %or3A_13, %shift_left3A_17 : vector<10000x64xi32>
    %swap3A = arith.constant 0 : index
    %swap3A_19 = arith.constant 0 : index
    %swap3A_20 = vector.load %arg1[%swap3A, %swap3A_19] : memref<10240x64xi32, #tpu.memory_space<vmem>>, vector<10000x64xi32>
    tpu.vector_store %arg1[%swap3A, %swap3A_19], %or3A_18 {strides = array<i32>} : memref<10240x64xi32, #tpu.memory_space<vmem>>, vector<10000x64xi32>,
    return
  }
}

</mosaic_0001>

<sc_bundles>
// kernel: kernel.4.cloned.1.call-start
scs
__scs_entry_jumppad:
0x0: {  	(pc) =	sbr.rel $0x88, $3  }
0x1: {  	(tag) =	ssettag $0x0;
	lr =	simm.s32 $0x1  }
0x2: {  	[smem:$0x3F9F] =	sst lr;
	_ =	strace $0xD0000000  }
0x3: {  	_ = 	snop  }
0x4: {  	_ = 	snop  }
0x5: {  	_ = 	snop  }
0x6: {  	_ = 	snop  }
0x7: {  	_ = 	snop  }
__scs_overlays_trampoline_lowered:
0x8: {  	[smem:$0x3FAE] =	sst s0  }
0x9: {  	[smem:$0x3FAF] =	sst s1  }
0xa: {  	[smem:$0x3FB0] =	sst s2  }
0xb: {  	[smem:$0x3FB1] =	sst s3  }
0xc: {  	[smem:$0x3FB2] =	sst s4  }
0xd: {  	[smem:$0x3FB3] =	sst s5  }
0xe: {  	[smem:$0x3FB4] =	sst s6  }
0xf: {  	[smem:$0x3FB5] =	sst s7  }
0x10: {  	[smem:$0x3FB6] =	sst s8  }
0x11: {  	[smem:$0x3FB7] =	sst s9;
	s0 =	simm.s32 @!p0 $0x0  }
0x12: {  	s1 =	sld [smem:$0x3F9D];
	s0 =	simm.s32 @p0 $0x1  }
0x13: {  	[smem:$0x3FB8] =	sst s0;
	s0 =	simm.s32 @!p1 $0x0  }
0x14: {  	s2 =	sld [smem:$0x3F9C];
	s0 =	simm.s32 @p1 $0x1  }
0x15: {  	[smem:$0x3FB9] =	sst s0;
	s0 =	simm.s32 @!p2 $0x0  }
0x16: {  	s3 =	sld [smem:$0x3FDB];
	s0 =	simm.s32 @p2 $0x1  }
0x17: {  	s4 =	simm.s32 $0x1BF5;
	[smem:$0x3FBB] =	sst s0  }
0x18: {  	s0 =	sld [smem:$0x3F9E];
	_ =	swait.ge [sflag:s4], $0x0  }
0x19: {  	s7 =	sld [smem:$0x3F9F]  }
0x1a: {  	s8 =	sadd.s32 $0xFFFFE003, lr  }
0x1b: {  	s9 =	sadd.s32 $0xFFFFFEF7, lr;
	s5 =	simm.s32 $0xFFFFFFFF;
	p2 =	slt.u32 s8, $0xFFFFF086  }
0x1c: {  	p1 =	slt.u32 s9, $0xF7A;
	s5 =	simm.s32 @!p2 $0x0  }
0x1d: {  	s5 =	simm.s32 @p1 $0x1;
	p0 =	seq.s32 s7, s2  }
0x1e: {  	s7 =	smul.u32 @!p0 $0xF7A, s2;
	p2 =	seq.s32 @!p0 s5, $0x0  }
0x1f: {  	s9 =	smul.u32 $0xF7A, s1;
	s8 =	simm.s32 @!p0 $0x1BF5;
	p2 =	por !p2, p0  }
0x20: {  	[sflag:s8] =	ssyncset.s32 @!p0 $0xFFFFF086;
	s6 =	sadd.s32 @!p0 s3, s7;
	s7 =	simm.s32 @!p0 $0x108  }
0x21: {  	s3 =	sadd.s32 s3, s9;
	s6 =	sadd.s32 @!p0 $0x88, s6;
	s7 =	simm.s32 @p2 $0x1082  }
0x22: {  	[simem:s7], [sflag:s8] =	dma.local @!p0 [hbm:s6], $0xF7A  }
0x23: {  	s9 =	sor.u32 $0xD0000000, s2;
	s6 =	simm.s32 $0x108;
	_ =	swait.ge @!p0 [sflag:s8], $0x0  }
0x24: {  	s3 =	sadd.s32 $0x88, s3;
	s6 =	simm.s32 @!p1 $0x1082;
	[sflag:s4] =	ssyncset.s32 $0xFFFFF086  }
0x25: {  	[simem:s6], [sflag:s4] =	dma.local [hbm:s3], $0xF7A  }
0x26: {  	[smem:$0x3F9F] =	sst s1;
	(tag) =	ssettag s2;
	_ =	strace s9  }
0x27: {  	s1 =	sld [smem:$0x3FAF]  }
0x28: {  	s2 =	sld [smem:$0x3FB0]  }
0x29: {  	s4 =	sld [smem:$0x3FB2]  }
0x2a: {  	p0 =	seq.s32 s5, $0x0;
	s5 =	sld [smem:$0x3FB3]  }
0x2b: {  	s6 =	sld [smem:$0x3FB4]  }
0x2c: {  	s7 =	sld [smem:$0x3FB5]  }
0x2d: {  	s3 =	simm.s32 $0x108;
	s8 =	sld [smem:$0x3FB6]  }
0x2e: {  	s3 =	simm.s32 @!p0 $0x1082;
	s9 =	sld [smem:$0x3FB7]  }
0x2f: {  	lr =	sadd.s32 s0, s3;
	s0 =	sld [smem:$0x3FAE]  }
0x30: {  	s3 =	sld [smem:$0x3FB1]  }
0x31: {  	[smem:$0x3FBA] =	sst s10  }
0x32: {  	s10 =	sld [smem:$0x3FB8];
	_ =	sdelay $0x3  }
0x33: {  	p0 =	seq.s32 s10, $0x1;
	s10 =	sld [smem:$0x3FBA];
	_ =	sdelay $0x3  }
0x34: {  	[smem:$0x3FBA] =	sst s10  }
0x35: {  	s10 =	sld [smem:$0x3FB9];
	_ =	sdelay $0x3  }
0x36: {  	p1 =	seq.s32 s10, $0x1;
	s10 =	sld [smem:$0x3FBA];
	_ =	sdelay $0x3  }
0x37: {  	[smem:$0x3FBA] =	sst s10  }
0x38: {  	s10 =	sld [smem:$0x3FBB]  }
0x39: {  	_ = 	snop;
	(pc) =	sbr.ind lr, $3  }
0x3a: {  	_ = 	snop  }
0x3b: {  	_ = 	snop  }
0x3c: {  	p2 =	seq.s32 s10, $0x1;
	s10 =	sld [smem:$0x3FBA]  }
0x3d: {  	_ =	shalt  }
0x3e: {  	_ =	shalt  }
0x3f: {  	_ =	shalt  }
0x40: {  	_ =	shalt  }
0x41: {  	_ =	shalt  }
0x42: {  	_ =	shalt  }
0x43: {  	_ =	shalt  }
0x44: {  	_ =	shalt  }
0x45: {  	_ =	shalt  }
0x46: {  	_ =	shalt  }
0x47: {  	_ =	shalt  }
0x48: {  	_ =	shalt  }
0x49: {  	_ =	shalt  }
0x4a: {  	_ =	shalt  }
0x4b: {  	_ =	shalt  }
0x4c: {  	_ =	shalt  }
0x4d: {  	_ =	shalt  }
0x4e: {  	_ =	shalt  }
0x4f: {  	_ =	shalt  }
0x50: {  	_ =	shalt  }
0x51: {  	_ =	shalt  }
0x52: {  	_ =	shalt  }
0x53: {  	_ =	shalt  }
0x54: {  	_ =	shalt  }
0x55: {  	_ =	shalt  }
0x56: {  	_ =	shalt  }
0x57: {  	_ =	shalt  }
0x58: {  	_ =	shalt  }
0x59: {  	_ =	shalt  }
0x5a: {  	_ =	shalt  }
0x5b: {  	_ =	shalt  }
0x5c: {  	_ =	shalt  }
0x5d: {  	_ =	shalt  }
0x5e: {  	_ =	shalt  }
0x5f: {  	_ =	shalt  }
0x60: {  	_ =	shalt  }
0x61: {  	_ =	shalt  }
0x62: {  	_ =	shalt  }
0x63: {  	_ =	shalt  }
0x64: {  	_ =	shalt  }
0x65: {  	_ =	shalt  }
0x66: {  	_ =	shalt  }
0x67: {  	_ =	shalt  }
0x68: {  	_ =	shalt  }
0x69: {  	_ =	shalt  }
0x6a: {  	_ =	shalt  }
0x6b: {  	_ =	shalt  }
0x6c: {  	_ =	shalt  }
0x6d: {  	_ =	shalt  }
0x6e: {  	_ =	shalt  }
0x6f: {  	_ =	shalt  }
0x70: {  	_ =	shalt  }
0x71: {  	_ =	shalt  }
0x72: {  	_ =	shalt  }
0x73: {  	_ =	shalt  }
0x74: {  	_ =	shalt  }
0x75: {  	_ =	shalt  }
0x76: {  	_ =	shalt  }
0x77: {  	_ =	shalt  }
0x78: {  	_ =	shalt  }
0x79: {  	_ =	shalt  }
0x7a: {  	_ =	shalt  }
0x7b: {  	_ =	shalt  }
0x7c: {  	_ =	shalt  }
0x7d: {  	_ =	shalt  }
0x7e: {  	_ =	shalt  }
0x7f: {  	_ =	shalt  }
0x80: {  	_ =	shalt  }
0x81: {  	_ =	shalt  }
0x82: {  	_ =	shalt  }
0x83: {  	_ =	shalt  }
0x84: {  	_ =	shalt  }
0x85: {  	_ =	shalt  }
0x86: {  	_ =	shalt  }
0x87: {  	_ =	shalt  }
.Lfunc_end0:
.L_simem_size_0:
called_computation_lowered:
.L_overlay_start_0:
0x88: {  	s2 =	sld [smem:$0x3FD9]  }
0x89: {  	s3 =	sld [smem:$0x3FFE];
	_ =	sdelay $0x1  }
0x8a: {  	s1 =	srdreg.scid  }
0x8b: {  	s0 =	sand.u32 $0x1, s1  }
0x8c: {  	s17 =	sshll.u32 s0, $0xA;
	s2 =	sadd.s32 s3, s2  }
0x8d: {  	s2 =	sadd.s32 s2, s17  }
0x8e: {  	[smem:$0x3FC6] =	sst s2  }
0x8f: {  	_ = 	snop  }
0x90: {  	s2 =	sld [smem:$0x3FD0];
	(tm) =	ssettm $0x1  }
0x91: {  	s18 =	sld [smem:$0x3FFB];
	_ =	sdelay $0x3  }
0x92: {  	_ =	strace s18  }
0x93: {  	s3 =	sld [smem:$0x3FFC];
	_ =	sdelay $0x3  }
0x94: {  	_ =	strace s3  }
0x95: {  	s3 =	sld [smem:$0x3FFD];
	_ =	sdelay $0x3  }
0x96: {  	_ =	strace s3  }
0x97: {  	_ =	strace $0x8FFFFFFF  }
0x98: {  	s19 =	sld [smem:$0x3FDB];
	_ =	sdelay $0x1  }
0x99: {  	s4 =	simm.s32 $_scs_section_size  }
0x9a: {  	s5 =	simm.s32 $_size__tile_overlayer_lowered;
	s6 =	simm.s32 $_tile_overlayer_lowered  }
0x9b: {  	s22 =	simm.s32 $0x1BFF;
	s21 =	sshll.u32 s6, $0x1;
	s3 =	sadd.s32 s4, s19  }
0x9c: {  	s7 =	simm.s32 $0x0;
	s20 =	sshll.u32 s5, $0x1;
	s5 =	sadd.s32 s21, s3  }
0x9d: {  	[timem:s7], [sflag:s22] =	dma.local [hbm:s5], s20  }
0x9e: {  	_ =	swait.ge [sflag:s22], s20  }
0x9f: {  	s4 =	ssub.s32 $0x0, s20;
	[sflag:s22] =	ssyncset.done $0x0  }
0xa0: {  	[sflag:s22] =	ssyncadd.s32 s4;
	_ =	sdelay $0x1  }
0xa1: {  	s23 =	simm.s32 $0x1B8B  }
0xa2: {  	_ =	swait.ge [sflag:s23], $0x1  }
0xa3: {  	[sflag:s23] =	ssyncset.done $0x0  }
0xa4: {  	s25 =	simm.s32 $0x1B8E;
	s24 =	sld [smem:$0x3FFE];
	[sflag:s23] =	ssyncadd.s32 $0xFFFFFFFF  }
0xa5: {  	s26 =	simm.s32 $execute0_lowered;
	[smem:$0x3FD2] =	sst s25  }
0xa6: {  	s5 =	sshll.u32 s26, $0x1;
	_ =	strace $0x80000046;
	[dreg:$0x1] =	wrdreg $0xFFFFFFFF  }
0xa7: {  	s28 =	simm.s32 $_size_execute0_lowered;
	s3 =	sadd.s32 s3, s5;
	[dreg:$0x0] =	wrdreg $0x0  }
0xa8: {  	s5 =	sshll.u32 s28, $0x1;
	[dreg:$0x2] =	wrdreg s3  }
0xa9: {  	[dreg:$0x3] =	wrdreg s5  }
0xaa: {  	[dreg:$0x4] =	wrdreg $0xC0  }
0xab: {  	_ =	task [dreg:s7], $0x5FFFF  }
0xac: {  	[dreg:$0x1] =	wrdreg $0xFFFFFFFF  }
0xad: {  	[dreg:$0x0] =	wrdreg $0x60  }
0xae: {  	[dreg:$0x2] =	wrdreg s24  }
0xaf: {  	[dreg:$0x3] =	wrdreg s2  }
0xb0: {  	[dreg:$0x4] =	wrdreg $0x0  }
0xb1: {  	[dreg:$0x5] =	wrdreg $0x9  }
0xb2: {  	_ =	task.clear_ibuf [dreg:s7], $0x6FFFF;
	_ =	strace $0x90000046  }
0xb3: {  	s29 =	simm.s32 $0x9;
	_ =	strace $0x80000048  }
0xb4: {  	_ =	swait.ge [sflag:s29], $0x1  }
0xb5: {  	[sflag:s29] =	ssyncadd.s32 $0xFFFFFFFF  }
0xb6: {  	_ =	strace $0x90000048  }
0xb7: {  	_ =	sfence  }
0xb8: {  	s30 =	sld [smem:$0x0];
	_ =	sdelay $0x2  }
0xb9: {  	s31 =	sshll.u32 s1, $0xD;
	s1 =	sshrl.u32 s1, $0x2  }
0xba: {  	s3 =	sand.u32 $0x4000, s31;
	s1 =	sadd.s32 s1, s30  }
0xbb: {  	s0 =	sor.u32 s3, s0;
	s1 =	sshll.u32 s1, $0x11  }
0xbc: {  	s0 =	sor.u32 s1, s0  }
0xbd: {  	s0 =	sadd.s32 $0x8F2B, s0  }
0xbe: {  	[sflag:s0] =	ssyncadd.remote.s32 $0x1  }
0xbf: {  	_ =	sfence.sel $0xFFFF  }
0xc0: {  	[dreg:$0x0] =	wrdreg $0xFFFFFFFF;
	(pc) =	sbr.abs _section_cstart, $3  }
0xc1: {  	[dreg:$0x1] =	wrdreg $0xFFFFFFFF  }
0xc2: {  	_ =	task.clear_ibuf [dreg:s7], $0x2FFFF;
	_ =	strace $0x9FFFFFFF  }
0xc3: {  	(tm) =	ssettm $0x7FFFFFFF  }
tec
execute0_lowered:
.L_overlay_start_1:
0x0: {  	(tag) =	ssettag $0x1  }
0x1: {  	s0 =	rddreg [dreg:$0x0]  }
0x2: {  	s1 =	srdreg.scid;
	s2 =	rddreg [dreg:$0x1]  }
0x3: {  	s13 =	stileid.u32;
	s3 =	rddreg [dreg:$0x2]  }
0x4: {  	s17 =	simm.s32 $0x80;
	s19 =	simm.s32 $0xC800;
	s28 =	simm.s32 $0x2  }
0x5: {  	s29 =	simm.s32 $0x4;
	s30 =	simm.s32 $0x7;
	s31 =	simm.s32 $0x14880  }
0x6: {  	s18 =	simm.s32 $0x0;
	s1 =	sand.u32 $0x1, s1;
	s4 =	sshll.u32 s13, $0x1  }
0x7: {  	s6 =	sadd.s32 $0x800, s0;
	s11 =	smul.u32 $0xA000, s13;
	s13 =	sshll.u32 s13, $0x6  }
0x8: {  	s24 =	sadd.s32 $0x19580, s0;
	s9 =	sor.u32 s1, s4;
	s4 =	simm.s32 $0x0  }
0x9: {  	s1 =	ssub.s32 $0x2, s1;
	s21 =	sor.u32 $0x1C07, s13;
	s7 =	smul.u32 $0xFFFFFFEC, s9  }
0xa: {  	[smem:$0x7FF] =	sst s4;
	s5 =	smul.u32 $0x1400, s9;
	s10 =	sshrl.u32 s1, $0x1  }
0xb: {  	s20 =	sadd.s32 s11, s3;
	s11 =	sshrl.u32 s11, $0x3;
	_ =	strace $0x80000047  }
0xc: {  	s1 =	ssub.s32 s1, s10;
	s11 =	sadd.s32 s6, s11;
	[dreg:$0x5] =	wrdreg s21  }
0xd: {  	[dreg:$0x8] =	wrdreg s24;
	s26 =	sshrl.u32 s20, $0x3;
	s21 =	simm.s32 $0x10800  }
0xe: {  	s24 =	simm.s32 $0xE800;
	p0 =	slt.s32 s7, $0xFFFFFDA3;
	[dreg:$0x4] =	wrdreg s11  }
0xf: {  	s8 =	sshrl.u32 s5, $0x3;
	s25 =	smax.u32 s1, $0x1;
	[dreg:$0xb] =	wrdreg s26  }
0x10: {  	s26 =	simm.s32 $0x14800;
	s1 =	simm.s32 $0x5;
	s7 =	simm.s32 @!p0 $0xFFFFFDA3  }
0x11: {  	v0 =	vlaneseq.u32;
	s12 =	sadd.s32 s8, s0;
	s0 =	sadd.s32 $0x1E3A0, s0;
	[dreg:$0xa] =	wrdreg s25  }
0x12: {  	v1 =	vmul.u32 $0x40, v0;
	p0 =	seq.s32 s9, $0x1F;
	s22 =	sadd.s32 $0x14800, s12;
	[dreg:$0x9] =	wrdreg s0  }
0x13: {  	s7 =	sadd.s32 $0x271, s7;
	s23 =	sadd.s32 $0x19620, s12;
	[dreg:$0x6] =	wrdreg s22  }
0x14: {  	[tilespmem:$0x1FFE0] =	vst v1;
	v1 =	vand.u32 $0x7, v0;
	s25 =	simm.s32 $0x12800;
	s8 =	sshll.u32 s7, $0x1;
	[dreg:$0x7] =	wrdreg s23  }
0x15: {  	[tilespmem:$0x1FFF0] =	vst v1;
	s22 =	simm.s32 $0x1;
	s23 =	simm.s32 $0x3;
	p1 =	sgt.u32 s7, $0x4  }
.LBB2_1:
0x16: {  	s0 =	rddreg [dreg:$0x4]  }
0x17: {  	s9 =	rddreg [dreg:$0x5]  }
0x18: {  	s10 =	rddreg [dreg:$0xb]  }
0x19: {  	[spmem:s10], [sflag:s9] =	dma.local [hbm:s0], $0x1400  }
0x1a: {  	s9 =	simm.s32 @p0 $0x0;
	s10 =	simm.s32 @p0 $0xA000;
	s0 =	rddreg [dreg:$0x8]  }
0x1b: {  	[tilespmem:s10], [sflag:$0x8] =	stream.linear.gather @p0 [hbm4b:s0+s9], $0x500, $0x38;
	[tilespmem:$0x14900] =	vst v63  }
0x1c: {  	s10 =	simm.s32 @p0 $0x8  }
0x1d: {  	_ =	swait.ge @p0 [sflag:s10], $0x500  }
0x1e: {  	[sflag:s10] =	ssyncset.done @p0 $0x0  }
0x1f: {  	s11 =	simm.s32 @p0 $0xB400;
	s0 =	rddreg [dreg:$0x9];
	[sflag:s10] =	ssyncadd.s32 @p0 $0xFFFFFB00  }
0x20: {  	[tilespmem:s11], [sflag:$0x8] =	stream.linear.gather @p0 [hbm4b:s0+s9], $0x500, $0x38;
	[tilespmem:$0x14900] =	vst v63  }
0x21: {  	_ =	swait.ge @p0 [sflag:s10], $0x500  }
0x22: {  	s9 =	simm.s32 @!p0 $0x0;
	[sflag:s10] =	ssyncset.done @p0 $0x0  }
0x23: {  	s0 =	rddreg [dreg:$0x6];
	[sflag:s10] =	ssyncadd.s32 @p0 $0xFFFFFB00;
	s10 =	simm.s32 @!p0 $0xA000  }
0x24: {  	[tilespmem:s10], [sflag:$0x8] =	stream.linear.gather @!p0 [hbm4b:s0+s9], $0x1400, $0x38;
	[tilespmem:$0x14900] =	vst v63  }
0x25: {  	s10 =	simm.s32 @!p0 $0x8  }
0x26: {  	_ =	swait.ge @!p0 [sflag:s10], $0x1400  }
0x27: {  	[sflag:s10] =	ssyncset.done @!p0 $0x0  }
0x28: {  	s11 =	simm.s32 @!p0 $0xB400;
	s0 =	rddreg [dreg:$0x7];
	[sflag:s10] =	ssyncadd.s32 @!p0 $0xFFFFEC00  }
0x29: {  	[tilespmem:s11], [sflag:$0x8] =	stream.linear.gather @!p0 [hbm4b:s0+s9], $0x1400, $0x38;
	[tilespmem:$0x14900] =	vst v63  }
0x2a: {  	_ =	swait.ge @!p0 [sflag:s10], $0x1400  }
0x2b: {  	[sflag:s10] =	ssyncset.done @!p0 $0x0  }
0x2c: {  	s16 =	simm.s32 $0xA000;
	[sflag:s10] =	ssyncadd.s32 @!p0 $0xFFFFEC00  }
0x2d: {  	[tilespmem:s19], [sflag:$0x1] =	stream.indirect.gather [hbm4b:s6+s17], $0x40, s16, s17, $0xb8;
	[tilespmem:$0x14900] =	vst v63  }
0x2e: {  	s20 =	simm.s32 $0xB400  }
0x2f: {  	[tilespmem:s21], [sflag:$0x3] =	stream.indirect.gather [hbm4b:s6+s17], $0x40, s20, s17, $0xb8;
	[tilespmem:$0x14900] =	vst v63  }
0x30: {  	s20 =	simm.s32 $0x0  }
.LBB2_2:
0x31: {  	s9 =	sshllo.u32 s20, $0x1  }
0x32: {  	_ =	swait.ge [sflag:s22], $0x2000;
	p3 =	sge.u32 s9, s8  }
.Ltmp0:
0x33: {  	[sflag:s22] =	ssyncset.done $0x0;
	(pc) =	sbr.rel @p3 .LBB2_5-.Ltmp0, $4  }
0x34: {  	[sflag:s22] =	ssyncadd.s32 $0xFFFFE000  }
0x35: {  	_ =	swait.ge [sflag:s23], $0x2000  }
0x36: {  	[sflag:s23] =	ssyncset.done $0x0  }
0x37: {  	p2 =	sgt.u32 s20, $0x3;
	s9 =	sshll.u32 s9, $0x7;
	[sflag:s23] =	ssyncadd.s32 $0xFFFFE000  }
.Ltmp1:
0x38: {  	(pc) =	sbr.rel @p2 .LBB2_24-.Ltmp1, $2  }
0x39: {  	_ =	sdelay $0x2  }
0x3a: {  	s11 =	sadd.s32 $0xA000, s9;
	s10 =	sadd.s32 $0xB400, s9  }
0x3b: {  	[tilespmem:s24], [sflag:$0x2] =	stream.indirect.gather [hbm4b:s6+s17], $0x40, s11, s17, $0xb8;
	[tilespmem:$0x14900] =	vst v63  }
0x3c: {  	_ = 	snop  }
0x3d: {  	[tilespmem:s25], [sflag:$0x4] =	stream.indirect.gather [hbm4b:s6+s17], $0x40, s10, s17, $0xb8;
	[tilespmem:$0x14900] =	vst v63  }
.LBB2_5:
0x3e: {  	p3 =	seq.s32 s20, $0x0  }
.Ltmp2:
0x3f: {  	_ = 	snop;
	(pc) =	sbr.rel @!p3 .LBB2_6-.Ltmp2, $4  }
.Ltmp3:
0x40: {  	_ = 	snop;
	(pc) =	sbr.rel @p3 .LBB2_7-.Ltmp3, $4  }
0x41: {  	_ = 	snop  }
0x42: {  	_ = 	snop  }
0x43: {  	_ = 	snop  }
0x44: {  	_ = 	snop  }
.LBB2_24:
0x45: {  	[tilespmem:s24], [sflag:$0x2] =	stream.indirect.gather [spmem:s3], $0x40, s11, s17, $0xb8;
	[tilespmem:$0x14900] =	vst v63  }
0x46: {  	_ = 	snop  }
0x47: {  	[tilespmem:s25], [sflag:$0x4] =	stream.indirect.gather [spmem:s3], $0x40, s10, s17, $0xb8;
	[tilespmem:$0x14900] =	vst v63  }
.LBB2_6:
0x48: {  	_ =	swait.ge [sflag:s1], $0x80  }
0x49: {  	[sflag:s1] =	ssyncset.done $0x0  }
0x4a: {  	[sflag:s1] =	ssyncadd.s32 $0xFFFFFF80  }
.LBB2_7:
0x4b: {  	s10 =	sshll.u32 s20, $0x1;
	s11 =	simm.s32 $0x0  }
.LBB2_8:
0x4c: {  	v1 =	vld [tilespmem:$0x1FFE0];
	_ =	sdelay $0x1  }
0x4d: {  	s12 =	sshll.u32 s11, $0x4  }
0x4e: {  	s14 =	simm.s32 $0x7;
	s16 =	simm.s32 $0x5;
	v3 =	vmov s12  }
0x4f: {  	v6 =	vadd.s32 s14, v0;
	v11 =	vadd.s32 s16, v0;
	s16 =	simm.s32 $0x3;
	v3 =	vshll.u32 v3, $0x6  }
0x50: {  	v6 =	vand.u32 $0x3F, v6;
	v21 =	vadd.s32 s16, v0;
	v3 =	vor.u32 v1, v3  }
0x51: {  	v21 =	vand.u32 $0x3F, v21;
	v8 =	vor.u32 v3, v6  }
0x52: {  	s0 =	simm.s32 $0xE;
	v21 =	vor.u32 v3, v21  }
0x53: {  	s13 =	simm.s32 $0x0;
	v7 =	vadd.s32 s0, v0;
	s14 =	simm.s32 $0x6;
	v4 =	vor.u32 v0, v3  }
0x54: {  	s15 =	simm.s32 $0xD;
	v6 =	vand.u32 $0x3F, v7;
	v7 =	vadd.s32 s14, v0;
	v5 =	vor.u32 s13, v4  }
0x55: {  	v9 =	vor.u32 v3, v6;
	v6 =	vand.u32 $0x3F, v7;
	v7 =	vadd.s32 s15, v0  }
0x56: {  	v10 =	vand.u32 $0x3F, v7;
	v7 =	vld.idx.msk [tilespmem:v8+s21+$0x0], $0xffff  }
0x57: {  	s16 =	simm.s32 $0x8;
	v32 =	vld.idx.msk [tilespmem:v21+s19+$0x0], $0xffff  }
0x58: {  	v25 =	vadd.s32 s16, v0;
	v21 =	vld.idx.msk [tilespmem:v21+s21+$0x0], $0xffff  }
0x59: {  	s0 =	simm.s32 $0xC;
	v25 =	vand.u32 $0x38, v25;
	v13 =	vor.u32 v3, v10;
	v16 =	vld.idx.msk [tilespmem:v5+s19+$0x0], $0xffff  }
0x5a: {  	s14 =	simm.s32 $0x4;
	v10 =	vand.u32 $0x3F, v11;
	v11 =	vadd.s32 s0, v0;
	s0 =	simm.s32 $0xA;
	v17 =	vld.idx.msk [tilespmem:v5+s21+$0x0], $0xffff;
	v5 =	vor.u32 v3, v6  }
0x5b: {  	v14 =	vadd.s32 s14, v0;
	v15 =	vor.u32 v3, v10;
	v22 =	vadd.s32 s0, v0;
	s0 =	simm.s32 $0x1;
	v6 =	vld.idx.msk [tilespmem:v8+s19+$0x0], $0xffff  }
0x5c: {  	v12 =	vand.u32 $0x3F, v11;
	v26 =	vadd.s32 s0, v0;
	v22 =	vand.u32 $0x3F, v22;
	v8 =	vld.idx.msk [tilespmem:v9+s19+$0x0], $0xffff  }
0x5d: {  	v18 =	vor.u32 v3, v12;
	v9 =	vld.idx.msk [tilespmem:v9+s21+$0x0], $0xffff;
	v26 =	vand.u32 $0x3F, v26;
	v22 =	vor.u32 v3, v22  }
0x5e: {  	v1 =	vld [tilespmem:$0x1FFF0];
	v26 =	vor.u32 v3, v26;
	v63 =	vunpack.i.l.e4m3.bf16 v7;
	v49 =	vunpack.i.l.e4m3.bf16 v32  }
0x5f: {  	s15 =	simm.s32 $0xB;
	v53 =	vunpack.i.l.e4m3.bf16 v21;
	v21 =	vunpack.i.u.e4m3.bf16 v21;
	v7 =	vunpack.i.u.e4m3.bf16 v7;
	v10 =	vld.idx.msk [tilespmem:v5+s19+$0x0], $0xffff  }
0x60: {  	v11 =	vld.idx.msk [tilespmem:v5+s21+$0x0], $0xffff;
	v5 =	vand.u32 $0x3F, v14;
	v14 =	vadd.s32 s15, v0;
	v30 =	vunpack.i.u.e4m3.bf16 v16  }
0x61: {  	v16 =	vunpack.i.l.e4m3.bf16 v16;
	v31 =	vunpack.i.u.e4m3.bf16 v17;
	v17 =	vunpack.i.l.e4m3.bf16 v17  }
0x62: {  	v12 =	vld.idx.msk [tilespmem:v13+s19+$0x0], $0xffff;
	v62 =	vunpack.i.l.e4m3.bf16 v6;
	v33 =	vunpack.i.l.e4m3.bf16 v8;
	v36 =	vunpack.i.l.e4m3.bf16 v9  }
0x63: {  	v13 =	vld.idx.msk [tilespmem:v13+s21+$0x0], $0xffff;
	v8 =	vunpack.i.u.e4m3.bf16 v8;
	v9 =	vunpack.i.u.e4m3.bf16 v9;
	v6 =	vunpack.i.u.e4m3.bf16 v6  }
0x64: {  	v24 =	vld.idx.msk [tilespmem:v18+s19+$0x0], $0xffff;
	s15 =	simm.s32 $0x2;
	v19 =	vor.u32 v3, v5;
	v20 =	vand.u32 $0x3F, v14;
	v5 =	vor.u32 v1, v3  }
0x65: {  	v18 =	vld.idx.msk [tilespmem:v18+s21+$0x0], $0xffff;
	v23 =	vadd.s32 s15, v0;
	v16 =	vmul.bf16 v17, v16;
	v17 =	vmul.bf16 v31, v30  }
0x66: {  	v35 =	vld.idx.msk [tilespmem:v22+s19+$0x0], $0xffff;
	s15 =	simm.s32 $0x9;
	v30 =	vmul.bf16 v63, v62;
	v33 =	vmul.bf16 v36, v33;
	v20 =	vor.u32 v3, v20  }
0x67: {  	v22 =	vld.idx.msk [tilespmem:v22+s21+$0x0], $0xffff;
	v27 =	vadd.s32 s15, v0;
	v23 =	vand.u32 $0x3F, v23;
	v25 =	vor.u32 v25, v5  }
0x68: {  	v14 =	vld.idx.msk [tilespmem:v15+s19+$0x0], $0xffff;
	v38 =	vunpack.i.l.e4m3.bf16 v12;
	v39 =	vunpack.i.l.e4m3.bf16 v13;
	v12 =	vunpack.i.u.e4m3.bf16 v12  }
0x69: {  	v15 =	vld.idx.msk [tilespmem:v15+s21+$0x0], $0xffff;
	v13 =	vunpack.i.u.e4m3.bf16 v13;
	v27 =	vand.u32 $0x3F, v27;
	v23 =	vor.u32 v3, v23  }
0x6a: {  	v54 =	vld.idx.msk [tilespmem:v26+s19+$0x0], $0xffff;
	v38 =	vmul.bf16 v39, v38;
	v27 =	vor.u32 v3, v27;
	v43 =	vunpack.i.l.e4m3.bf16 v24  }
0x6b: {  	v26 =	vld.idx.msk [tilespmem:v26+s21+$0x0], $0xffff;
	v44 =	vunpack.i.l.e4m3.bf16 v18;
	v24 =	vunpack.i.u.e4m3.bf16 v24;
	v18 =	vunpack.i.u.e4m3.bf16 v18  }
0x6c: {  	v34 =	vunpack.i.l.e4m3.bf16 v10;
	v37 =	vunpack.i.l.e4m3.bf16 v11;
	v55 =	vunpack.i.l.e4m3.bf16 v35;
	v28 =	vld.idx.msk [tilespmem:v19+s19+$0x0], $0xffff  }
0x6d: {  	v57 =	vunpack.i.l.e4m3.bf16 v22;
	v43 =	vmul.bf16 v44, v43;
	v22 =	vunpack.i.u.e4m3.bf16 v22;
	v19 =	vld.idx.msk [tilespmem:v19+s21+$0x0], $0xffff  }
0x6e: {  	v18 =	vmul.bf16 v18, v24;
	v10 =	vunpack.i.u.e4m3.bf16 v10;
	v41 =	vunpack.i.l.e4m3.bf16 v14;
	v29 =	vld.idx.msk [tilespmem:v20+s19+$0x0], $0xffff  }
0x6f: {  	v42 =	vunpack.i.l.e4m3.bf16 v15;
	v34 =	vmul.bf16 v37, v34;
	v37 =	vmul.bf16 v53, v49;
	v20 =	vld.idx.msk [tilespmem:v20+s21+$0x0], $0xffff  }
0x70: {  	v63 =	vunpack.i.l.e4m3.bf16 v26;
	v36 =	vunpack.i.u.e4m3.bf16 v54;
	v26 =	vunpack.i.u.e4m3.bf16 v26;
	v46 =	vld.idx.msk [tilespmem:v25+s19+$0x0], $0xffff  }
0x71: {  	v62 =	vunpack.i.l.e4m3.bf16 v54;
	v54 =	vunpack.i.u.e4m3.bf16 v35;
	v25 =	vld.idx.msk [tilespmem:v25+s21+$0x0], $0xffff;
	v26 =	vmul.bf16 v26, v36  }
0x72: {  	v14 =	vunpack.i.u.e4m3.bf16 v14;
	v15 =	vunpack.i.u.e4m3.bf16 v15;
	v41 =	vmul.bf16 v42, v41;
	v40 =	vld.idx.msk [tilespmem:v23+s19+$0x0], $0xffff  }
0x73: {  	v42 =	vmul.bf16 v57, v55;
	v22 =	vmul.bf16 v22, v54;
	v56 =	vld.idx.msk [tilespmem:v27+s19+$0x0], $0xffff;
	v17 =	vadd.bf16 v26, v17  }
0x74: {  	v27 =	vld.idx.msk [tilespmem:v27+s21+$0x0], $0xffff;
	v45 =	vunpack.i.l.e4m3.bf16 v28;
	v47 =	vunpack.i.l.e4m3.bf16 v19;
	v19 =	vunpack.i.u.e4m3.bf16 v19  }
0x75: {  	v23 =	vld.idx.msk [tilespmem:v23+s21+$0x0], $0xffff;
	v48 =	vunpack.i.l.e4m3.bf16 v29;
	v52 =	vunpack.i.l.e4m3.bf16 v20;
	v39 =	vmul.bf16 v47, v45  }
0x76: {  	v60 =	vunpack.i.u.e4m3.bf16 v46;
	v46 =	vunpack.i.l.e4m3.bf16 v46;
	v61 =	vunpack.i.u.e4m3.bf16 v25  }
0x77: {  	v25 =	vunpack.i.l.e4m3.bf16 v25;
	v20 =	vunpack.i.u.e4m3.bf16 v20;
	v31 =	vmul.bf16 v52, v48  }
0x78: {  	v58 =	vunpack.i.l.e4m3.bf16 v40;
	v25 =	vmul.bf16 v25, v46;
	v48 =	vmul.bf16 v61, v60  }
0x79: {  	v45 =	vunpack.i.l.e4m3.bf16 v56;
	v52 =	vunpack.i.u.e4m3.bf16 v27;
	v27 =	vunpack.i.l.e4m3.bf16 v27  }
0x7a: {  	v59 =	vunpack.i.l.e4m3.bf16 v23;
	v46 =	vmul.bf16 v63, v62;
	v27 =	vmul.bf16 v27, v45  }
0x7b: {  	v53 =	vunpack.i.u.e4m3.bf16 v40;
	v23 =	vunpack.i.u.e4m3.bf16 v23;
	v44 =	vmul.bf16 v59, v58  }
0x7c: {  	s16 =	simm.s32 $0xF;
	v51 =	vunpack.i.u.e4m3.bf16 v56;
	v23 =	vmul.bf16 v23, v53;
	v25 =	vadd.bf16 v27, v25  }
0x7d: {  	v56 =	vunpack.i.u.e4m3.bf16 v32;
	v59 =	vadd.s32 s16, v0;
	v36 =	vmul.bf16 v52, v51  }
0x7e: {  	v16 =	vadd.bf16 v46, v16;
	v57 =	vadd.bf16 v42, v25;
	v25 =	vand.u32 $0x3F, v59  }
0x7f: {  	v21 =	vmul.bf16 v21, v56;
	v17 =	vadd.bf16 v23, v17;
	v61 =	vor.u32 v3, v25  }
0x80: {  	v60 =	vunpack.i.u.e4m3.bf16 v28;
	v55 =	vadd.bf16 v36, v48;
	v16 =	vadd.bf16 v44, v16  }
0x81: {  	v58 =	vunpack.i.u.e4m3.bf16 v29;
	v19 =	vmul.bf16 v19, v60;
	v17 =	vadd.bf16 v21, v17  }
0x82: {  	v20 =	vmul.bf16 v20, v58;
	v22 =	vadd.bf16 v22, v55;
	v16 =	vadd.bf16 v37, v16  }
0x83: {  	v14 =	vmul.bf16 v15, v14;
	v17 =	vadd.bf16 v19, v17;
	v23 =	vadd.bf16 v31, v57  }
0x84: {  	v11 =	vunpack.i.u.e4m3.bf16 v11;
	v20 =	vadd.bf16 v20, v22;
	v16 =	vadd.bf16 v39, v16;
	v62 =	vld.idx.msk [tilespmem:v61+s19+$0x0], $0xffff  }
0x85: {  	v10 =	vmul.bf16 v11, v10;
	v14 =	vadd.bf16 v14, v17;
	v15 =	vadd.bf16 v43, v23;
	v63 =	vld.idx.msk [tilespmem:v61+s21+$0x0], $0xffff  }
0x86: {  	v12 =	vmul.bf16 v13, v12;
	v18 =	vadd.bf16 v18, v20;
	v13 =	vadd.bf16 v41, v16  }
0x87: {  	v6 =	vmul.bf16 v7, v6;
	v14 =	vadd.bf16 v10, v14;
	v11 =	vadd.bf16 v38, v15  }
0x88: {  	v8 =	vmul.bf16 v9, v8;
	v12 =	vadd.bf16 v12, v18;
	v9 =	vadd.bf16 v34, v13  }
0x89: {  	v14 =	vadd.bf16 v6, v14;
	v6 =	vimm.f32 $0.0e+00;
	v13 =	vadd.bf16 v33, v11  }
0x8a: {  	v12 =	vadd.bf16 v8, v12;
	v7 =	vunpack.i.l.e4m3.bf16 v62;
	v10 =	vunpack.i.l.e4m3.bf16 v63  }
0x8b: {  	v8 =	vunpack.i.u.e4m3.bf16 v63;
	v11 =	vmul.bf16 v10, v7;
	v7 =	vunpack.i.u.e4m3.bf16 v62  }
0x8c: {  	s13 =	simm.s32 $0x0;
	s14 =	simm.s32 $0x1F;
	v10 =	vadd.bf16 v30, v9;
	v8 =	vmul.bf16 v8, v7;
	v7 =	vimm.f32 $0.0e+00  }
.LBB2_9:
0x8d: {  	v9 =	vadd.s32 s14, v0;
	v11 =	vadd.bf16 v11, v13  }
0x8e: {  	s15 =	sadd.s32 $0xFFFFFFF1, s14;
	s16 =	sadd.s32 $0xFFFFFFF8, s14;
	s0 =	sadd.s32 $0xFFFFFFFF, s14;
	v9 =	vand.u32 $0x3F, v9;
	v10 =	vadd.bf16 v10, v14;
	v8 =	vadd.bf16 v8, v12  }
0x8f: {  	v12 =	vor.u32 s15, v4;
	v13 =	vadd.s32 s16, v0;
	v14 =	vadd.s32 s0, v0  }
0x90: {  	v15 =	vunpack.i.u.bf16.f32 v10;
	v10 =	vunpack.i.l.bf16.f32 v10;
	v8 =	vadd.bf16 v11, v8  }
0x91: {  	v9 =	vor.u32 v3, v9;
	v6 =	vadd.f32 v10, v6;
	v7 =	vadd.f32 v15, v7  }
0x92: {  	v10 =	vand.u32 $0x3F, v13;
	v11 =	vunpack.i.u.bf16.f32 v8;
	v8 =	vunpack.i.l.bf16.f32 v8  }
0x93: {  	v10 =	vor.u32 v3, v10;
	v6 =	vadd.f32 v8, v6;
	v7 =	vadd.f32 v11, v7  }
0x94: {  	s0 =	sadd.s32 $0xFFFFFFF7, s14;
	v11 =	vand.u32 $0x3F, v14;
	v8 =	vld.idx.msk [tilespmem:v12+s19+$0x0], $0xffff  }
0x95: {  	v13 =	vadd.s32 s0, v0;
	v11 =	vor.u32 v3, v11;
	v12 =	vld.idx.msk [tilespmem:v12+s21+$0x0], $0xffff  }
0x96: {  	s0 =	sadd.s32 $0xFFFFFFFE, s14;
	v13 =	vand.u32 $0x3F, v13;
	v14 =	vld.idx.msk [tilespmem:v9+s19+$0x0], $0xffff  }
0x97: {  	v15 =	vadd.s32 s0, v0;
	v13 =	vor.u32 v3, v13;
	v16 =	vld.idx.msk [tilespmem:v9+s21+$0x0], $0xffff  }
0x98: {  	s15 =	sadd.s32 $0xFFFFFFFD, s14;
	s0 =	sadd.s32 $0xFFFFFFF6, s14;
	v9 =	vand.u32 $0x3F, v15;
	v17 =	vld.idx.msk [tilespmem:v10+s19+$0x0], $0xffff  }
0x99: {  	s16 =	sadd.s32 $0xFFFFFFF5, s14;
	v15 =	vadd.s32 s0, v0;
	s0 =	sadd.s32 $0xFFFFFFFC, s14;
	v9 =	vor.u32 v3, v9;
	v18 =	vld.idx.msk [tilespmem:v10+s21+$0x0], $0xffff;
	v10 =	vadd.s32 s15, v0  }
0x9a: {  	v19 =	vadd.s32 s16, v0;
	s16 =	sadd.s32 $0xFFFFFFFB, s14;
	v15 =	vand.u32 $0x3F, v15;
	v20 =	vadd.s32 s0, v0;
	s15 =	sadd.s32 $0xFFFFFFF4, s14;
	v21 =	vld.idx.msk [tilespmem:v11+s19+$0x0], $0xffff  }
0x9b: {  	v23 =	vadd.s32 s16, v0;
	s0 =	sadd.s32 $0xFFFFFFF3, s14;
	v15 =	vor.u32 v3, v15;
	v22 =	vadd.s32 s15, v0;
	s15 =	sadd.s32 $0xFFFFFFF9, s14;
	v24 =	vld.idx.msk [tilespmem:v11+s21+$0x0], $0xffff  }
0x9c: {  	s16 =	sadd.s32 $0xFFFFFFF2, s14;
	v10 =	vand.u32 $0x3F, v10;
	v11 =	vadd.s32 s0, v0;
	v26 =	vadd.s32 s15, v0;
	s0 =	sadd.s32 $0xFFFFFFFA, s14;
	v25 =	vld.idx.msk [tilespmem:v13+s19+$0x0], $0xffff  }
0x9d: {  	v27 =	vadd.s32 s16, v0;
	v10 =	vor.u32 v3, v10;
	v28 =	vld.idx.msk [tilespmem:v13+s21+$0x0], $0xffff;
	v13 =	vadd.s32 s0, v0  }
0x9e: {  	v19 =	vand.u32 $0x3F, v19;
	v20 =	vand.u32 $0x3F, v20;
	v22 =	vand.u32 $0x3F, v22;
	v29 =	vld.idx.msk [tilespmem:v9+s19+$0x0], $0xffff  }
0x9f: {  	v19 =	vor.u32 v3, v19;
	v23 =	vand.u32 $0x3F, v23;
	v11 =	vand.u32 $0x3F, v11;
	v30 =	vld.idx.msk [tilespmem:v9+s21+$0x0], $0xffff  }
0xa0: {  	v26 =	vand.u32 $0x38, v26;
	v13 =	vand.u32 $0x3F, v13;
	v9 =	vand.u32 $0x3F, v27;
	v27 =	vld.idx.msk [tilespmem:v15+s19+$0x0], $0xffff  }
0xa1: {  	v23 =	vor.u32 v3, v23;
	v22 =	vor.u32 v3, v22;
	v31 =	vld.idx.msk [tilespmem:v15+s21+$0x0], $0xffff;
	v15 =	vor.u32 v3, v20  }
0xa2: {  	v26 =	vor.u32 v26, v5;
	v32 =	vor.u32 v3, v13;
	v20 =	vor.u32 v3, v11;
	v33 =	vld.idx.msk [tilespmem:v10+s19+$0x0], $0xffff  }
0xa3: {  	v34 =	vunpack.i.l.e4m3.bf16 v8;
	v13 =	vunpack.i.u.e4m3.bf16 v8;
	v35 =	vor.u32 v3, v9;
	v36 =	vld.idx.msk [tilespmem:v10+s21+$0x0], $0xffff  }
0xa4: {  	v37 =	vunpack.i.u.e4m3.bf16 v12;
	v12 =	vunpack.i.l.e4m3.bf16 v12;
	v8 =	vunpack.i.u.e4m3.bf16 v14;
	v38 =	vld.idx.msk [tilespmem:v19+s19+$0x0], $0xffff  }
0xa5: {  	v9 =	vunpack.i.u.e4m3.bf16 v16;
	v11 =	vunpack.i.l.e4m3.bf16 v16;
	v10 =	vunpack.i.l.e4m3.bf16 v14;
	v19 =	vld.idx.msk [tilespmem:v19+s21+$0x0], $0xffff  }
0xa6: {  	v34 =	vmul.bf16 v12, v34;
	v12 =	vunpack.i.u.e4m3.bf16 v17;
	v37 =	vmul.bf16 v37, v13;
	v39 =	vld.idx.msk [tilespmem:v15+s19+$0x0], $0xffff  }
0xa7: {  	v40 =	vunpack.i.l.e4m3.bf16 v17;
	v13 =	vunpack.i.u.e4m3.bf16 v18;
	v18 =	vunpack.i.l.e4m3.bf16 v18;
	v41 =	vld.idx.msk [tilespmem:v15+s21+$0x0], $0xffff  }
0xa8: {  	v14 =	vunpack.i.u.e4m3.bf16 v21;
	v21 =	vunpack.i.l.e4m3.bf16 v21;
	v15 =	vunpack.i.u.e4m3.bf16 v24;
	v42 =	vld.idx.msk [tilespmem:v22+s19+$0x0], $0xffff  }
0xa9: {  	v16 =	vunpack.i.u.e4m3.bf16 v25;
	v25 =	vunpack.i.l.e4m3.bf16 v25;
	v24 =	vunpack.i.l.e4m3.bf16 v24;
	v22 =	vld.idx.msk [tilespmem:v22+s21+$0x0], $0xffff  }
0xaa: {  	v17 =	vunpack.i.u.e4m3.bf16 v28;
	v28 =	vunpack.i.l.e4m3.bf16 v28;
	v44 =	vunpack.i.u.e4m3.bf16 v29;
	v43 =	vld.idx.msk [tilespmem:v23+s19+$0x0], $0xffff  }
0xab: {  	v29 =	vunpack.i.l.e4m3.bf16 v29;
	v45 =	vunpack.i.u.e4m3.bf16 v30;
	v30 =	vunpack.i.l.e4m3.bf16 v30;
	v23 =	vld.idx.msk [tilespmem:v23+s21+$0x0], $0xffff  }
0xac: {  	v47 =	vunpack.i.u.e4m3.bf16 v27;
	v27 =	vunpack.i.l.e4m3.bf16 v27;
	v48 =	vunpack.i.u.e4m3.bf16 v31;
	v46 =	vld.idx.msk [tilespmem:v20+s19+$0x0], $0xffff  }
0xad: {  	v31 =	vunpack.i.l.e4m3.bf16 v31;
	v49 =	vunpack.i.u.e4m3.bf16 v33;
	v33 =	vunpack.i.l.e4m3.bf16 v33;
	v20 =	vld.idx.msk [tilespmem:v20+s21+$0x0], $0xffff  }
0xae: {  	s13 =	sadd.s32 $0x2, s13;
	v52 =	vunpack.i.u.e4m3.bf16 v36;
	v36 =	vunpack.i.l.e4m3.bf16 v36;
	v50 =	vunpack.i.u.e4m3.bf16 v38;
	v51 =	vld.idx.msk [tilespmem:v26+s19+$0x0], $0xffff  }
0xaf: {  	p3 =	slt.u32 s13, $0x6;
	v38 =	vunpack.i.l.e4m3.bf16 v38;
	v53 =	vunpack.i.u.e4m3.bf16 v19;
	v19 =	vunpack.i.l.e4m3.bf16 v19;
	v26 =	vld.idx.msk [tilespmem:v26+s21+$0x0], $0xffff  }
0xb0: {  	v55 =	vunpack.i.u.e4m3.bf16 v39;
	v39 =	vunpack.i.l.e4m3.bf16 v39;
	v56 =	vunpack.i.u.e4m3.bf16 v41;
	v54 =	vld.idx.msk [tilespmem:v32+s19+$0x0], $0xffff  }
0xb1: {  	v41 =	vunpack.i.l.e4m3.bf16 v41;
	v57 =	vunpack.i.u.e4m3.bf16 v42;
	v42 =	vunpack.i.l.e4m3.bf16 v42  }
0xb2: {  	v58 =	vunpack.i.u.e4m3.bf16 v22;
	v22 =	vunpack.i.l.e4m3.bf16 v22;
	v59 =	vunpack.i.u.e4m3.bf16 v43;
	v32 =	vld.idx.msk [tilespmem:v32+s21+$0x0], $0xffff  }
0xb3: {  	v43 =	vunpack.i.l.e4m3.bf16 v43;
	v61 =	vunpack.i.u.e4m3.bf16 v23;
	v23 =	vunpack.i.l.e4m3.bf16 v23;
	v60 =	vld.idx.msk [tilespmem:v35+s19+$0x0], $0xffff  }
0xb4: {  	v62 =	vunpack.i.u.e4m3.bf16 v46;
	v46 =	vunpack.i.l.e4m3.bf16 v46;
	v63 =	vunpack.i.l.e4m3.bf16 v20  }
0xb5: {  	v1 =	vunpack.i.u.e4m3.bf16 v51;
	v51 =	vunpack.i.l.e4m3.bf16 v51;
	v2 =	vunpack.i.u.e4m3.bf16 v26;
	v35 =	vld.idx.msk [tilespmem:v35+s21+$0x0], $0xffff  }
0xb6: {  	v18 =	vmul.bf16 v18, v40;
	v26 =	vunpack.i.l.e4m3.bf16 v26;
	v40 =	vunpack.i.u.e4m3.bf16 v54  }
0xb7: {  	v25 =	vmul.bf16 v28, v25;
	v21 =	vmul.bf16 v24, v21;
	v28 =	vunpack.i.l.e4m3.bf16 v54  }
0xb8: {  	v29 =	vmul.bf16 v30, v29;
	v24 =	vmul.bf16 v31, v27;
	v27 =	vunpack.i.u.e4m3.bf16 v32  }
0xb9: {  	v31 =	vmul.bf16 v36, v33;
	v19 =	vmul.bf16 v19, v38;
	v30 =	vunpack.i.u.e4m3.bf16 v60  }
0xba: {  	v36 =	vmul.bf16 v41, v39;
	v22 =	vmul.bf16 v22, v42;
	v33 =	vunpack.i.l.e4m3.bf16 v60  }
0xbb: {  	v23 =	vmul.bf16 v23, v43;
	v39 =	vmul.bf16 v63, v46;
	v38 =	vunpack.i.u.e4m3.bf16 v35  }
0xbc: {  	v26 =	vmul.bf16 v26, v51;
	v1 =	vmul.bf16 v2, v1;
	v35 =	vunpack.i.l.e4m3.bf16 v35  }
0xbd: {  	v32 =	vunpack.i.l.e4m3.bf16 v32;
	v2 =	vmul.bf16 v35, v33;
	v30 =	vmul.bf16 v38, v30  }
0xbe: {  	v20 =	vunpack.i.u.e4m3.bf16 v20;
	v28 =	vmul.bf16 v32, v28;
	v27 =	vmul.bf16 v27, v40  }
0xbf: {  	v20 =	vmul.bf16 v20, v62;
	v2 =	vadd.bf16 v2, v34;
	v30 =	vadd.bf16 v30, v37  }
0xc0: {  	v26 =	vadd.bf16 v28, v26;
	v1 =	vadd.bf16 v27, v1;
	v27 =	vmul.bf16 v61, v59  }
0xc1: {  	v28 =	vmul.bf16 v58, v57;
	v2 =	vadd.bf16 v39, v2;
	v20 =	vadd.bf16 v20, v30  }
0xc2: {  	v23 =	vadd.bf16 v23, v26;
	v1 =	vadd.bf16 v27, v1;
	v26 =	vmul.bf16 v56, v55  }
0xc3: {  	v2 =	vadd.bf16 v22, v2;
	v20 =	vadd.bf16 v28, v20;
	v22 =	vmul.bf16 v53, v50  }
0xc4: {  	v23 =	vadd.bf16 v36, v23;
	v1 =	vadd.bf16 v26, v1;
	v26 =	vmul.bf16 v52, v49  }
0xc5: {  	v2 =	vadd.bf16 v19, v2;
	v19 =	vadd.bf16 v22, v20;
	v20 =	vmul.bf16 v48, v47  }
0xc6: {  	v1 =	vadd.bf16 v26, v1;
	v22 =	vadd.bf16 v31, v23;
	v23 =	vmul.bf16 v45, v44  }
.Ltmp4:
0xc7: {  	v16 =	vmul.bf16 v17, v16;
	v2 =	vadd.bf16 v24, v2;
	v19 =	vadd.bf16 v20, v19;
	(pc) =	sbr.rel @p3 .LBB2_9-.Ltmp4, $4  }
0xc8: {  	v14 =	vmul.bf16 v15, v14;
	v17 =	vadd.bf16 v29, v22;
	v1 =	vadd.bf16 v23, v1  }
0xc9: {  	v2 =	vadd.bf16 v25, v2;
	v15 =	vadd.bf16 v16, v19;
	v16 =	vmul.bf16 v13, v12  }
0xca: {  	v11 =	vmul.bf16 v11, v10;
	v13 =	vadd.bf16 v21, v17;
	v12 =	vadd.bf16 v14, v1  }
0xcb: {  	s14 =	sadd.s32 $0x10, s14;
	v8 =	vmul.bf16 v9, v8;
	v10 =	vadd.bf16 v18, v2;
	v14 =	vadd.bf16 v16, v15  }
0xcc: {  	v1 =	vadd.bf16 v11, v13  }
0xcd: {  	v2 =	vadd.bf16 v10, v14;
	v3 =	vadd.bf16 v8, v12;
	_ =	sdelay $0x1  }
0xce: {  	v4 =	vunpack.i.u.bf16.f32 v2;
	v2 =	vunpack.i.l.bf16.f32 v2;
	v1 =	vadd.bf16 v1, v3  }
0xcf: {  	v2 =	vadd.f32 v2, v6;
	v3 =	vadd.f32 v4, v7  }
0xd0: {  	v62 =	vunpack.i.u.bf16.f32 v1;
	v1 =	vunpack.i.l.bf16.f32 v1  }
0xd1: {  	v1 =	vadd.f32 v1, v2;
	v2 =	vadd.f32 v62, v3;
	_ =	sdelay $0x1  }
0xd2: {  	v1 =	vadd.f32 v2, v1;
	_ =	sdelay $0x1  }
0xd3: {  	v1 =	vadd.f32 v1, v1;
	_ =	sdelay $0x1  }
0xd4: {  	v1 =	vsub.f32 $2.000000000e+00, v1;
	_ =	sdelay $0x1  }
0xd5: {  	v1 =	vmax.f32 v1, $0.0e+00  }
0xd6: {  	v2 =	vshra.s32 v1, $0x1;
	v3 =	vmul.f32 $5.000000000e-01, v1  }
0xd7: {  	v2 =	vsub.s32 $0x5F3759DF, v2  }
0xd8: {  	v63 =	vmul.f32 v2, v3;
	_ =	sdelay $0x1  }
0xd9: {  	v4 =	vmul.f32 v2, v63;
	_ =	sdelay $0x1  }
0xda: {  	v4 =	vsub.f32 $1.500000000e+00, v4;
	_ =	sdelay $0x1  }
0xdb: {  	v2 =	vmul.f32 v2, v4;
	_ =	sdelay $0x1  }
0xdc: {  	v4 =	vmul.f32 v2, v3;
	_ =	sdelay $0x1  }
0xdd: {  	v4 =	vmul.f32 v4, v2;
	_ =	sdelay $0x1  }
0xde: {  	v4 =	vsub.f32 $1.500000000e+00, v4;
	_ =	sdelay $0x1  }
0xdf: {  	v2 =	vmul.f32 v4, v2;
	_ =	sdelay $0x1  }
0xe0: {  	v3 =	vmul.f32 v2, v3;
	_ =	sdelay $0x1  }
0xe1: {  	v3 =	vmul.f32 v3, v2;
	_ =	sdelay $0x1  }
0xe2: {  	v3 =	vsub.f32 $1.500000000e+00, v3;
	_ =	sdelay $0x1  }
0xe3: {  	v2 =	vmul.f32 v3, v2;
	_ =	sdelay $0x1  }
0xe4: {  	v1 =	vmul.f32 v2, v1;
	_ =	sdelay $0x1  }
0xe5: {  	v1 =	vadd.f32 $-1.000000000e+00, v1;
	_ =	sdelay $0x1  }
0xe6: {  	v1 =	vmul.f32 $1.442695020e+00, v1;
	_ =	sdelay $0x1  }
0xe7: {  	(erf) = vpow2.f32 v1;
	_ =	sdelay $0x8  }
0xe8: {  	v1 =	vpop (erf)  }
0xe9: {  	v1 =	vadd.f32 $1.000000000e+00, v1;
	_ =	sdelay $0x1  }
0xea: {  	(erf) = vrcp.f32 v1;
	_ =	sdelay $0x3  }
0xeb: {  	s11 =	sadd.s32 $0x1, s11  }
0xec: {  	p3 =	sne.s32 s11, $0x8  }
.Ltmp5:
0xed: {  	_ = 	snop;
	(pc) =	sbr.rel @p3 .LBB2_8-.Ltmp5, $3  }
0xee: {  	_ =	sdelay $0x1  }
0xef: {  	v1 =	vpop (erf)  }
0xf0: {  	[tilespmem:s12+$0x14800] =	vst v1  }
0xf1: {  	s0 =	sshll.u32 s20, $0x8  }
0xf2: {  	s0 =	sadd.s32 s5, s0  }
0xf3: {  	s11 =	sadd.s32 $0x2, s10;
	s0 =	sshrl.u32 s0, $0x3  }
0xf4: {  	p3 =	seq.s32 @!p2 s11, $0x8;
	s0 =	sadd.s32 s2, s0  }
0xf5: {  	[hbm4b:s0+s4] =	stream.linear.scatter [tilespmem:s26], [sflag:$0x5], $0x80, $0x38;
	[tilespmem:$0x14900] =	vst v63  }
0xf6: {  	p2 =	por p2, !p3;
	_ =	swait.ge [sflag:s28], $0x2000  }
.Ltmp6:
0xf7: {  	[sflag:s28] =	ssyncset.done $0x0;
	(pc) =	sbr.rel @p2 .LBB2_12-.Ltmp6, $4  }
0xf8: {  	[sflag:s28] =	ssyncadd.s32 $0xFFFFE000  }
0xf9: {  	_ =	swait.ge [sflag:s29], $0x2000  }
0xfa: {  	[sflag:s29] =	ssyncset.done $0x0  }
0xfb: {  	[sflag:s29] =	ssyncadd.s32 $0xFFFFE000  }
.Ltmp7:
0xfc: {  	_ =	swait.ge [sflag:s30], $0x1400;
	(pc) =	sbr.rel @!p1 .LBB2_17-.Ltmp7, $4  }
0xfd: {  	[sflag:s30] =	ssyncset.done $0x0  }
0xfe: {  	[sflag:s30] =	ssyncadd.s32 $0xFFFFEC00  }
0xff: {  	[bflag:$0x0] =	sbarrier.arrive $0xFFFF  }
0x100: {  	s10 =	simm.s32 $0x400  }
.LBB2_16:
.Ltmp8:
0x101: {  	(pc) =	sbr.rel .LBB2_17-.Ltmp8, $4  }
0x102: {  	s0 =	sadd.s32 $0xA000, s10  }
0x103: {  	[tilespmem:s19], [sflag:$0x1] =	stream.indirect.gather [spmem:s3], $0x40, s0, s17, $0xb8;
	[tilespmem:$0x14900] =	vst v63  }
0x104: {  	s16 =	sadd.s32 $0xB400, s10  }
0x105: {  	[tilespmem:s21], [sflag:$0x3] =	stream.indirect.gather [spmem:s3], $0x40, s16, s17, $0xb8;
	[tilespmem:$0x14900] =	vst v63  }
.LBB2_12:
0x106: {  	p2 =	slt.s32 s11, s8  }
.Ltmp9:
0x107: {  	_ = 	snop;
	(pc) =	sbr.rel @!p2 .LBB2_17-.Ltmp9, $1  }
0x108: {  	_ =	sdelay $0x3  }
0x109: {  	p2 =	sgt.s32 s10, $0x5  }
.Ltmp10:
0x10a: {  	_ = 	snop;
	(pc) =	sbr.rel @p2 .LBB2_16-.Ltmp10, $2  }
0x10b: {  	_ =	sdelay $0x2  }
0x10c: {  	s10 =	sshll.u32 s11, $0x7  }
0x10d: {  	s0 =	sadd.s32 $0xA000, s10  }
0x10e: {  	[tilespmem:s19], [sflag:$0x1] =	stream.indirect.gather [hbm4b:s6+s17], $0x40, s0, s17, $0xb8;
	[tilespmem:$0x14900] =	vst v63  }
0x10f: {  	s16 =	sadd.s32 $0xB400, s10  }
0x110: {  	[tilespmem:s21], [sflag:$0x3] =	stream.indirect.gather [hbm4b:s6+s17], $0x40, s16, s17, $0xb8;
	[tilespmem:$0x14900] =	vst v63  }
.LBB2_17:
0x111: {  	p2 =	seq.s32 s20, $0x0  }
0x112: {  	s0 =	simm.s32 @!p2 $0x6  }
0x113: {  	_ =	swait.ge @!p2 [sflag:s0], $0x80  }
0x114: {  	[sflag:s0] =	ssyncset.done @!p2 $0x0  }
0x115: {  	s10 =	simm.s32 $0x0;
	[sflag:s0] =	ssyncadd.s32 @!p2 $0xFFFFFF80  }
.LBB2_18:
0x116: {  	v2 =	vld [tilespmem:$0x1FFE0];
	_ =	sdelay $0x1  }
0x117: {  	s11 =	sshll.u32 s10, $0x4  }
0x118: {  	s13 =	simm.s32 $0x6;
	v1 =	vmov s11  }
0x119: {  	s14 =	simm.s32 $0xD;
	v6 =	vadd.s32 s13, v0;
	v1 =	vshll.u32 v1, $0x6  }
0x11a: {  	v7 =	vadd.s32 s14, v0;
	s14 =	simm.s32 $0x3;
	v6 =	vand.u32 $0x3F, v6;
	v3 =	vor.u32 v2, v1  }
0x11b: {  	s15 =	simm.s32 $0x5;
	v19 =	vadd.s32 s14, v0;
	v11 =	vor.u32 v3, v6  }
0x11c: {  	v9 =	vadd.s32 s15, v0;
	s15 =	simm.s32 $0xA;
	v19 =	vand.u32 $0x3F, v19  }
0x11d: {  	s13 =	simm.s32 $0xB;
	v20 =	vadd.s32 s15, v0;
	v19 =	vor.u32 v3, v19  }
0x11e: {  	v14 =	vadd.s32 s13, v0;
	s13 =	simm.s32 $0x2;
	v20 =	vand.u32 $0x3F, v20  }
0x11f: {  	v21 =	vadd.s32 s13, v0;
	v20 =	vor.u32 v3, v20  }
0x120: {  	s14 =	simm.s32 $0x1;
	v21 =	vand.u32 $0x3F, v21;
	v10 =	vld.idx.msk [tilespmem:v11+s24+$0x0], $0xffff  }
0x121: {  	v24 =	vadd.s32 s14, v0;
	v21 =	vor.u32 v3, v21;
	v11 =	vld.idx.msk [tilespmem:v11+s25+$0x0], $0xffff  }
0x122: {  	s15 =	simm.s32 $0x9;
	v24 =	vand.u32 $0x3F, v24;
	v30 =	vld.idx.msk [tilespmem:v19+s24+$0x0], $0xffff  }
0x123: {  	s12 =	simm.s32 $0x7;
	v25 =	vadd.s32 s15, v0;
	v24 =	vor.u32 v3, v24;
	v19 =	vld.idx.msk [tilespmem:v19+s25+$0x0], $0xffff  }
0x124: {  	v25 =	vand.u32 $0x3F, v25;
	v2 =	vadd.s32 s12, v0;
	v33 =	vld.idx.msk [tilespmem:v20+s24+$0x0], $0xffff  }
0x125: {  	s12 =	simm.s32 $0xE;
	v2 =	vand.u32 $0x3F, v2;
	v25 =	vor.u32 v3, v25;
	v20 =	vld.idx.msk [tilespmem:v20+s25+$0x0], $0xffff  }
0x126: {  	v5 =	vadd.s32 s12, v0;
	v2 =	vor.u32 v3, v2;
	v38 =	vld.idx.msk [tilespmem:v21+s24+$0x0], $0xffff  }
0x127: {  	v5 =	vand.u32 $0x3F, v5;
	v21 =	vld.idx.msk [tilespmem:v21+s25+$0x0], $0xffff  }
0x128: {  	v5 =	vor.u32 v3, v5;
	v57 =	vld.idx.msk [tilespmem:v24+s24+$0x0], $0xffff  }
0x129: {  	v24 =	vld.idx.msk [tilespmem:v24+s25+$0x0], $0xffff  }
0x12a: {  	v59 =	vld.idx.msk [tilespmem:v25+s24+$0x0], $0xffff  }
0x12b: {  	s0 =	simm.s32 $0x0;
	s16 =	simm.s32 $0xC;
	v4 =	vor.u32 v0, v3;
	v6 =	vld.idx.msk [tilespmem:v2+s24+$0x0], $0xffff  }
0x12c: {  	v12 =	vadd.s32 s16, v0;
	s16 =	simm.s32 $0x8;
	v8 =	vand.u32 $0x3F, v7;
	v1 =	vor.u32 s0, v4;
	v7 =	vld.idx.msk [tilespmem:v2+s25+$0x0], $0xffff  }
0x12d: {  	v9 =	vand.u32 $0x3F, v9;
	v23 =	vadd.s32 s16, v0;
	s12 =	simm.s32 $0x4;
	v2 =	vor.u32 v3, v8;
	v8 =	vld.idx.msk [tilespmem:v5+s24+$0x0], $0xffff  }
0x12e: {  	v15 =	vor.u32 v3, v9;
	v9 =	vld.idx.msk [tilespmem:v5+s25+$0x0], $0xffff;
	v5 =	vand.u32 $0x3F, v12;
	v12 =	vadd.s32 s12, v0  }
0x12f: {  	v23 =	vand.u32 $0x38, v23;
	v25 =	vld.idx.msk [tilespmem:v25+s25+$0x0], $0xffff;
	v17 =	vor.u32 v3, v5;
	v5 =	vand.u32 $0x3F, v12  }
0x130: {  	v18 =	vor.u32 v3, v5;
	v32 =	vunpack.i.l.e4m3.bf16 v10;
	v35 =	vunpack.i.l.e4m3.bf16 v11  }
0x131: {  	v16 =	vld.idx.msk [tilespmem:v1+s24+$0x0], $0xffff;
	v47 =	vunpack.i.l.e4m3.bf16 v30;
	v56 =	vunpack.i.l.e4m3.bf16 v19;
	v58 =	vunpack.i.l.e4m3.bf16 v33  }
0x132: {  	v1 =	vld.idx.msk [tilespmem:v1+s25+$0x0], $0xffff;
	v60 =	vunpack.i.l.e4m3.bf16 v20;
	v61 =	vunpack.i.l.e4m3.bf16 v38;
	v62 =	vunpack.i.l.e4m3.bf16 v21  }
0x133: {  	v49 =	vunpack.i.l.e4m3.bf16 v57;
	v50 =	vunpack.i.l.e4m3.bf16 v24;
	v51 =	vunpack.i.u.e4m3.bf16 v59  }
0x134: {  	v24 =	vunpack.i.u.e4m3.bf16 v24;
	v52 =	vunpack.i.u.e4m3.bf16 v25;
	v25 =	vunpack.i.l.e4m3.bf16 v25  }
0x135: {  	v21 =	vunpack.i.u.e4m3.bf16 v21;
	v20 =	vunpack.i.u.e4m3.bf16 v20;
	v19 =	vunpack.i.u.e4m3.bf16 v19;
	v12 =	vld.idx.msk [tilespmem:v2+s24+$0x0], $0xffff  }
0x136: {  	v10 =	vunpack.i.u.e4m3.bf16 v10;
	v11 =	vunpack.i.u.e4m3.bf16 v11;
	v13 =	vld.idx.msk [tilespmem:v2+s25+$0x0], $0xffff;
	v2 =	vand.u32 $0x3F, v14  }
0x137: {  	v28 =	vunpack.i.u.e4m3.bf16 v16;
	v16 =	vunpack.i.l.e4m3.bf16 v16;
	v29 =	vunpack.i.u.e4m3.bf16 v1  }
0x138: {  	v5 =	vld [tilespmem:$0x1FFF0];
	v1 =	vunpack.i.l.e4m3.bf16 v1;
	v53 =	vunpack.i.l.e4m3.bf16 v6;
	v54 =	vunpack.i.l.e4m3.bf16 v7  }
0x139: {  	v32 =	vmul.bf16 v35, v32;
	v35 =	vmul.bf16 v56, v47;
	v56 =	vunpack.i.u.e4m3.bf16 v30  }
0x13a: {  	v10 =	vmul.bf16 v11, v10;
	v6 =	vunpack.i.u.e4m3.bf16 v6;
	v7 =	vunpack.i.u.e4m3.bf16 v7  }
0x13b: {  	v2 =	vor.u32 v3, v2;
	v1 =	vmul.bf16 v1, v16;
	v16 =	vmul.bf16 v29, v28  }
0x13c: {  	v14 =	vld.idx.msk [tilespmem:v15+s24+$0x0], $0xffff;
	v31 =	vunpack.i.l.e4m3.bf16 v8;
	v34 =	vunpack.i.l.e4m3.bf16 v9;
	v28 =	vmul.bf16 v54, v53  }
0x13d: {  	v15 =	vld.idx.msk [tilespmem:v15+s25+$0x0], $0xffff;
	v53 =	vunpack.i.u.e4m3.bf16 v38;
	v54 =	vunpack.i.u.e4m3.bf16 v33;
	v5 =	vor.u32 v5, v3  }
0x13e: {  	v19 =	vmul.bf16 v19, v56;
	v8 =	vunpack.i.u.e4m3.bf16 v8;
	v23 =	vor.u32 v23, v5  }
0x13f: {  	v22 =	vld.idx.msk [tilespmem:v17+s24+$0x0], $0xffff;
	v31 =	vmul.bf16 v34, v31;
	v34 =	vunpack.i.u.e4m3.bf16 v57;
	v21 =	vmul.bf16 v21, v53  }
0x140: {  	v9 =	vunpack.i.u.e4m3.bf16 v9;
	v17 =	vld.idx.msk [tilespmem:v17+s25+$0x0], $0xffff;
	v20 =	vmul.bf16 v20, v54;
	v24 =	vmul.bf16 v24, v34  }
0x141: {  	v26 =	vld.idx.msk [tilespmem:v18+s24+$0x0], $0xffff;
	v34 =	vmul.bf16 v52, v51;
	v36 =	vunpack.i.l.e4m3.bf16 v12;
	v37 =	vunpack.i.l.e4m3.bf16 v13  }
0x142: {  	v18 =	vld.idx.msk [tilespmem:v18+s25+$0x0], $0xffff;
	v39 =	vunpack.i.l.e4m3.bf16 v14;
	v40 =	vunpack.i.l.e4m3.bf16 v15;
	v16 =	vadd.bf16 v24, v16  }
0x143: {  	v14 =	vunpack.i.u.e4m3.bf16 v14;
	v15 =	vunpack.i.u.e4m3.bf16 v15;
	v12 =	vunpack.i.u.e4m3.bf16 v12;
	v44 =	vld.idx.msk [tilespmem:v23+s24+$0x0], $0xffff  }
0x144: {  	v13 =	vunpack.i.u.e4m3.bf16 v13;
	v39 =	vmul.bf16 v40, v39;
	v36 =	vmul.bf16 v37, v36;
	v23 =	vld.idx.msk [tilespmem:v23+s25+$0x0], $0xffff  }
0x145: {  	v40 =	vmul.bf16 v60, v58;
	v14 =	vmul.bf16 v15, v14;
	v41 =	vunpack.i.l.e4m3.bf16 v22  }
0x146: {  	v27 =	vld.idx.msk [tilespmem:v2+s24+$0x0], $0xffff;
	v42 =	vunpack.i.l.e4m3.bf16 v17;
	v16 =	vadd.bf16 v21, v16;
	v43 =	vunpack.i.l.e4m3.bf16 v26  }
0x147: {  	v2 =	vld.idx.msk [tilespmem:v2+s25+$0x0], $0xffff;
	v45 =	vunpack.i.l.e4m3.bf16 v18;
	v41 =	vmul.bf16 v42, v41;
	v42 =	vmul.bf16 v62, v61  }
0x148: {  	v37 =	vmul.bf16 v45, v43;
	v43 =	vunpack.i.l.e4m3.bf16 v59;
	v63 =	vunpack.i.u.e4m3.bf16 v44  }
0x149: {  	v44 =	vunpack.i.l.e4m3.bf16 v44;
	v48 =	vunpack.i.u.e4m3.bf16 v23;
	v23 =	vunpack.i.l.e4m3.bf16 v23  }
0x14a: {  	s16 =	simm.s32 $0xF;
	v60 =	vunpack.i.u.e4m3.bf16 v26;
	v25 =	vmul.bf16 v25, v43;
	v23 =	vmul.bf16 v23, v44  }
0x14b: {  	v18 =	vunpack.i.u.e4m3.bf16 v18;
	v59 =	vadd.s32 s16, v0;
	v46 =	vunpack.i.l.e4m3.bf16 v27  }
0x14c: {  	v55 =	vunpack.i.l.e4m3.bf16 v2;
	v44 =	vmul.bf16 v50, v49;
	v23 =	vadd.bf16 v25, v23  }
0x14d: {  	v16 =	vadd.bf16 v19, v16;
	v29 =	vmul.bf16 v55, v46;
	v46 =	vmul.bf16 v48, v63  }
0x14e: {  	v1 =	vadd.bf16 v44, v1;
	v57 =	vadd.bf16 v40, v23;
	v23 =	vand.u32 $0x3F, v59  }
0x14f: {  	v18 =	vmul.bf16 v18, v60;
	v55 =	vadd.bf16 v34, v46;
	v61 =	vor.u32 v3, v23  }
0x150: {  	v58 =	vunpack.i.u.e4m3.bf16 v27;
	v2 =	vunpack.i.u.e4m3.bf16 v2;
	v1 =	vadd.bf16 v42, v1  }
0x151: {  	v22 =	vunpack.i.u.e4m3.bf16 v22;
	v2 =	vmul.bf16 v2, v58;
	v20 =	vadd.bf16 v20, v55  }
0x152: {  	v17 =	vunpack.i.u.e4m3.bf16 v17;
	v16 =	vadd.bf16 v18, v16;
	v1 =	vadd.bf16 v35, v1  }
0x153: {  	v17 =	vmul.bf16 v17, v22;
	v21 =	vadd.bf16 v29, v57;
	v2 =	vadd.bf16 v2, v20  }
0x154: {  	v12 =	vmul.bf16 v13, v12;
	v13 =	vadd.bf16 v14, v16;
	v1 =	vadd.bf16 v37, v1;
	v62 =	vld.idx.msk [tilespmem:v61+s24+$0x0], $0xffff  }
0x155: {  	v6 =	vmul.bf16 v7, v6;
	v15 =	vadd.bf16 v41, v21;
	v2 =	vadd.bf16 v17, v2;
	v63 =	vld.idx.msk [tilespmem:v61+s25+$0x0], $0xffff  }
0x156: {  	v8 =	vmul.bf16 v9, v8;
	v9 =	vadd.bf16 v10, v13;
	v1 =	vadd.bf16 v39, v1  }
0x157: {  	v11 =	vadd.bf16 v36, v15;
	v2 =	vadd.bf16 v12, v2  }
0x158: {  	v14 =	vadd.bf16 v6, v9;
	v1 =	vadd.bf16 v32, v1  }
0x159: {  	v13 =	vadd.bf16 v31, v11;
	v12 =	vadd.bf16 v8, v2  }
0x15a: {  	v7 =	vunpack.i.l.e4m3.bf16 v62;
	v10 =	vunpack.i.l.e4m3.bf16 v63;
	v2 =	vunpack.i.u.e4m3.bf16 v63  }
0x15b: {  	v11 =	vmul.bf16 v10, v7;
	v10 =	vadd.bf16 v28, v1;
	v1 =	vunpack.i.u.e4m3.bf16 v62  }
0x15c: {  	s13 =	simm.s32 $0x1F;
	s12 =	simm.s32 $0x0;
	v6 =	vimm.f32 $0.0e+00;
	v7 =	vimm.f32 $0.0e+00;
	v8 =	vmul.bf16 v2, v1  }
.LBB2_19:
0x15d: {  	v1 =	vadd.s32 s13, v0;
	v2 =	vadd.bf16 v11, v13  }
0x15e: {  	s0 =	sadd.s32 $0xFFFFFFF1, s13;
	s14 =	sadd.s32 $0xFFFFFFF8, s13;
	s15 =	sadd.s32 $0xFFFFFFFF, s13;
	v1 =	vand.u32 $0x3F, v1;
	v9 =	vadd.bf16 v10, v14;
	v8 =	vadd.bf16 v8, v12  }
0x15f: {  	v10 =	vor.u32 s0, v4;
	v11 =	vadd.s32 s14, v0;
	v12 =	vadd.s32 s15, v0  }
0x160: {  	v13 =	vunpack.i.u.bf16.f32 v9;
	v9 =	vunpack.i.l.bf16.f32 v9;
	v2 =	vadd.bf16 v2, v8  }
0x161: {  	v1 =	vor.u32 v3, v1;
	v6 =	vadd.f32 v9, v6;
	v7 =	vadd.f32 v13, v7  }
0x162: {  	v8 =	vand.u32 $0x3F, v11;
	v9 =	vunpack.i.u.bf16.f32 v2;
	v2 =	vunpack.i.l.bf16.f32 v2  }
0x163: {  	v8 =	vor.u32 v3, v8;
	v6 =	vadd.f32 v2, v6;
	v7 =	vadd.f32 v9, v7  }
0x164: {  	s0 =	sadd.s32 $0xFFFFFFF7, s13;
	v9 =	vand.u32 $0x3F, v12;
	v2 =	vld.idx.msk [tilespmem:v10+s24+$0x0], $0xffff  }
0x165: {  	v11 =	vadd.s32 s0, v0;
	v9 =	vor.u32 v3, v9;
	v10 =	vld.idx.msk [tilespmem:v10+s25+$0x0], $0xffff  }
0x166: {  	s0 =	sadd.s32 $0xFFFFFFFE, s13;
	v11 =	vand.u32 $0x3F, v11;
	v12 =	vld.idx.msk [tilespmem:v1+s24+$0x0], $0xffff  }
0x167: {  	v13 =	vadd.s32 s0, v0;
	v11 =	vor.u32 v3, v11;
	v1 =	vld.idx.msk [tilespmem:v1+s25+$0x0], $0xffff  }
0x168: {  	s14 =	sadd.s32 $0xFFFFFFFD, s13;
	s0 =	sadd.s32 $0xFFFFFFF6, s13;
	v13 =	vand.u32 $0x3F, v13;
	v14 =	vld.idx.msk [tilespmem:v8+s24+$0x0], $0xffff  }
0x169: {  	s15 =	sadd.s32 $0xFFFFFFF5, s13;
	v15 =	vadd.s32 s0, v0;
	s0 =	sadd.s32 $0xFFFFFFFC, s13;
	v13 =	vor.u32 v3, v13;
	v16 =	vld.idx.msk [tilespmem:v8+s25+$0x0], $0xffff;
	v8 =	vadd.s32 s14, v0  }
0x16a: {  	v17 =	vadd.s32 s15, v0;
	s15 =	sadd.s32 $0xFFFFFFFB, s13;
	v15 =	vand.u32 $0x3F, v15;
	v18 =	vadd.s32 s0, v0;
	s14 =	sadd.s32 $0xFFFFFFF4, s13;
	v19 =	vld.idx.msk [tilespmem:v9+s24+$0x0], $0xffff  }
0x16b: {  	v21 =	vadd.s32 s15, v0;
	s0 =	sadd.s32 $0xFFFFFFF3, s13;
	v15 =	vor.u32 v3, v15;
	v20 =	vadd.s32 s14, v0;
	s14 =	sadd.s32 $0xFFFFFFF9, s13;
	v22 =	vld.idx.msk [tilespmem:v9+s25+$0x0], $0xffff  }
0x16c: {  	s15 =	sadd.s32 $0xFFFFFFF2, s13;
	v8 =	vand.u32 $0x3F, v8;
	v9 =	vadd.s32 s0, v0;
	v24 =	vadd.s32 s14, v0;
	s0 =	sadd.s32 $0xFFFFFFFA, s13;
	v23 =	vld.idx.msk [tilespmem:v11+s24+$0x0], $0xffff  }
0x16d: {  	v25 =	vadd.s32 s15, v0;
	v8 =	vor.u32 v3, v8;
	v26 =	vld.idx.msk [tilespmem:v11+s25+$0x0], $0xffff;
	v11 =	vadd.s32 s0, v0  }
0x16e: {  	v17 =	vand.u32 $0x3F, v17;
	v18 =	vand.u32 $0x3F, v18;
	v20 =	vand.u32 $0x3F, v20;
	v27 =	vld.idx.msk [tilespmem:v13+s24+$0x0], $0xffff  }
0x16f: {  	v17 =	vor.u32 v3, v17;
	v21 =	vand.u32 $0x3F, v21;
	v9 =	vand.u32 $0x3F, v9;
	v28 =	vld.idx.msk [tilespmem:v13+s25+$0x0], $0xffff  }
0x170: {  	v24 =	vand.u32 $0x38, v24;
	v11 =	vand.u32 $0x3F, v11;
	v13 =	vand.u32 $0x3F, v25;
	v25 =	vld.idx.msk [tilespmem:v15+s24+$0x0], $0xffff  }
0x171: {  	v21 =	vor.u32 v3, v21;
	v20 =	vor.u32 v3, v20;
	v29 =	vld.idx.msk [tilespmem:v15+s25+$0x0], $0xffff;
	v15 =	vor.u32 v3, v18  }
0x172: {  	v24 =	vor.u32 v24, v5;
	v30 =	vor.u32 v3, v11;
	v18 =	vor.u32 v3, v9;
	v31 =	vld.idx.msk [tilespmem:v8+s24+$0x0], $0xffff  }
0x173: {  	v32 =	vunpack.i.u.e4m3.bf16 v2;
	v2 =	vunpack.i.l.e4m3.bf16 v2;
	v33 =	vor.u32 v3, v13;
	v34 =	vld.idx.msk [tilespmem:v8+s25+$0x0], $0xffff  }
0x174: {  	v35 =	vunpack.i.l.e4m3.bf16 v10;
	v13 =	vunpack.i.u.e4m3.bf16 v10;
	v8 =	vunpack.i.u.e4m3.bf16 v12;
	v36 =	vld.idx.msk [tilespmem:v17+s24+$0x0], $0xffff  }
0x175: {  	v11 =	vunpack.i.l.e4m3.bf16 v1;
	v10 =	vunpack.i.l.e4m3.bf16 v12;
	v9 =	vunpack.i.u.e4m3.bf16 v1;
	v37 =	vld.idx.msk [tilespmem:v17+s25+$0x0], $0xffff  }
0x176: {  	v1 =	vmul.bf16 v35, v2;
	v2 =	vmul.bf16 v13, v32;
	v12 =	vunpack.i.u.e4m3.bf16 v14;
	v32 =	vld.idx.msk [tilespmem:v15+s24+$0x0], $0xffff  }
0x177: {  	v38 =	vunpack.i.l.e4m3.bf16 v16;
	v35 =	vunpack.i.l.e4m3.bf16 v14;
	v13 =	vunpack.i.u.e4m3.bf16 v16;
	v39 =	vld.idx.msk [tilespmem:v15+s25+$0x0], $0xffff  }
0x178: {  	v14 =	vunpack.i.u.e4m3.bf16 v19;
	v19 =	vunpack.i.l.e4m3.bf16 v19;
	v15 =	vunpack.i.u.e4m3.bf16 v22;
	v40 =	vld.idx.msk [tilespmem:v20+s24+$0x0], $0xffff  }
0x179: {  	v16 =	vunpack.i.u.e4m3.bf16 v23;
	v23 =	vunpack.i.l.e4m3.bf16 v23;
	v22 =	vunpack.i.l.e4m3.bf16 v22;
	v20 =	vld.idx.msk [tilespmem:v20+s25+$0x0], $0xffff  }
0x17a: {  	v42 =	vunpack.i.u.e4m3.bf16 v27;
	v17 =	vunpack.i.u.e4m3.bf16 v26;
	v26 =	vunpack.i.l.e4m3.bf16 v26;
	v41 =	vld.idx.msk [tilespmem:v21+s24+$0x0], $0xffff  }
0x17b: {  	v27 =	vunpack.i.l.e4m3.bf16 v27;
	v43 =	vunpack.i.u.e4m3.bf16 v28;
	v28 =	vunpack.i.l.e4m3.bf16 v28;
	v21 =	vld.idx.msk [tilespmem:v21+s25+$0x0], $0xffff  }
0x17c: {  	v45 =	vunpack.i.u.e4m3.bf16 v25;
	v25 =	vunpack.i.l.e4m3.bf16 v25;
	v46 =	vunpack.i.u.e4m3.bf16 v29;
	v44 =	vld.idx.msk [tilespmem:v18+s24+$0x0], $0xffff  }
0x17d: {  	v29 =	vunpack.i.l.e4m3.bf16 v29;
	v47 =	vunpack.i.u.e4m3.bf16 v31;
	v31 =	vunpack.i.l.e4m3.bf16 v31;
	v18 =	vld.idx.msk [tilespmem:v18+s25+$0x0], $0xffff  }
0x17e: {  	s12 =	sadd.s32 $0x2, s12;
	v50 =	vunpack.i.u.e4m3.bf16 v34;
	v34 =	vunpack.i.l.e4m3.bf16 v34;
	v48 =	vunpack.i.u.e4m3.bf16 v36;
	v49 =	vld.idx.msk [tilespmem:v24+s24+$0x0], $0xffff  }
0x17f: {  	p2 =	slt.u32 s12, $0x6;
	v36 =	vunpack.i.l.e4m3.bf16 v36;
	v51 =	vunpack.i.u.e4m3.bf16 v37;
	v37 =	vunpack.i.l.e4m3.bf16 v37;
	v24 =	vld.idx.msk [tilespmem:v24+s25+$0x0], $0xffff  }
0x180: {  	v53 =	vunpack.i.u.e4m3.bf16 v32;
	v32 =	vunpack.i.l.e4m3.bf16 v32;
	v54 =	vunpack.i.u.e4m3.bf16 v39;
	v52 =	vld.idx.msk [tilespmem:v30+s24+$0x0], $0xffff  }
0x181: {  	v39 =	vunpack.i.l.e4m3.bf16 v39;
	v55 =	vunpack.i.u.e4m3.bf16 v40;
	v40 =	vunpack.i.l.e4m3.bf16 v40  }
0x182: {  	v56 =	vunpack.i.u.e4m3.bf16 v20;
	v20 =	vunpack.i.l.e4m3.bf16 v20;
	v57 =	vunpack.i.u.e4m3.bf16 v41;
	v30 =	vld.idx.msk [tilespmem:v30+s25+$0x0], $0xffff  }
0x183: {  	v41 =	vunpack.i.l.e4m3.bf16 v41;
	v59 =	vunpack.i.u.e4m3.bf16 v21;
	v21 =	vunpack.i.l.e4m3.bf16 v21;
	v58 =	vld.idx.msk [tilespmem:v33+s24+$0x0], $0xffff  }
0x184: {  	v60 =	vunpack.i.u.e4m3.bf16 v44;
	v44 =	vunpack.i.l.e4m3.bf16 v44;
	v61 =	vunpack.i.l.e4m3.bf16 v18  }
0x185: {  	v62 =	vunpack.i.u.e4m3.bf16 v49;
	v49 =	vunpack.i.l.e4m3.bf16 v49;
	v63 =	vunpack.i.u.e4m3.bf16 v24;
	v33 =	vld.idx.msk [tilespmem:v33+s25+$0x0], $0xffff  }
0x186: {  	v35 =	vmul.bf16 v38, v35;
	v24 =	vunpack.i.l.e4m3.bf16 v24;
	v38 =	vunpack.i.u.e4m3.bf16 v52  }
0x187: {  	v23 =	vmul.bf16 v26, v23;
	v19 =	vmul.bf16 v22, v19;
	v26 =	vunpack.i.l.e4m3.bf16 v52  }
0x188: {  	v27 =	vmul.bf16 v28, v27;
	v22 =	vmul.bf16 v29, v25;
	v25 =	vunpack.i.u.e4m3.bf16 v30  }
0x189: {  	v31 =	vmul.bf16 v34, v31;
	v29 =	vmul.bf16 v37, v36;
	v28 =	vunpack.i.u.e4m3.bf16 v58  }
0x18a: {  	v32 =	vmul.bf16 v39, v32;
	v20 =	vmul.bf16 v20, v40;
	v34 =	vunpack.i.l.e4m3.bf16 v58  }
0x18b: {  	v21 =	vmul.bf16 v21, v41;
	v37 =	vmul.bf16 v61, v44;
	v36 =	vunpack.i.u.e4m3.bf16 v33  }
0x18c: {  	v24 =	vmul.bf16 v24, v49;
	v39 =	vmul.bf16 v63, v62;
	v33 =	vunpack.i.l.e4m3.bf16 v33  }
0x18d: {  	v30 =	vunpack.i.l.e4m3.bf16 v30;
	v33 =	vmul.bf16 v33, v34;
	v28 =	vmul.bf16 v36, v28  }
0x18e: {  	v18 =	vunpack.i.u.e4m3.bf16 v18;
	v26 =	vmul.bf16 v30, v26;
	v25 =	vmul.bf16 v25, v38  }
0x18f: {  	v18 =	vmul.bf16 v18, v60;
	v1 =	vadd.bf16 v33, v1;
	v2 =	vadd.bf16 v28, v2  }
0x190: {  	v24 =	vadd.bf16 v26, v24;
	v25 =	vadd.bf16 v25, v39;
	v26 =	vmul.bf16 v59, v57  }
0x191: {  	v1 =	vadd.bf16 v37, v1;
	v2 =	vadd.bf16 v18, v2;
	v18 =	vmul.bf16 v56, v55  }
0x192: {  	v21 =	vadd.bf16 v21, v24;
	v24 =	vadd.bf16 v26, v25;
	v25 =	vmul.bf16 v54, v53  }
0x193: {  	v1 =	vadd.bf16 v20, v1;
	v2 =	vadd.bf16 v18, v2;
	v18 =	vmul.bf16 v51, v48  }
0x194: {  	v20 =	vadd.bf16 v32, v21;
	v21 =	vadd.bf16 v25, v24;
	v24 =	vmul.bf16 v50, v47  }
0x195: {  	v1 =	vadd.bf16 v29, v1;
	v2 =	vadd.bf16 v18, v2;
	v18 =	vmul.bf16 v46, v45  }
0x196: {  	v20 =	vadd.bf16 v31, v20;
	v21 =	vadd.bf16 v24, v21;
	v24 =	vmul.bf16 v43, v42  }
.Ltmp11:
0x197: {  	v16 =	vmul.bf16 v17, v16;
	v1 =	vadd.bf16 v22, v1;
	v2 =	vadd.bf16 v18, v2;
	(pc) =	sbr.rel @p2 .LBB2_19-.Ltmp11, $4  }
0x198: {  	v14 =	vmul.bf16 v15, v14;
	v17 =	vadd.bf16 v27, v20;
	v18 =	vadd.bf16 v24, v21  }
0x199: {  	v15 =	vmul.bf16 v13, v12;
	v1 =	vadd.bf16 v23, v1;
	v2 =	vadd.bf16 v16, v2  }
0x19a: {  	v11 =	vmul.bf16 v11, v10;
	v13 =	vadd.bf16 v19, v17;
	v12 =	vadd.bf16 v14, v18  }
0x19b: {  	s13 =	sadd.s32 $0x10, s13;
	v8 =	vmul.bf16 v9, v8;
	v10 =	vadd.bf16 v35, v1;
	v14 =	vadd.bf16 v15, v2  }
0x19c: {  	v1 =	vadd.bf16 v11, v13  }
0x19d: {  	v2 =	vadd.bf16 v10, v14;
	v3 =	vadd.bf16 v8, v12;
	_ =	sdelay $0x1  }
0x19e: {  	v4 =	vunpack.i.u.bf16.f32 v2;
	v2 =	vunpack.i.l.bf16.f32 v2;
	v1 =	vadd.bf16 v1, v3  }
0x19f: {  	v2 =	vadd.f32 v2, v6;
	v3 =	vadd.f32 v4, v7  }
0x1a0: {  	v62 =	vunpack.i.u.bf16.f32 v1;
	v1 =	vunpack.i.l.bf16.f32 v1  }
0x1a1: {  	v1 =	vadd.f32 v1, v2;
	v2 =	vadd.f32 v62, v3;
	_ =	sdelay $0x1  }
0x1a2: {  	v1 =	vadd.f32 v2, v1;
	_ =	sdelay $0x1  }
0x1a3: {  	v1 =	vadd.f32 v1, v1;
	_ =	sdelay $0x1  }
0x1a4: {  	v1 =	vsub.f32 $2.000000000e+00, v1;
	_ =	sdelay $0x1  }
0x1a5: {  	v1 =	vmax.f32 v1, $0.0e+00  }
0x1a6: {  	v2 =	vshra.s32 v1, $0x1;
	v3 =	vmul.f32 $5.000000000e-01, v1  }
0x1a7: {  	v2 =	vsub.s32 $0x5F3759DF, v2  }
0x1a8: {  	v63 =	vmul.f32 v2, v3;
	_ =	sdelay $0x1  }
0x1a9: {  	v4 =	vmul.f32 v2, v63;
	_ =	sdelay $0x1  }
0x1aa: {  	v4 =	vsub.f32 $1.500000000e+00, v4;
	_ =	sdelay $0x1  }
0x1ab: {  	v2 =	vmul.f32 v2, v4;
	_ =	sdelay $0x1  }
0x1ac: {  	v4 =	vmul.f32 v2, v3;
	_ =	sdelay $0x1  }
0x1ad: {  	v4 =	vmul.f32 v4, v2;
	_ =	sdelay $0x1  }
0x1ae: {  	v4 =	vsub.f32 $1.500000000e+00, v4;
	_ =	sdelay $0x1  }
0x1af: {  	v2 =	vmul.f32 v4, v2;
	_ =	sdelay $0x1  }
0x1b0: {  	v3 =	vmul.f32 v2, v3;
	_ =	sdelay $0x1  }
0x1b1: {  	v3 =	vmul.f32 v3, v2;
	_ =	sdelay $0x1  }
0x1b2: {  	v3 =	vsub.f32 $1.500000000e+00, v3;
	_ =	sdelay $0x1  }
0x1b3: {  	v2 =	vmul.f32 v3, v2;
	_ =	sdelay $0x1  }
0x1b4: {  	v1 =	vmul.f32 v2, v1;
	_ =	sdelay $0x1  }
0x1b5: {  	v1 =	vadd.f32 $-1.000000000e+00, v1;
	_ =	sdelay $0x1  }
0x1b6: {  	v1 =	vmul.f32 $1.442695020e+00, v1;
	_ =	sdelay $0x1  }
0x1b7: {  	(erf) = vpow2.f32 v1;
	_ =	sdelay $0x8  }
0x1b8: {  	v1 =	vpop (erf)  }
0x1b9: {  	v1 =	vadd.f32 $1.000000000e+00, v1;
	_ =	sdelay $0x1  }
0x1ba: {  	(erf) = vrcp.f32 v1;
	_ =	sdelay $0x3  }
0x1bb: {  	s10 =	sadd.s32 $0x1, s10  }
0x1bc: {  	p2 =	sne.s32 s10, $0x8  }
.Ltmp12:
0x1bd: {  	_ = 	snop;
	(pc) =	sbr.rel @p2 .LBB2_18-.Ltmp12, $3  }
0x1be: {  	_ =	sdelay $0x1  }
0x1bf: {  	v1 =	vpop (erf)  }
0x1c0: {  	[tilespmem:s11+$0x14880] =	vst v1  }
0x1c1: {  	s20 =	sadd.s32 $0x1, s20  }
0x1c2: {  	p2 =	slt.u32 s20, s7  }
.Ltmp13:
0x1c3: {  	_ = 	snop;
	(pc) =	sbr.rel @p2 .LBB2_2-.Ltmp13, $4  }
0x1c4: {  	s0 =	sadd.s32 s5, s9  }
0x1c5: {  	s0 =	sshrl.u32 s0, $0x3  }
0x1c6: {  	s0 =	sadd.s32 s2, s0  }
0x1c7: {  	[hbm4b:s0+s4] =	stream.linear.scatter [tilespmem:s31], [sflag:$0x6], $0x80, $0x38;
	[tilespmem:$0x14900] =	vst v63  }
0x1c8: {  	_ =	swait.ge [sflag:s1], $0x80  }
0x1c9: {  	[sflag:s1] =	ssyncset.done $0x0  }
0x1ca: {  	s9 =	simm.s32 $0x6;
	[sflag:s1] =	ssyncadd.s32 $0xFFFFFF80  }
0x1cb: {  	_ =	swait.ge [sflag:s9], $0x80  }
0x1cc: {  	s18 =	sadd.s32 $0x1, s18;
	s0 =	rddreg [dreg:$0xa]  }
0x1cd: {  	p2 =	sne.s32 s18, s0  }
.Ltmp14:
0x1ce: {  	_ = 	snop;
	(pc) =	sbr.rel @p2 .LBB2_1-.Ltmp14, $3  }
0x1cf: {  	_ =	sdelay $0x1  }
0x1d0: {  	[sflag:s9] =	ssyncset.done $0x0  }
0x1d1: {  	[sflag:s9] =	ssyncadd.s32 $0xFFFFFF80  }
0x1d2: {  	_ =	sfence.sel $0x180000  }
0x1d3: {  	[bflag:$0x0] =	sbarrier.arrive $0xFFFF  }
0x1d4: {  	_ =	strace $0x90000047  }
0x1d5: {  	s0 =	stileid.u32;
	[bflag:$0x2] =	sbarrier.arrive $0xFFFF  }
0x1d6: {  	p0 =	sne.s32 s0, $0x0;
	s0 =	rddreg [dreg:$0x3]  }
0x1d7: {  	s0 =	sadd.s32 @!p0 $0x100000, s0  }
0x1d8: {  	[sflag:s0] =	ssyncadd.tile.s32 @!p0 $0x1;
	_ =	shalt  }
.Lfunc_end2:
_tile_overlayer_lowered:
.L_overlay_start_2:
0x1d9: {  	(tag) =	ssettag $0x2  }
0x1da: {  	s0 =	rddreg [dreg:$0x0];
	s2 =	stileid.u32  }
0x1db: {  	s1 =	rddreg [dreg:$0x1];
	p0 =	sne.s32 s2, $0x0  }
0x1dc: {  	s3 =	rddreg [dreg:$0x2];
	[bflag:$0x3] =	sbarrier.arrive $0xFFFF;
	s2 =	simm.s32 @!p0 $0x1C08  }
0x1dd: {  	[timem:s3], [sflag:s2] =	dma.local @!p0 [hbm:s0], s1  }
0x1de: {  	s0 =	simm.s32 @!p0 $0x8  }
0x1df: {  	_ =	swait.ge @!p0 [sflag:s0], s1  }
0x1e0: {  	s1 =	ssub.s32 @!p0 $0x0, s1;
	[sflag:s0] =	ssyncset.done @!p0 $0x0  }
0x1e1: {  	[sflag:s0] =	ssyncadd.s32 @!p0 s1  }
0x1e2: {  	[bflag:$0x3] =	sbarrier.arrive $0xFFFF  }
0x1e3: {  	_ =	shalt  }

</sc_bundles>
